<compile_context>
chip_gen: v7x
topology: tpu7x:2x2x1
jax: 0.10.2.dev20260603
libtpu: 0.0.44.dev20260713+nightly
codegen_flags: <defaults>
</compile_context>

<pallas_src>
import functools

import jax
import jax.numpy as jnp
from jax import lax
from jax.experimental import pallas as pl
from jax.experimental.pallas import tpu as pltpu
from jax.experimental.pallas import tpu_sc as plsc

N = 10000
D = 128
E = 320000
NC = 2
NS = 16
CHUNK = 128
CH0 = 80
CH1 = 80
GRP = 40
E_PAD = NS * (CH0 + CH1) * CHUNK
NROWS = 10112
RPS = NROWS // NS

_MESH = plsc.VectorSubcoreMesh(
    core_axis_name="c", subcore_axis_name="s", num_cores=NC, num_subcores=NS
)



def _sc_degree(dst0, dst1, ones_blk, zeros_feat):

    @functools.partial(
        pl.kernel,
        out_type=(jax.ShapeDtypeStruct((NROWS, D), jnp.float32),
                  jax.ShapeDtypeStruct((NROWS, D), jnp.float32)),
        mesh=_MESH,
        scratch_types=[
            pltpu.VMEM((GRP, CHUNK), jnp.int32),
            pltpu.VMEM((CHUNK, D), jnp.float32),
            pltpu.SemaphoreType.DMA,
            pltpu.VMEM_SHARED((NROWS, D), jnp.float32),
        ],
    )
    def k(dst0_hbm, dst1_hbm, ones_hbm, zeros_hbm, out0_hbm, out1_hbm,
          idx_v, ones_v, sem_s, acc):
        cid = lax.axis_index("c")
        sid = lax.axis_index("s")
        pltpu.sync_copy(zeros_hbm.at[pl.ds(sid * RPS, RPS)],
                        acc.at[pl.ds(sid * RPS, RPS)])
        pltpu.sync_copy(ones_hbm, ones_v)
        plsc.subcore_barrier()

        def count(dst_hbm, nch):
            @pl.loop(0, nch // GRP)
            def _(g):
                pltpu.sync_copy(dst_hbm.at[sid, pl.ds(g * GRP, GRP)], idx_v)

                @pl.loop(0, GRP)
                def _(j):
                    pltpu.async_copy(ones_v, acc.at[idx_v.at[j]], sem_s,
                                     add=True)

                @pl.loop(0, GRP)
                def _(j):
                    pltpu.make_async_copy(ones_v, acc.at[idx_v.at[j]],
                                          sem_s).wait()

        @pl.when(cid == 0)
        def _():
            count(dst0_hbm, CH0)

        @pl.when(cid == 1)
        def _():
            count(dst1_hbm, CH1)

        plsc.subcore_barrier()

        @pl.when(cid == 0)
        def _():
            pltpu.sync_copy(acc.at[pl.ds(sid * RPS, RPS)],
                            out0_hbm.at[pl.ds(sid * RPS, RPS)])

        @pl.when(cid == 1)
        def _():
            pltpu.sync_copy(acc.at[pl.ds(sid * RPS, RPS)],
                            out1_hbm.at[pl.ds(sid * RPS, RPS)])

    return k(dst0, dst1, ones_blk, zeros_feat)


def _sc_aggregate(hprime, src0, dst0, src1, dst1, zeros_feat):

    @functools.partial(
        pl.kernel,
        out_type=(jax.ShapeDtypeStruct((NROWS, D), jnp.float32),
                  jax.ShapeDtypeStruct((NROWS, D), jnp.float32)),
        mesh=_MESH,
        scratch_types=[
            pltpu.VMEM((GRP, CHUNK), jnp.int32),
            pltpu.VMEM((GRP, CHUNK), jnp.int32),
            pltpu.VMEM((CHUNK, D), jnp.float32),
            pltpu.VMEM((CHUNK, D), jnp.float32),
            pltpu.SemaphoreType.DMA,
            pltpu.SemaphoreType.DMA,
            pltpu.VMEM_SHARED((NROWS, D), jnp.float32),
        ],
    )
    def k(h_hbm, src0_hbm, dst0_hbm, src1_hbm, dst1_hbm, zeros_hbm,
          out0_hbm, out1_hbm, src_v, dst_v, buf_a, buf_b,
          sem_a, sem_b, acc):
        cid = lax.axis_index("c")
        sid = lax.axis_index("s")

        @pl.when(cid == 0)
        def _():
            pltpu.sync_copy(h_hbm.at[pl.ds(sid * RPS, RPS)],
                            acc.at[pl.ds(sid * RPS, RPS)])

        @pl.when(cid != 0)
        def _():
            pltpu.sync_copy(zeros_hbm.at[pl.ds(sid * RPS, RPS)],
                            acc.at[pl.ds(sid * RPS, RPS)])

        plsc.subcore_barrier()

        def aggregate(src_hbm, dst_hbm, nch):
            @pl.loop(0, nch // GRP)
            def _(g):
                pltpu.sync_copy(src_hbm.at[sid, pl.ds(g * GRP, GRP)], src_v)
                pltpu.sync_copy(dst_hbm.at[sid, pl.ds(g * GRP, GRP)], dst_v)
                pltpu.async_copy(h_hbm.at[src_v.at[0]], buf_a, sem_a)

                @pl.loop(0, GRP, step=2)
                def _(j):
                    pltpu.async_copy(h_hbm.at[src_v.at[j + 1]], buf_b, sem_b)
                    pltpu.make_async_copy(h_hbm.at[src_v.at[j]], buf_a, sem_a).wait()
                    pltpu.sync_copy(buf_a, acc.at[dst_v.at[j]], add=True)

                    @pl.when(j + 2 < GRP)
                    def _():
                        pltpu.async_copy(h_hbm.at[src_v.at[j + 2]], buf_a, sem_a)

                    pltpu.make_async_copy(h_hbm.at[src_v.at[j + 1]], buf_b, sem_b).wait()
                    pltpu.sync_copy(buf_b, acc.at[dst_v.at[j + 1]], add=True)

        @pl.when(cid == 0)
        def _():
            aggregate(src0_hbm, dst0_hbm, CH0)

        @pl.when(cid == 1)
        def _():
            aggregate(src1_hbm, dst1_hbm, CH1)

        plsc.subcore_barrier()

        @pl.when(cid == 0)
        def _():
            pltpu.sync_copy(acc.at[pl.ds(sid * RPS, RPS)],
                            out0_hbm.at[pl.ds(sid * RPS, RPS)])

        @pl.when(cid == 1)
        def _():
            pltpu.sync_copy(acc.at[pl.ds(sid * RPS, RPS)],
                            out1_hbm.at[pl.ds(sid * RPS, RPS)])

    return k(hprime, src0, dst0, src1, dst1, zeros_feat)



_BR = 400


def _mm_body(x_ref, w_ref, o_ref):
    o_ref[...] = lax.dot_general(
        x_ref[...], w_ref[...], (((1,), (0,)), ((), ())),
        precision=lax.Precision.HIGHEST, preferred_element_type=jnp.float32)


def _tc_matmul(x, w):
    return pl.pallas_call(
        _mm_body,
        grid=(N // _BR,),
        in_specs=[pl.BlockSpec((_BR, D), lambda i: (i, 0)),
                  pl.BlockSpec((D, D), lambda i: (0, 0))],
        out_specs=pl.BlockSpec((_BR, D), lambda i: (i, 0)),
        out_shape=jax.ShapeDtypeStruct((NROWS, D), jnp.float32),
    )(x, w)


def _dsq(dp0_ref, dp1_ref):
    deg = dp0_ref[:, 0:1] + dp1_ref[:, 0:1] + 1.0
    return lax.rsqrt(deg)


def _scale_body(h_ref, dp0_ref, dp1_ref, o_ref):
    o_ref[...] = h_ref[...] * _dsq(dp0_ref, dp1_ref)


def _tc_scale(h, dp0, dp1):
    return pl.pallas_call(
        _scale_body,
        grid=(N // _BR,),
        in_specs=[pl.BlockSpec((_BR, D), lambda i: (i, 0)),
                  pl.BlockSpec((_BR, D), lambda i: (i, 0)),
                  pl.BlockSpec((_BR, D), lambda i: (i, 0))],
        out_specs=pl.BlockSpec((_BR, D), lambda i: (i, 0)),
        out_shape=jax.ShapeDtypeStruct((NROWS, D), jnp.float32),
    )(h, dp0, dp1)


def _combine1_body(p0_ref, p1_ref, dp0_ref, dp1_ref, b_ref, w_ref, o_ref):
    dsq = _dsq(dp0_ref, dp1_ref)
    h = dsq * (p0_ref[...] + p1_ref[...]) + b_ref[...]
    h = jnp.maximum(h, 0.0)
    h2 = lax.dot_general(h, w_ref[...], (((1,), (0,)), ((), ())),
                         precision=lax.Precision.HIGHEST,
                         preferred_element_type=jnp.float32)
    o_ref[...] = dsq * h2


def _tc_combine1(p0, p1, dp0, dp1, b1, w2):
    return pl.pallas_call(
        _combine1_body,
        grid=(N // _BR,),
        in_specs=[pl.BlockSpec((_BR, D), lambda i: (i, 0)),
                  pl.BlockSpec((_BR, D), lambda i: (i, 0)),
                  pl.BlockSpec((_BR, D), lambda i: (i, 0)),
                  pl.BlockSpec((_BR, D), lambda i: (i, 0)),
                  pl.BlockSpec((1, D), lambda i: (0, 0)),
                  pl.BlockSpec((D, D), lambda i: (0, 0))],
        out_specs=pl.BlockSpec((_BR, D), lambda i: (i, 0)),
        out_shape=jax.ShapeDtypeStruct((NROWS, D), jnp.float32),
    )(p0, p1, dp0, dp1, b1, w2)


def _combine2_body(q0_ref, q1_ref, dp0_ref, dp1_ref, b_ref, o_ref):
    o_ref[...] = (_dsq(dp0_ref, dp1_ref) * (q0_ref[...] + q1_ref[...])
                  + b_ref[...])


def _tc_combine2(q0, q1, dp0, dp1, b2):
    return pl.pallas_call(
        _combine2_body,
        grid=(N // _BR,),
        in_specs=[pl.BlockSpec((_BR, D), lambda i: (i, 0)),
                  pl.BlockSpec((_BR, D), lambda i: (i, 0)),
                  pl.BlockSpec((_BR, D), lambda i: (i, 0)),
                  pl.BlockSpec((_BR, D), lambda i: (i, 0)),
                  pl.BlockSpec((1, D), lambda i: (0, 0))],
        out_specs=pl.BlockSpec((_BR, D), lambda i: (i, 0)),
        out_shape=jax.ShapeDtypeStruct((N, D), jnp.float32),
    )(q0, q1, dp0, dp1, b2)



def kernel(x, edge_index, W1, b1, W2, b2):
    ei = edge_index.astype(jnp.int32)
    pos = jnp.arange(E_PAD, dtype=jnp.int32)
    src = jnp.where(pos < E, jnp.pad(ei[0], (0, E_PAD - E)), pos % N)
    dst = jnp.where(pos < E, jnp.pad(ei[1], (0, E_PAD - E)), N)
    n0 = NS * CH0 * CHUNK
    src0 = src[:n0].reshape(NS, CH0, CHUNK)
    dst0 = dst[:n0].reshape(NS, CH0, CHUNK)
    src1 = src[n0:].reshape(NS, CH1, CHUNK)
    dst1 = dst[n0:].reshape(NS, CH1, CHUNK)
    ones_blk = jnp.ones((CHUNK, D), jnp.float32)
    zeros_feat = jnp.zeros((NROWS, D), jnp.float32)

    dp0, dp1 = _sc_degree(dst0, dst1, ones_blk, zeros_feat)
    h1 = _tc_matmul(x, W1)
    h1p = _tc_scale(h1, dp0, dp1)
    p0, p1 = _sc_aggregate(h1p, src0, dst0, src1, dst1, zeros_feat)
    h2p = _tc_combine1(p0, p1, dp0, dp1, b1.reshape(1, D), W2)
    q0, q1 = _sc_aggregate(h2p, src0, dst0, src1, dst1, zeros_feat)
    return _tc_combine2(q0, q1, dp0, dp1, b2.reshape(1, D))

# --- scband reference (transcript-rebuilt; emitter-appended) ---
"""Pipeline reference for scband-gcn-38852274160023 (READ-ONLY COPY).

The authoritative reference and input builder live on the scoring server;
editing this copy changes nothing except your own understanding.
"""

import jax, jax.numpy as jnp
import numpy as np

N_NODES = 10000
N_EDGES = 320000
D_IN = 128
D_HID = 128


def gcn_conv(x, edge_index, W, b):
    N = x.shape[0]
    src = edge_index[0]
    dst = edge_index[1]
    # add self loops (PyG GCNConv default: add_self_loops=True)
    loop = jnp.arange(N, dtype=edge_index.dtype)
    src = jnp.concatenate([src, loop])
    dst = jnp.concatenate([dst, loop])
    # linear transform first (in_dim >= out_dim ordering as in PyG)
    h = x @ W
    # symmetric normalization: deg computed at target (col)
    ones = jnp.ones(src.shape[0], dtype=x.dtype)
    deg = jnp.zeros(N, dtype=x.dtype).at[dst].add(ones)
    deg_inv_sqrt = jnp.where(deg > 0, jax.lax.rsqrt(jnp.maximum(deg, 1e-12)), 0.0)
    norm = deg_inv_sqrt[src] * deg_inv_sqrt[dst]
    # gather messages from source nodes, scale, scatter-add at destination
    msgs = norm[:, None] * jnp.take(h, src, axis=0)
    out = jnp.zeros((N, W.shape[1]), dtype=x.dtype).at[dst].add(msgs)
    return out + b


def setup_inputs(seed: int = 0) -> dict:
    key = jax.random.key(seed)
    k_x, k_e, k_w1, k_w2 = jax.random.split(key, 4)
    x = jax.random.normal(k_x, (N_NODES, D_IN), dtype=jnp.float32)
    edge_index = jax.random.randint(k_e, (2, N_EDGES), 0, N_NODES, dtype=jnp.int64)
    # glorot-style init for GCNConv weights, zero bias (PyG default)
    s1 = float(np.sqrt(6.0 / (D_IN + D_HID)))
    W1 = jax.random.uniform(k_w1, (D_IN, D_HID), dtype=jnp.float32, minval=-s1, maxval=s1)
    b1 = jnp.zeros((D_HID,), dtype=jnp.float32)
    s2 = float(np.sqrt(6.0 / (D_HID + D_HID)))
    W2 = jax.random.uniform(k_w2, (D_HID, D_HID), dtype=jnp.float32, minval=-s2, maxval=s2)
    b2 = jnp.zeros((D_HID,), dtype=jnp.float32)
    return {"x": x, "edge_index": edge_index, "W1": W1, "b1": b1, "W2": W2, "b2": b2}


def reference(x, edge_index, W1, b1, W2, b2):
    # GCN.forward with num_layers=2 (eval mode: dropout is identity)
    h = gcn_conv(x, edge_index, W1, b1)
    h = jax.nn.relu(h)
    out = gcn_conv(h, edge_index, W2, b2)
    return out

if __name__ == "__main__":
    import jax
    _d = setup_inputs()
    print(jax.jit(kernel)(*tuple(_d.values())))

</pallas_src>

<mosaic_0001>
#map = affine_map<(d0, d1) -> (0, 0, 0)>
#map1 = affine_map<(d0, d1) -> (0, 0)>
module attributes {stable_mosaic.version = 14 : i64} {
  func.func @k(%arg0: i32, %arg1: i32, %arg2: memref<16x80x128xi32, #tpu.memory_space<hbm>>, %arg3: memref<16x80x128xi32, #tpu.memory_space<hbm>>, %arg4: memref<128x128xf32, #tpu.memory_space<hbm>>, %arg5: memref<10112x128xf32, #tpu.memory_space<hbm>>, %arg6: memref<10112x128xf32, #tpu.memory_space<hbm>>, %arg7: memref<10112x128xf32, #tpu.memory_space<hbm>>, %arg8: memref<40x128xi32, #tpu.memory_space<vmem>>, %arg9: memref<128x128xf32, #tpu.memory_space<vmem>>, %arg10: memref<!tpu.dma_semaphore, #tpu.memory_space<semaphore_mem>>, %arg11: memref<10112x128xf32, #tpu.memory_space<vmem_shared>>) attributes {dimension_semantics = [#tpu.dimension_semantics<core_parallel>, #tpu.dimension_semantics<subcore_parallel>], iteration_bounds = array<i64: 2, 16>, scalar_prefetch = 0 : i64, scratch_operands = 4 : i64, tpu.core_type = #tpu.core_type<sc_vector_subcore>, window_params = [{transform_indices = #map}, {transform_indices = #map}, {transform_indices = #map1}, {transform_indices = #map1}, {transform_indices = #map1}, {transform_indices = #map1}]} {
    %mul3A = arith.constant 632 : i32
    %mul3A_0 = arith.muli %arg1, %mul3A : i32
    %mul3A_1 = arith.constant 632 : i32
    %mul3A_2 = arith.muli %arg1, %mul3A_1 : i32
    "tpu.region"() ({
      %run_scoped3A = tpu.sem_alloc : memref<!tpu.dma_semaphore, #tpu.memory_space<semaphore_mem>>
      %dma_start3A = arith.constant 0 : i32
      %dma_start3A_21 = tpu.memref_slice %arg11[%mul3A_2, %dma_start3A] : memref<10112x128xf32, #tpu.memory_space<vmem_shared>> -> memref<632x128xf32, #tpu.memory_space<vmem_shared>>
      %dma_start3A_22 = arith.constant 0 : i32
      %dma_start3A_23 = tpu.memref_slice %arg5[%mul3A_0, %dma_start3A_22] : memref<10112x128xf32, #tpu.memory_space<hbm>> -> memref<632x128xf32, #tpu.memory_space<hbm>>
      tpu.enqueue_dma source(%dma_start3A_23 : memref<632x128xf32, #tpu.memory_space<hbm>>) target(%dma_start3A_21 : memref<632x128xf32, #tpu.memory_space<vmem_shared>>) target_semaphore(%run_scoped3A : memref<!tpu.dma_semaphore, #tpu.memory_space<semaphore_mem>>)
      %dma_wait3A = arith.constant 0 : i32
      %dma_wait3A_24 = tpu.memref_slice %arg11[%mul3A_2, %dma_wait3A] : memref<10112x128xf32, #tpu.memory_space<vmem_shared>> -> memref<632x128xf32, #tpu.memory_space<vmem_shared>>
      %dma_wait3A_25 = arith.constant 0 : i32
      %dma_wait3A_26 = tpu.memref_slice %arg5[%mul3A_0, %dma_wait3A_25] : memref<10112x128xf32, #tpu.memory_space<hbm>> -> memref<632x128xf32, #tpu.memory_space<hbm>>
      tpu.wait_dma2 semaphore(%run_scoped3A : memref<!tpu.dma_semaphore, #tpu.memory_space<semaphore_mem>>) src(%dma_wait3A_26 : memref<632x128xf32, #tpu.memory_space<hbm>>) dst(%dma_wait3A_24 : memref<632x128xf32, #tpu.memory_space<vmem_shared>>)
      tpu.yield
    }) : () -> ()
    "tpu.region"() ({
      %run_scoped3A = tpu.sem_alloc : memref<!tpu.dma_semaphore, #tpu.memory_space<semaphore_mem>>
      tpu.enqueue_dma source(%arg4 : memref<128x128xf32, #tpu.memory_space<hbm>>) target(%arg9 : memref<128x128xf32, #tpu.memory_space<vmem>>) target_semaphore(%run_scoped3A : memref<!tpu.dma_semaphore, #tpu.memory_space<semaphore_mem>>)
      tpu.wait_dma2 semaphore(%run_scoped3A : memref<!tpu.dma_semaphore, #tpu.memory_space<semaphore_mem>>) src(%arg4 : memref<128x128xf32, #tpu.memory_space<hbm>>) dst(%arg9 : memref<128x128xf32, #tpu.memory_space<vmem>>)
      tpu.yield
    }) : () -> ()
    %barrier3A = arith.constant 0 : index
    tpu.barrier barrier_id(%barrier3A)
    %eq3A = arith.constant 0 : i32
    %eq3A_3 = arith.cmpi eq, %arg0, %eq3A : i32
    %convert_element_type3A = arith.extui %eq3A_3 : i1 to i32
    %cond3A = arith.constant 0 : i32
    %cond3A_4 = arith.cmpi ne, %convert_element_type3A, %cond3A : i32
    scf.if %cond3A_4 {
      %scan3A = arith.constant 0 : i32
      %scan3A_21 = arith.constant 2 : i32
      %scan3A_22 = arith.addi %scan3A, %scan3A_21 : i32
      %scan3A_23 = arith.constant 1 : i32
      scf.for %scan3A_25 = %scan3A to %scan3A_22 step %scan3A_23  : i32 {
        %mul3A_26 = arith.constant 1 : i32
        %mul3A_27 = arith.muli %scan3A_25, %mul3A_26 : i32
        %add3A = arith.constant 0 : i32
        %add3A_28 = arith.addi %add3A, %mul3A_27 : i32
        %mul3A_29 = arith.constant 40 : i32
        %mul3A_30 = arith.muli %add3A_28, %mul3A_29 : i32
        "tpu.region"() ({
          %run_scoped3A = tpu.sem_alloc : memref<!tpu.dma_semaphore, #tpu.memory_space<semaphore_mem>>
          %dma_start3A = arith.constant 0 : i32
          %dma_start3A_41 = tpu.memref_slice %arg2[%arg1, %mul3A_30, %dma_start3A] : memref<16x80x128xi32, #tpu.memory_space<hbm>> -> memref<1x40x128xi32, #tpu.memory_space<hbm>>
          %dma_start3A_42 = tpu.memref_squeeze %dma_start3A_41 : memref<1x40x128xi32, #tpu.memory_space<hbm>> -> memref<40x128xi32, #tpu.memory_space<hbm>>
          %dma_start3A_43 = arith.constant 0 : i32
          %dma_start3A_44 = tpu.memref_slice %arg2[%arg1, %mul3A_30, %dma_start3A_43] : memref<16x80x128xi32, #tpu.memory_space<hbm>> -> memref<1x40x128xi32, #tpu.memory_space<hbm>>
          %dma_start3A_45 = tpu.memref_squeeze %dma_start3A_44 : memref<1x40x128xi32, #tpu.memory_space<hbm>> -> memref<40x128xi32, #tpu.memory_space<hbm>>
          tpu.enqueue_dma source(%dma_start3A_45 : memref<40x128xi32, #tpu.memory_space<hbm>>) target(%arg8 : memref<40x128xi32, #tpu.memory_space<vmem>>) target_semaphore(%run_scoped3A : memref<!tpu.dma_semaphore, #tpu.memory_space<semaphore_mem>>)
          %dma_wait3A = arith.constant 0 : i32
          %dma_wait3A_46 = tpu.memref_slice %arg2[%arg1, %mul3A_30, %dma_wait3A] : memref<16x80x128xi32, #tpu.memory_space<hbm>> -> memref<1x40x128xi32, #tpu.memory_space<hbm>>
          %dma_wait3A_47 = tpu.memref_squeeze %dma_wait3A_46 : memref<1x40x128xi32, #tpu.memory_space<hbm>> -> memref<40x128xi32, #tpu.memory_space<hbm>>
          %dma_wait3A_48 = arith.constant 0 : i32
          %dma_wait3A_49 = tpu.memref_slice %arg2[%arg1, %mul3A_30, %dma_wait3A_48] : memref<16x80x128xi32, #tpu.memory_space<hbm>> -> memref<1x40x128xi32, #tpu.memory_space<hbm>>
          %dma_wait3A_50 = tpu.memref_squeeze %dma_wait3A_49 : memref<1x40x128xi32, #tpu.memory_space<hbm>> -> memref<40x128xi32, #tpu.memory_space<hbm>>
          tpu.wait_dma2 semaphore(%run_scoped3A : memref<!tpu.dma_semaphore, #tpu.memory_space<semaphore_mem>>) src(%dma_wait3A_50 : memref<40x128xi32, #tpu.memory_space<hbm>>) dst(%arg8 : memref<40x128xi32, #tpu.memory_space<vmem>>)
          tpu.yield
        }) : () -> ()
        %scan3A_31 = arith.constant 0 : i32
        %scan3A_32 = arith.constant 40 : i32
        %scan3A_33 = arith.addi %scan3A_31, %scan3A_32 : i32
        %scan3A_34 = arith.constant 1 : i32
        scf.for %scan3A_41 = %scan3A_31 to %scan3A_33 step %scan3A_34  : i32 {
          %mul3A_42 = arith.constant 1 : i32
          %mul3A_43 = arith.muli %scan3A_41, %mul3A_42 : i32
          %add3A_44 = arith.constant 0 : i32
          %add3A_45 = arith.addi %add3A_44, %mul3A_43 : i32
          %dma_start3A = arith.constant 0 : i32
          %dma_start3A_46 = tpu.memref_slice %arg8[%add3A_45, %dma_start3A] : memref<40x128xi32, #tpu.memory_space<vmem>> -> memref<1x128xi32, #tpu.memory_space<vmem>>
          %dma_start3A_47 = tpu.memref_squeeze %dma_start3A_46 : memref<1x128xi32, #tpu.memory_space<vmem>> -> memref<128xi32, #tpu.memory_space<vmem>>
          %dma_start3A_48 = arith.constant 0 : i32
          %dma_start3A_49 = arith.constant 0 : i32
          %dma_start3A_50 = tpu.memref_slice %arg11[%dma_start3A_48, %dma_start3A_49] : memref<10112x128xf32, #tpu.memory_space<vmem_shared>> -> memref<10112x128xf32, #tpu.memory_space<vmem_shared>>
          tpu.enqueue_indirect_dma source(%arg9 : memref<128x128xf32, #tpu.memory_space<vmem>>) target(%dma_start3A_50 : memref<10112x128xf32, #tpu.memory_space<vmem_shared>>) offsets(%dma_start3A_47 : memref<128xi32, #tpu.memory_space<vmem>>) semaphore(%arg10 : memref<!tpu.dma_semaphore, #tpu.memory_space<semaphore_mem>>) {add = true}
        }
        %scan3A_35 = arith.constant 40 : i32
        %scan3A_36 = arith.constant 0 : i32
        %scan3A_37 = arith.constant 40 : i32
        %scan3A_38 = arith.addi %scan3A_36, %scan3A_37 : i32
        %scan3A_39 = arith.constant 1 : i32
        scf.for %scan3A_41 = %scan3A_36 to %scan3A_38 step %scan3A_39  : i32 {
          %mul3A_42 = arith.constant 1 : i32
          %mul3A_43 = arith.muli %scan3A_41, %mul3A_42 : i32
          %add3A_44 = arith.constant 0 : i32
          %add3A_45 = arith.addi %add3A_44, %mul3A_43 : i32
          %dma_wait3A = arith.constant 0 : i32
          %dma_wait3A_46 = tpu.memref_slice %arg8[%add3A_45, %dma_wait3A] : memref<40x128xi32, #tpu.memory_space<vmem>> -> memref<1x128xi32, #tpu.memory_space<vmem>>
          %dma_wait3A_47 = tpu.memref_squeeze %dma_wait3A_46 : memref<1x128xi32, #tpu.memory_space<vmem>> -> memref<128xi32, #tpu.memory_space<vmem>>
          %dma_wait3A_48 = arith.constant 0 : i32
          %dma_wait3A_49 = arith.constant 0 : i32
          %dma_wait3A_50 = tpu.memref_slice %arg11[%dma_wait3A_48, %dma_wait3A_49] : memref<10112x128xf32, #tpu.memory_space<vmem_shared>> -> memref<10112x128xf32, #tpu.memory_space<vmem_shared>>
          tpu.wait_indirect_dma semaphore(%arg10 : memref<!tpu.dma_semaphore, #tpu.memory_space<semaphore_mem>>) src(%arg9 : memref<128x128xf32, #tpu.memory_space<vmem>>) dst(%dma_wait3A_50 : memref<10112x128xf32, #tpu.memory_space<vmem_shared>>)
        }
        %scan3A_40 = arith.constant 40 : i32
      }
      %scan3A_24 = arith.constant 2 : i32
    } else {
    }
    %eq3A_5 = arith.constant 1 : i32
    %eq3A_6 = arith.cmpi eq, %arg0, %eq3A_5 : i32
    %convert_element_type3A_7 = arith.extui %eq3A_6 : i1 to i32
    %cond3A_8 = arith.constant 0 : i32
    %cond3A_9 = arith.cmpi ne, %convert_element_type3A_7, %cond3A_8 : i32
    scf.if %cond3A_9 {
      %scan3A = arith.constant 0 : i32
      %scan3A_21 = arith.constant 2 : i32
      %scan3A_22 = arith.addi %scan3A, %scan3A_21 : i32
      %scan3A_23 = arith.constant 1 : i32
      scf.for %scan3A_25 = %scan3A to %scan3A_22 step %scan3A_23  : i32 {
        %mul3A_26 = arith.constant 1 : i32
        %mul3A_27 = arith.muli %scan3A_25, %mul3A_26 : i32
        %add3A = arith.constant 0 : i32
        %add3A_28 = arith.addi %add3A, %mul3A_27 : i32
        %mul3A_29 = arith.constant 40 : i32
        %mul3A_30 = arith.muli %add3A_28, %mul3A_29 : i32
        "tpu.region"() ({
          %run_scoped3A = tpu.sem_alloc : memref<!tpu.dma_semaphore, #tpu.memory_space<semaphore_mem>>
          %dma_start3A = arith.constant 0 : i32
          %dma_start3A_41 = tpu.memref_slice %arg3[%arg1, %mul3A_30, %dma_start3A] : memref<16x80x128xi32, #tpu.memory_space<hbm>> -> memref<1x40x128xi32, #tpu.memory_space<hbm>>
          %dma_start3A_42 = tpu.memref_squeeze %dma_start3A_41 : memref<1x40x128xi32, #tpu.memory_space<hbm>> -> memref<40x128xi32, #tpu.memory_space<hbm>>
          %dma_start3A_43 = arith.constant 0 : i32
          %dma_start3A_44 = tpu.memref_slice %arg3[%arg1, %mul3A_30, %dma_start3A_43] : memref<16x80x128xi32, #tpu.memory_space<hbm>> -> memref<1x40x128xi32, #tpu.memory_space<hbm>>
          %dma_start3A_45 = tpu.memref_squeeze %dma_start3A_44 : memref<1x40x128xi32, #tpu.memory_space<hbm>> -> memref<40x128xi32, #tpu.memory_space<hbm>>
          tpu.enqueue_dma source(%dma_start3A_45 : memref<40x128xi32, #tpu.memory_space<hbm>>) target(%arg8 : memref<40x128xi32, #tpu.memory_space<vmem>>) target_semaphore(%run_scoped3A : memref<!tpu.dma_semaphore, #tpu.memory_space<semaphore_mem>>)
          %dma_wait3A = arith.constant 0 : i32
          %dma_wait3A_46 = tpu.memref_slice %arg3[%arg1, %mul3A_30, %dma_wait3A] : memref<16x80x128xi32, #tpu.memory_space<hbm>> -> memref<1x40x128xi32, #tpu.memory_space<hbm>>
          %dma_wait3A_47 = tpu.memref_squeeze %dma_wait3A_46 : memref<1x40x128xi32, #tpu.memory_space<hbm>> -> memref<40x128xi32, #tpu.memory_space<hbm>>
          %dma_wait3A_48 = arith.constant 0 : i32
          %dma_wait3A_49 = tpu.memref_slice %arg3[%arg1, %mul3A_30, %dma_wait3A_48] : memref<16x80x128xi32, #tpu.memory_space<hbm>> -> memref<1x40x128xi32, #tpu.memory_space<hbm>>
          %dma_wait3A_50 = tpu.memref_squeeze %dma_wait3A_49 : memref<1x40x128xi32, #tpu.memory_space<hbm>> -> memref<40x128xi32, #tpu.memory_space<hbm>>
          tpu.wait_dma2 semaphore(%run_scoped3A : memref<!tpu.dma_semaphore, #tpu.memory_space<semaphore_mem>>) src(%dma_wait3A_50 : memref<40x128xi32, #tpu.memory_space<hbm>>) dst(%arg8 : memref<40x128xi32, #tpu.memory_space<vmem>>)
          tpu.yield
        }) : () -> ()
        %scan3A_31 = arith.constant 0 : i32
        %scan3A_32 = arith.constant 40 : i32
        %scan3A_33 = arith.addi %scan3A_31, %scan3A_32 : i32
        %scan3A_34 = arith.constant 1 : i32
        scf.for %scan3A_41 = %scan3A_31 to %scan3A_33 step %scan3A_34  : i32 {
          %mul3A_42 = arith.constant 1 : i32
          %mul3A_43 = arith.muli %scan3A_41, %mul3A_42 : i32
          %add3A_44 = arith.constant 0 : i32
          %add3A_45 = arith.addi %add3A_44, %mul3A_43 : i32
          %dma_start3A = arith.constant 0 : i32
          %dma_start3A_46 = tpu.memref_slice %arg8[%add3A_45, %dma_start3A] : memref<40x128xi32, #tpu.memory_space<vmem>> -> memref<1x128xi32, #tpu.memory_space<vmem>>
          %dma_start3A_47 = tpu.memref_squeeze %dma_start3A_46 : memref<1x128xi32, #tpu.memory_space<vmem>> -> memref<128xi32, #tpu.memory_space<vmem>>
          %dma_start3A_48 = arith.constant 0 : i32
          %dma_start3A_49 = arith.constant 0 : i32
          %dma_start3A_50 = tpu.memref_slice %arg11[%dma_start3A_48, %dma_start3A_49] : memref<10112x128xf32, #tpu.memory_space<vmem_shared>> -> memref<10112x128xf32, #tpu.memory_space<vmem_shared>>
          tpu.enqueue_indirect_dma source(%arg9 : memref<128x128xf32, #tpu.memory_space<vmem>>) target(%dma_start3A_50 : memref<10112x128xf32, #tpu.memory_space<vmem_shared>>) offsets(%dma_start3A_47 : memref<128xi32, #tpu.memory_space<vmem>>) semaphore(%arg10 : memref<!tpu.dma_semaphore, #tpu.memory_space<semaphore_mem>>) {add = true}
        }
        %scan3A_35 = arith.constant 40 : i32
        %scan3A_36 = arith.constant 0 : i32
        %scan3A_37 = arith.constant 40 : i32
        %scan3A_38 = arith.addi %scan3A_36, %scan3A_37 : i32
        %scan3A_39 = arith.constant 1 : i32
        scf.for %scan3A_41 = %scan3A_36 to %scan3A_38 step %scan3A_39  : i32 {
          %mul3A_42 = arith.constant 1 : i32
          %mul3A_43 = arith.muli %scan3A_41, %mul3A_42 : i32
          %add3A_44 = arith.constant 0 : i32
          %add3A_45 = arith.addi %add3A_44, %mul3A_43 : i32
          %dma_wait3A = arith.constant 0 : i32
          %dma_wait3A_46 = tpu.memref_slice %arg8[%add3A_45, %dma_wait3A] : memref<40x128xi32, #tpu.memory_space<vmem>> -> memref<1x128xi32, #tpu.memory_space<vmem>>
          %dma_wait3A_47 = tpu.memref_squeeze %dma_wait3A_46 : memref<1x128xi32, #tpu.memory_space<vmem>> -> memref<128xi32, #tpu.memory_space<vmem>>
          %dma_wait3A_48 = arith.constant 0 : i32
          %dma_wait3A_49 = arith.constant 0 : i32
          %dma_wait3A_50 = tpu.memref_slice %arg11[%dma_wait3A_48, %dma_wait3A_49] : memref<10112x128xf32, #tpu.memory_space<vmem_shared>> -> memref<10112x128xf32, #tpu.memory_space<vmem_shared>>
          tpu.wait_indirect_dma semaphore(%arg10 : memref<!tpu.dma_semaphore, #tpu.memory_space<semaphore_mem>>) src(%arg9 : memref<128x128xf32, #tpu.memory_space<vmem>>) dst(%dma_wait3A_50 : memref<10112x128xf32, #tpu.memory_space<vmem_shared>>)
        }
        %scan3A_40 = arith.constant 40 : i32
      }
      %scan3A_24 = arith.constant 2 : i32
    } else {
    }
    %barrier3A_10 = arith.constant 0 : index
    tpu.barrier barrier_id(%barrier3A_10)
    %eq3A_11 = arith.constant 0 : i32
    %eq3A_12 = arith.cmpi eq, %arg0, %eq3A_11 : i32
    %convert_element_type3A_13 = arith.extui %eq3A_12 : i1 to i32
    %cond3A_14 = arith.constant 0 : i32
    %cond3A_15 = arith.cmpi ne, %convert_element_type3A_13, %cond3A_14 : i32
    scf.if %cond3A_15 {
      %mul3A_21 = arith.constant 632 : i32
      %mul3A_22 = arith.muli %arg1, %mul3A_21 : i32
      %mul3A_23 = arith.constant 632 : i32
      %mul3A_24 = arith.muli %arg1, %mul3A_23 : i32
      "tpu.region"() ({
        %run_scoped3A = tpu.sem_alloc : memref<!tpu.dma_semaphore, #tpu.memory_space<semaphore_mem>>
        %dma_start3A = arith.constant 0 : i32
        %dma_start3A_25 = tpu.memref_slice %arg6[%mul3A_24, %dma_start3A] : memref<10112x128xf32, #tpu.memory_space<hbm>> -> memref<632x128xf32, #tpu.memory_space<hbm>>
        %dma_start3A_26 = arith.constant 0 : i32
        %dma_start3A_27 = tpu.memref_slice %arg11[%mul3A_22, %dma_start3A_26] : memref<10112x128xf32, #tpu.memory_space<vmem_shared>> -> memref<632x128xf32, #tpu.memory_space<vmem_shared>>
        tpu.enqueue_dma source(%dma_start3A_27 : memref<632x128xf32, #tpu.memory_space<vmem_shared>>) target(%dma_start3A_25 : memref<632x128xf32, #tpu.memory_space<hbm>>) target_semaphore(%run_scoped3A : memref<!tpu.dma_semaphore, #tpu.memory_space<semaphore_mem>>)
        %dma_wait3A = arith.constant 0 : i32
        %dma_wait3A_28 = tpu.memref_slice %arg6[%mul3A_24, %dma_wait3A] : memref<10112x128xf32, #tpu.memory_space<hbm>> -> memref<632x128xf32, #tpu.memory_space<hbm>>
        %dma_wait3A_29 = arith.constant 0 : i32
        %dma_wait3A_30 = tpu.memref_slice %arg11[%mul3A_22, %dma_wait3A_29] : memref<10112x128xf32, #tpu.memory_space<vmem_shared>> -> memref<632x128xf32, #tpu.memory_space<vmem_shared>>
        tpu.wait_dma2 semaphore(%run_scoped3A : memref<!tpu.dma_semaphore, #tpu.memory_space<semaphore_mem>>) src(%dma_wait3A_30 : memref<632x128xf32, #tpu.memory_space<vmem_shared>>) dst(%dma_wait3A_28 : memref<632x128xf32, #tpu.memory_space<hbm>>)
        tpu.yield
      }) : () -> ()
    } else {
    }
    %eq3A_16 = arith.constant 1 : i32
    %eq3A_17 = arith.cmpi eq, %arg0, %eq3A_16 : i32
    %convert_element_type3A_18 = arith.extui %eq3A_17 : i1 to i32
    %cond3A_19 = arith.constant 0 : i32
    %cond3A_20 = arith.cmpi ne, %convert_element_type3A_18, %cond3A_19 : i32
    scf.if %cond3A_20 {
      %mul3A_21 = arith.constant 632 : i32
      %mul3A_22 = arith.muli %arg1, %mul3A_21 : i32
      %mul3A_23 = arith.constant 632 : i32
      %mul3A_24 = arith.muli %arg1, %mul3A_23 : i32
      "tpu.region"() ({
        %run_scoped3A = tpu.sem_alloc : memref<!tpu.dma_semaphore, #tpu.memory_space<semaphore_mem>>
        %dma_start3A = arith.constant 0 : i32
        %dma_start3A_25 = tpu.memref_slice %arg7[%mul3A_24, %dma_start3A] : memref<10112x128xf32, #tpu.memory_space<hbm>> -> memref<632x128xf32, #tpu.memory_space<hbm>>
        %dma_start3A_26 = arith.constant 0 : i32
        %dma_start3A_27 = tpu.memref_slice %arg11[%mul3A_22, %dma_start3A_26] : memref<10112x128xf32, #tpu.memory_space<vmem_shared>> -> memref<632x128xf32, #tpu.memory_space<vmem_shared>>
        tpu.enqueue_dma source(%dma_start3A_27 : memref<632x128xf32, #tpu.memory_space<vmem_shared>>) target(%dma_start3A_25 : memref<632x128xf32, #tpu.memory_space<hbm>>) target_semaphore(%run_scoped3A : memref<!tpu.dma_semaphore, #tpu.memory_space<semaphore_mem>>)
        %dma_wait3A = arith.constant 0 : i32
        %dma_wait3A_28 = tpu.memref_slice %arg7[%mul3A_24, %dma_wait3A] : memref<10112x128xf32, #tpu.memory_space<hbm>> -> memref<632x128xf32, #tpu.memory_space<hbm>>
        %dma_wait3A_29 = arith.constant 0 : i32
        %dma_wait3A_30 = tpu.memref_slice %arg11[%mul3A_22, %dma_wait3A_29] : memref<10112x128xf32, #tpu.memory_space<vmem_shared>> -> memref<632x128xf32, #tpu.memory_space<vmem_shared>>
        tpu.wait_dma2 semaphore(%run_scoped3A : memref<!tpu.dma_semaphore, #tpu.memory_space<semaphore_mem>>) src(%dma_wait3A_30 : memref<632x128xf32, #tpu.memory_space<vmem_shared>>) dst(%dma_wait3A_28 : memref<632x128xf32, #tpu.memory_space<hbm>>)
        tpu.yield
      }) : () -> ()
    } else {
    }
    return
  }
}

#map = affine_map<(d0, d1) -> (0, 0)>
#map1 = affine_map<(d0, d1) -> (0, 0, 0)>
module attributes {stable_mosaic.version = 14 : i64} {
  func.func @k(%arg0: i32, %arg1: i32, %arg2: memref<10112x128xf32, #tpu.memory_space<hbm>>, %arg3: memref<16x80x128xi32, #tpu.memory_space<hbm>>, %arg4: memref<16x80x128xi32, #tpu.memory_space<hbm>>, %arg5: memref<16x80x128xi32, #tpu.memory_space<hbm>>, %arg6: memref<16x80x128xi32, #tpu.memory_space<hbm>>, %arg7: memref<10112x128xf32, #tpu.memory_space<hbm>>, %arg8: memref<10112x128xf32, #tpu.memory_space<hbm>>, %arg9: memref<10112x128xf32, #tpu.memory_space<hbm>>, %arg10: memref<40x128xi32, #tpu.memory_space<vmem>>, %arg11: memref<40x128xi32, #tpu.memory_space<vmem>>, %arg12: memref<128x128xf32, #tpu.memory_space<vmem>>, %arg13: memref<128x128xf32, #tpu.memory_space<vmem>>, %arg14: memref<!tpu.dma_semaphore, #tpu.memory_space<semaphore_mem>>, %arg15: memref<!tpu.dma_semaphore, #tpu.memory_space<semaphore_mem>>, %arg16: memref<10112x128xf32, #tpu.memory_space<vmem_shared>>) attributes {dimension_semantics = [#tpu.dimension_semantics<core_parallel>, #tpu.dimension_semantics<subcore_parallel>], iteration_bounds = array<i64: 2, 16>, scalar_prefetch = 0 : i64, scratch_operands = 7 : i64, tpu.core_type = #tpu.core_type<sc_vector_subcore>, window_params = [{transform_indices = #map}, {transform_indices = #map1}, {transform_indices = #map1}, {transform_indices = #map1}, {transform_indices = #map1}, {transform_indices = #map}, {transform_indices = #map}, {transform_indices = #map}]} {
    %eq3A = arith.constant 0 : i32
    %eq3A_0 = arith.cmpi eq, %arg0, %eq3A : i32
    %convert_element_type3A = arith.extui %eq3A_0 : i1 to i32
    %cond3A = arith.constant 0 : i32
    %cond3A_1 = arith.cmpi ne, %convert_element_type3A, %cond3A : i32
    scf.if %cond3A_1 {
      %mul3A = arith.constant 632 : i32
      %mul3A_27 = arith.muli %arg1, %mul3A : i32
      %mul3A_28 = arith.constant 632 : i32
      %mul3A_29 = arith.muli %arg1, %mul3A_28 : i32
      "tpu.region"() ({
        %run_scoped3A = tpu.sem_alloc : memref<!tpu.dma_semaphore, #tpu.memory_space<semaphore_mem>>
        %dma_start3A = arith.constant 0 : i32
        %dma_start3A_30 = tpu.memref_slice %arg16[%mul3A_29, %dma_start3A] : memref<10112x128xf32, #tpu.memory_space<vmem_shared>> -> memref<632x128xf32, #tpu.memory_space<vmem_shared>>
        %dma_start3A_31 = arith.constant 0 : i32
        %dma_start3A_32 = tpu.memref_slice %arg2[%mul3A_27, %dma_start3A_31] : memref<10112x128xf32, #tpu.memory_space<hbm>> -> memref<632x128xf32, #tpu.memory_space<hbm>>
        tpu.enqueue_dma source(%dma_start3A_32 : memref<632x128xf32, #tpu.memory_space<hbm>>) target(%dma_start3A_30 : memref<632x128xf32, #tpu.memory_space<vmem_shared>>) target_semaphore(%run_scoped3A : memref<!tpu.dma_semaphore, #tpu.memory_space<semaphore_mem>>)
        %dma_wait3A = arith.constant 0 : i32
        %dma_wait3A_33 = tpu.memref_slice %arg16[%mul3A_29, %dma_wait3A] : memref<10112x128xf32, #tpu.memory_space<vmem_shared>> -> memref<632x128xf32, #tpu.memory_space<vmem_shared>>
        %dma_wait3A_34 = arith.constant 0 : i32
        %dma_wait3A_35 = tpu.memref_slice %arg2[%mul3A_27, %dma_wait3A_34] : memref<10112x128xf32, #tpu.memory_space<hbm>> -> memref<632x128xf32, #tpu.memory_space<hbm>>
        tpu.wait_dma2 semaphore(%run_scoped3A : memref<!tpu.dma_semaphore, #tpu.memory_space<semaphore_mem>>) src(%dma_wait3A_35 : memref<632x128xf32, #tpu.memory_space<hbm>>) dst(%dma_wait3A_33 : memref<632x128xf32, #tpu.memory_space<vmem_shared>>)
        tpu.yield
      }) : () -> ()
    } else {
    }
    %ne3A = arith.constant 0 : i32
    %ne3A_2 = arith.cmpi ne, %arg0, %ne3A : i32
    %convert_element_type3A_3 = arith.extui %ne3A_2 : i1 to i32
    %cond3A_4 = arith.constant 0 : i32
    %cond3A_5 = arith.cmpi ne, %convert_element_type3A_3, %cond3A_4 : i32
    scf.if %cond3A_5 {
      %mul3A = arith.constant 632 : i32
      %mul3A_27 = arith.muli %arg1, %mul3A : i32
      %mul3A_28 = arith.constant 632 : i32
      %mul3A_29 = arith.muli %arg1, %mul3A_28 : i32
      "tpu.region"() ({
        %run_scoped3A = tpu.sem_alloc : memref<!tpu.dma_semaphore, #tpu.memory_space<semaphore_mem>>
        %dma_start3A = arith.constant 0 : i32
        %dma_start3A_30 = tpu.memref_slice %arg16[%mul3A_29, %dma_start3A] : memref<10112x128xf32, #tpu.memory_space<vmem_shared>> -> memref<632x128xf32, #tpu.memory_space<vmem_shared>>
        %dma_start3A_31 = arith.constant 0 : i32
        %dma_start3A_32 = tpu.memref_slice %arg7[%mul3A_27, %dma_start3A_31] : memref<10112x128xf32, #tpu.memory_space<hbm>> -> memref<632x128xf32, #tpu.memory_space<hbm>>
        tpu.enqueue_dma source(%dma_start3A_32 : memref<632x128xf32, #tpu.memory_space<hbm>>) target(%dma_start3A_30 : memref<632x128xf32, #tpu.memory_space<vmem_shared>>) target_semaphore(%run_scoped3A : memref<!tpu.dma_semaphore, #tpu.memory_space<semaphore_mem>>)
        %dma_wait3A = arith.constant 0 : i32
        %dma_wait3A_33 = tpu.memref_slice %arg16[%mul3A_29, %dma_wait3A] : memref<10112x128xf32, #tpu.memory_space<vmem_shared>> -> memref<632x128xf32, #tpu.memory_space<vmem_shared>>
        %dma_wait3A_34 = arith.constant 0 : i32
        %dma_wait3A_35 = tpu.memref_slice %arg7[%mul3A_27, %dma_wait3A_34] : memref<10112x128xf32, #tpu.memory_space<hbm>> -> memref<632x128xf32, #tpu.memory_space<hbm>>
        tpu.wait_dma2 semaphore(%run_scoped3A : memref<!tpu.dma_semaphore, #tpu.memory_space<semaphore_mem>>) src(%dma_wait3A_35 : memref<632x128xf32, #tpu.memory_space<hbm>>) dst(%dma_wait3A_33 : memref<632x128xf32, #tpu.memory_space<vmem_shared>>)
        tpu.yield
      }) : () -> ()
    } else {
    }
    %barrier3A = arith.constant 0 : index
    tpu.barrier barrier_id(%barrier3A)
    %eq3A_6 = arith.constant 0 : i32
    %eq3A_7 = arith.cmpi eq, %arg0, %eq3A_6 : i32
    %convert_element_type3A_8 = arith.extui %eq3A_7 : i1 to i32
    %cond3A_9 = arith.constant 0 : i32
    %cond3A_10 = arith.cmpi ne, %convert_element_type3A_8, %cond3A_9 : i32
    scf.if %cond3A_10 {
      %scan3A = arith.constant 0 : i32
      %scan3A_27 = arith.constant 2 : i32
      %scan3A_28 = arith.addi %scan3A, %scan3A_27 : i32
      %scan3A_29 = arith.constant 1 : i32
      scf.for %scan3A_31 = %scan3A to %scan3A_28 step %scan3A_29  : i32 {
        %mul3A = arith.constant 1 : i32
        %mul3A_32 = arith.muli %scan3A_31, %mul3A : i32
        %add3A = arith.constant 0 : i32
        %add3A_33 = arith.addi %add3A, %mul3A_32 : i32
        %mul3A_34 = arith.constant 40 : i32
        %mul3A_35 = arith.muli %add3A_33, %mul3A_34 : i32
        "tpu.region"() ({
          %run_scoped3A = tpu.sem_alloc : memref<!tpu.dma_semaphore, #tpu.memory_space<semaphore_mem>>
          %dma_start3A_49 = arith.constant 0 : i32
          %dma_start3A_50 = tpu.memref_slice %arg3[%arg1, %mul3A_35, %dma_start3A_49] : memref<16x80x128xi32, #tpu.memory_space<hbm>> -> memref<1x40x128xi32, #tpu.memory_space<hbm>>
          %dma_start3A_51 = tpu.memref_squeeze %dma_start3A_50 : memref<1x40x128xi32, #tpu.memory_space<hbm>> -> memref<40x128xi32, #tpu.memory_space<hbm>>
          %dma_start3A_52 = arith.constant 0 : i32
          %dma_start3A_53 = tpu.memref_slice %arg3[%arg1, %mul3A_35, %dma_start3A_52] : memref<16x80x128xi32, #tpu.memory_space<hbm>> -> memref<1x40x128xi32, #tpu.memory_space<hbm>>
          %dma_start3A_54 = tpu.memref_squeeze %dma_start3A_53 : memref<1x40x128xi32, #tpu.memory_space<hbm>> -> memref<40x128xi32, #tpu.memory_space<hbm>>
          tpu.enqueue_dma source(%dma_start3A_54 : memref<40x128xi32, #tpu.memory_space<hbm>>) target(%arg10 : memref<40x128xi32, #tpu.memory_space<vmem>>) target_semaphore(%run_scoped3A : memref<!tpu.dma_semaphore, #tpu.memory_space<semaphore_mem>>)
          %dma_wait3A = arith.constant 0 : i32
          %dma_wait3A_55 = tpu.memref_slice %arg3[%arg1, %mul3A_35, %dma_wait3A] : memref<16x80x128xi32, #tpu.memory_space<hbm>> -> memref<1x40x128xi32, #tpu.memory_space<hbm>>
          %dma_wait3A_56 = tpu.memref_squeeze %dma_wait3A_55 : memref<1x40x128xi32, #tpu.memory_space<hbm>> -> memref<40x128xi32, #tpu.memory_space<hbm>>
          %dma_wait3A_57 = arith.constant 0 : i32
          %dma_wait3A_58 = tpu.memref_slice %arg3[%arg1, %mul3A_35, %dma_wait3A_57] : memref<16x80x128xi32, #tpu.memory_space<hbm>> -> memref<1x40x128xi32, #tpu.memory_space<hbm>>
          %dma_wait3A_59 = tpu.memref_squeeze %dma_wait3A_58 : memref<1x40x128xi32, #tpu.memory_space<hbm>> -> memref<40x128xi32, #tpu.memory_space<hbm>>
          tpu.wait_dma2 semaphore(%run_scoped3A : memref<!tpu.dma_semaphore, #tpu.memory_space<semaphore_mem>>) src(%dma_wait3A_59 : memref<40x128xi32, #tpu.memory_space<hbm>>) dst(%arg10 : memref<40x128xi32, #tpu.memory_space<vmem>>)
          tpu.yield
        }) : () -> ()
        %mul3A_36 = arith.constant 40 : i32
        %mul3A_37 = arith.muli %add3A_33, %mul3A_36 : i32
        "tpu.region"() ({
          %run_scoped3A = tpu.sem_alloc : memref<!tpu.dma_semaphore, #tpu.memory_space<semaphore_mem>>
          %dma_start3A_49 = arith.constant 0 : i32
          %dma_start3A_50 = tpu.memref_slice %arg4[%arg1, %mul3A_37, %dma_start3A_49] : memref<16x80x128xi32, #tpu.memory_space<hbm>> -> memref<1x40x128xi32, #tpu.memory_space<hbm>>
          %dma_start3A_51 = tpu.memref_squeeze %dma_start3A_50 : memref<1x40x128xi32, #tpu.memory_space<hbm>> -> memref<40x128xi32, #tpu.memory_space<hbm>>
          %dma_start3A_52 = arith.constant 0 : i32
          %dma_start3A_53 = tpu.memref_slice %arg4[%arg1, %mul3A_37, %dma_start3A_52] : memref<16x80x128xi32, #tpu.memory_space<hbm>> -> memref<1x40x128xi32, #tpu.memory_space<hbm>>
          %dma_start3A_54 = tpu.memref_squeeze %dma_start3A_53 : memref<1x40x128xi32, #tpu.memory_space<hbm>> -> memref<40x128xi32, #tpu.memory_space<hbm>>
          tpu.enqueue_dma source(%dma_start3A_54 : memref<40x128xi32, #tpu.memory_space<hbm>>) target(%arg11 : memref<40x128xi32, #tpu.memory_space<vmem>>) target_semaphore(%run_scoped3A : memref<!tpu.dma_semaphore, #tpu.memory_space<semaphore_mem>>)
          %dma_wait3A = arith.constant 0 : i32
          %dma_wait3A_55 = tpu.memref_slice %arg4[%arg1, %mul3A_37, %dma_wait3A] : memref<16x80x128xi32, #tpu.memory_space<hbm>> -> memref<1x40x128xi32, #tpu.memory_space<hbm>>
          %dma_wait3A_56 = tpu.memref_squeeze %dma_wait3A_55 : memref<1x40x128xi32, #tpu.memory_space<hbm>> -> memref<40x128xi32, #tpu.memory_space<hbm>>
          %dma_wait3A_57 = arith.constant 0 : i32
          %dma_wait3A_58 = tpu.memref_slice %arg4[%arg1, %mul3A_37, %dma_wait3A_57] : memref<16x80x128xi32, #tpu.memory_space<hbm>> -> memref<1x40x128xi32, #tpu.memory_space<hbm>>
          %dma_wait3A_59 = tpu.memref_squeeze %dma_wait3A_58 : memref<1x40x128xi32, #tpu.memory_space<hbm>> -> memref<40x128xi32, #tpu.memory_space<hbm>>
          tpu.wait_dma2 semaphore(%run_scoped3A : memref<!tpu.dma_semaphore, #tpu.memory_space<semaphore_mem>>) src(%dma_wait3A_59 : memref<40x128xi32, #tpu.memory_space<hbm>>) dst(%arg11 : memref<40x128xi32, #tpu.memory_space<vmem>>)
          tpu.yield
        }) : () -> ()
        %dma_start3A = arith.constant 0 : i32
        %dma_start3A_38 = arith.constant 0 : i32
        %dma_start3A_39 = tpu.memref_slice %arg10[%dma_start3A, %dma_start3A_38] : memref<40x128xi32, #tpu.memory_space<vmem>> -> memref<1x128xi32, #tpu.memory_space<vmem>>
        %dma_start3A_40 = tpu.memref_squeeze %dma_start3A_39 : memref<1x128xi32, #tpu.memory_space<vmem>> -> memref<128xi32, #tpu.memory_space<vmem>>
        %dma_start3A_41 = arith.constant 0 : i32
        %dma_start3A_42 = arith.constant 0 : i32
        %dma_start3A_43 = tpu.memref_slice %arg2[%dma_start3A_41, %dma_start3A_42] : memref<10112x128xf32, #tpu.memory_space<hbm>> -> memref<10112x128xf32, #tpu.memory_space<hbm>>
        tpu.enqueue_indirect_dma source(%dma_start3A_43 : memref<10112x128xf32, #tpu.memory_space<hbm>>) target(%arg12 : memref<128x128xf32, #tpu.memory_space<vmem>>) offsets(%dma_start3A_40 : memref<128xi32, #tpu.memory_space<vmem>>) semaphore(%arg14 : memref<!tpu.dma_semaphore, #tpu.memory_space<semaphore_mem>>)
        %scan3A_44 = arith.constant 0 : i32
        %scan3A_45 = arith.constant 20 : i32
        %scan3A_46 = arith.addi %scan3A_44, %scan3A_45 : i32
        %scan3A_47 = arith.constant 1 : i32
        scf.for %scan3A_49 = %scan3A_44 to %scan3A_46 step %scan3A_47  : i32 {
          %mul3A_50 = arith.constant 2 : i32
          %mul3A_51 = arith.muli %scan3A_49, %mul3A_50 : i32
          %add3A_52 = arith.constant 0 : i32
          %add3A_53 = arith.addi %add3A_52, %mul3A_51 : i32
          %add3A_54 = arith.constant 1 : i32
          %add3A_55 = arith.addi %add3A_53, %add3A_54 : i32
          %dma_start3A_56 = arith.constant 0 : i32
          %dma_start3A_57 = tpu.memref_slice %arg10[%add3A_55, %dma_start3A_56] : memref<40x128xi32, #tpu.memory_space<vmem>> -> memref<1x128xi32, #tpu.memory_space<vmem>>
          %dma_start3A_58 = tpu.memref_squeeze %dma_start3A_57 : memref<1x128xi32, #tpu.memory_space<vmem>> -> memref<128xi32, #tpu.memory_space<vmem>>
          %dma_start3A_59 = arith.constant 0 : i32
          %dma_start3A_60 = arith.constant 0 : i32
          %dma_start3A_61 = tpu.memref_slice %arg2[%dma_start3A_59, %dma_start3A_60] : memref<10112x128xf32, #tpu.memory_space<hbm>> -> memref<10112x128xf32, #tpu.memory_space<hbm>>
          tpu.enqueue_indirect_dma source(%dma_start3A_61 : memref<10112x128xf32, #tpu.memory_space<hbm>>) target(%arg13 : memref<128x128xf32, #tpu.memory_space<vmem>>) offsets(%dma_start3A_58 : memref<128xi32, #tpu.memory_space<vmem>>) semaphore(%arg15 : memref<!tpu.dma_semaphore, #tpu.memory_space<semaphore_mem>>)
          %dma_wait3A = arith.constant 0 : i32
          %dma_wait3A_62 = tpu.memref_slice %arg10[%add3A_53, %dma_wait3A] : memref<40x128xi32, #tpu.memory_space<vmem>> -> memref<1x128xi32, #tpu.memory_space<vmem>>
          %dma_wait3A_63 = tpu.memref_squeeze %dma_wait3A_62 : memref<1x128xi32, #tpu.memory_space<vmem>> -> memref<128xi32, #tpu.memory_space<vmem>>
          %dma_wait3A_64 = arith.constant 0 : i32
          %dma_wait3A_65 = arith.constant 0 : i32
          %dma_wait3A_66 = tpu.memref_slice %arg2[%dma_wait3A_64, %dma_wait3A_65] : memref<10112x128xf32, #tpu.memory_space<hbm>> -> memref<10112x128xf32, #tpu.memory_space<hbm>>
          tpu.wait_indirect_dma semaphore(%arg14 : memref<!tpu.dma_semaphore, #tpu.memory_space<semaphore_mem>>) src(%dma_wait3A_66 : memref<10112x128xf32, #tpu.memory_space<hbm>>) dst(%arg12 : memref<128x128xf32, #tpu.memory_space<vmem>>)
          "tpu.region"() ({
            %run_scoped3A = tpu.sem_alloc : memref<!tpu.dma_semaphore, #tpu.memory_space<semaphore_mem>>
            %dma_start3A_83 = arith.constant 0 : i32
            %dma_start3A_84 = tpu.memref_slice %arg11[%add3A_53, %dma_start3A_83] : memref<40x128xi32, #tpu.memory_space<vmem>> -> memref<1x128xi32, #tpu.memory_space<vmem>>
            %dma_start3A_85 = tpu.memref_squeeze %dma_start3A_84 : memref<1x128xi32, #tpu.memory_space<vmem>> -> memref<128xi32, #tpu.memory_space<vmem>>
            %dma_start3A_86 = arith.constant 0 : i32
            %dma_start3A_87 = arith.constant 0 : i32
            %dma_start3A_88 = tpu.memref_slice %arg16[%dma_start3A_86, %dma_start3A_87] : memref<10112x128xf32, #tpu.memory_space<vmem_shared>> -> memref<10112x128xf32, #tpu.memory_space<vmem_shared>>
            tpu.enqueue_indirect_dma source(%arg12 : memref<128x128xf32, #tpu.memory_space<vmem>>) target(%dma_start3A_88 : memref<10112x128xf32, #tpu.memory_space<vmem_shared>>) offsets(%dma_start3A_85 : memref<128xi32, #tpu.memory_space<vmem>>) semaphore(%run_scoped3A : memref<!tpu.dma_semaphore, #tpu.memory_space<semaphore_mem>>) {add = true}
            %dma_wait3A_89 = arith.constant 0 : i32
            %dma_wait3A_90 = tpu.memref_slice %arg11[%add3A_53, %dma_wait3A_89] : memref<40x128xi32, #tpu.memory_space<vmem>> -> memref<1x128xi32, #tpu.memory_space<vmem>>
            %dma_wait3A_91 = tpu.memref_squeeze %dma_wait3A_90 : memref<1x128xi32, #tpu.memory_space<vmem>> -> memref<128xi32, #tpu.memory_space<vmem>>
            %dma_wait3A_92 = arith.constant 0 : i32
            %dma_wait3A_93 = arith.constant 0 : i32
            %dma_wait3A_94 = tpu.memref_slice %arg16[%dma_wait3A_92, %dma_wait3A_93] : memref<10112x128xf32, #tpu.memory_space<vmem_shared>> -> memref<10112x128xf32, #tpu.memory_space<vmem_shared>>
            tpu.wait_indirect_dma semaphore(%run_scoped3A : memref<!tpu.dma_semaphore, #tpu.memory_space<semaphore_mem>>) src(%arg12 : memref<128x128xf32, #tpu.memory_space<vmem>>) dst(%dma_wait3A_94 : memref<10112x128xf32, #tpu.memory_space<vmem_shared>>)
            tpu.yield
          }) : () -> ()
          %add3A_67 = arith.constant 2 : i32
          %add3A_68 = arith.addi %add3A_53, %add3A_67 : i32
          %lt3A = arith.constant 40 : i32
          %lt3A_69 = arith.cmpi slt, %add3A_68, %lt3A : i32
          %convert_element_type3A_70 = arith.extui %lt3A_69 : i1 to i32
          %cond3A_71 = arith.constant 0 : i32
          %cond3A_72 = arith.cmpi ne, %convert_element_type3A_70, %cond3A_71 : i32
          scf.if %cond3A_72 {
            %add3A_83 = arith.constant 2 : i32
            %add3A_84 = arith.addi %add3A_53, %add3A_83 : i32
            %dma_start3A_85 = arith.constant 0 : i32
            %dma_start3A_86 = tpu.memref_slice %arg10[%add3A_84, %dma_start3A_85] : memref<40x128xi32, #tpu.memory_space<vmem>> -> memref<1x128xi32, #tpu.memory_space<vmem>>
            %dma_start3A_87 = tpu.memref_squeeze %dma_start3A_86 : memref<1x128xi32, #tpu.memory_space<vmem>> -> memref<128xi32, #tpu.memory_space<vmem>>
            %dma_start3A_88 = arith.constant 0 : i32
            %dma_start3A_89 = arith.constant 0 : i32
            %dma_start3A_90 = tpu.memref_slice %arg2[%dma_start3A_88, %dma_start3A_89] : memref<10112x128xf32, #tpu.memory_space<hbm>> -> memref<10112x128xf32, #tpu.memory_space<hbm>>
            tpu.enqueue_indirect_dma source(%dma_start3A_90 : memref<10112x128xf32, #tpu.memory_space<hbm>>) target(%arg12 : memref<128x128xf32, #tpu.memory_space<vmem>>) offsets(%dma_start3A_87 : memref<128xi32, #tpu.memory_space<vmem>>) semaphore(%arg14 : memref<!tpu.dma_semaphore, #tpu.memory_space<semaphore_mem>>)
          } else {
          }
          %add3A_73 = arith.constant 1 : i32
          %add3A_74 = arith.addi %add3A_53, %add3A_73 : i32
          %dma_wait3A_75 = arith.constant 0 : i32
          %dma_wait3A_76 = tpu.memref_slice %arg10[%add3A_74, %dma_wait3A_75] : memref<40x128xi32, #tpu.memory_space<vmem>> -> memref<1x128xi32, #tpu.memory_space<vmem>>
          %dma_wait3A_77 = tpu.memref_squeeze %dma_wait3A_76 : memref<1x128xi32, #tpu.memory_space<vmem>> -> memref<128xi32, #tpu.memory_space<vmem>>
          %dma_wait3A_78 = arith.constant 0 : i32
          %dma_wait3A_79 = arith.constant 0 : i32
          %dma_wait3A_80 = tpu.memref_slice %arg2[%dma_wait3A_78, %dma_wait3A_79] : memref<10112x128xf32, #tpu.memory_space<hbm>> -> memref<10112x128xf32, #tpu.memory_space<hbm>>
          tpu.wait_indirect_dma semaphore(%arg15 : memref<!tpu.dma_semaphore, #tpu.memory_space<semaphore_mem>>) src(%dma_wait3A_80 : memref<10112x128xf32, #tpu.memory_space<hbm>>) dst(%arg13 : memref<128x128xf32, #tpu.memory_space<vmem>>)
          %add3A_81 = arith.constant 1 : i32
          %add3A_82 = arith.addi %add3A_53, %add3A_81 : i32
          "tpu.region"() ({
            %run_scoped3A = tpu.sem_alloc : memref<!tpu.dma_semaphore, #tpu.memory_space<semaphore_mem>>
            %dma_start3A_83 = arith.constant 0 : i32
            %dma_start3A_84 = tpu.memref_slice %arg11[%add3A_82, %dma_start3A_83] : memref<40x128xi32, #tpu.memory_space<vmem>> -> memref<1x128xi32, #tpu.memory_space<vmem>>
            %dma_start3A_85 = tpu.memref_squeeze %dma_start3A_84 : memref<1x128xi32, #tpu.memory_space<vmem>> -> memref<128xi32, #tpu.memory_space<vmem>>
            %dma_start3A_86 = arith.constant 0 : i32
            %dma_start3A_87 = arith.constant 0 : i32
            %dma_start3A_88 = tpu.memref_slice %arg16[%dma_start3A_86, %dma_start3A_87] : memref<10112x128xf32, #tpu.memory_space<vmem_shared>> -> memref<10112x128xf32, #tpu.memory_space<vmem_shared>>
            tpu.enqueue_indirect_dma source(%arg13 : memref<128x128xf32, #tpu.memory_space<vmem>>) target(%dma_start3A_88 : memref<10112x128xf32, #tpu.memory_space<vmem_shared>>) offsets(%dma_start3A_85 : memref<128xi32, #tpu.memory_space<vmem>>) semaphore(%run_scoped3A : memref<!tpu.dma_semaphore, #tpu.memory_space<semaphore_mem>>) {add = true}
            %dma_wait3A_89 = arith.constant 0 : i32
            %dma_wait3A_90 = tpu.memref_slice %arg11[%add3A_82, %dma_wait3A_89] : memref<40x128xi32, #tpu.memory_space<vmem>> -> memref<1x128xi32, #tpu.memory_space<vmem>>
            %dma_wait3A_91 = tpu.memref_squeeze %dma_wait3A_90 : memref<1x128xi32, #tpu.memory_space<vmem>> -> memref<128xi32, #tpu.memory_space<vmem>>
            %dma_wait3A_92 = arith.constant 0 : i32
            %dma_wait3A_93 = arith.constant 0 : i32
            %dma_wait3A_94 = tpu.memref_slice %arg16[%dma_wait3A_92, %dma_wait3A_93] : memref<10112x128xf32, #tpu.memory_space<vmem_shared>> -> memref<10112x128xf32, #tpu.memory_space<vmem_shared>>
            tpu.wait_indirect_dma semaphore(%run_scoped3A : memref<!tpu.dma_semaphore, #tpu.memory_space<semaphore_mem>>) src(%arg13 : memref<128x128xf32, #tpu.memory_space<vmem>>) dst(%dma_wait3A_94 : memref<10112x128xf32, #tpu.memory_space<vmem_shared>>)
            tpu.yield
          }) : () -> ()
        }
        %scan3A_48 = arith.constant 20 : i32
      }
      %scan3A_30 = arith.constant 2 : i32
    } else {
    }
    %eq3A_11 = arith.constant 1 : i32
    %eq3A_12 = arith.cmpi eq, %arg0, %eq3A_11 : i32
    %convert_element_type3A_13 = arith.extui %eq3A_12 : i1 to i32
    %cond3A_14 = arith.constant 0 : i32
    %cond3A_15 = arith.cmpi ne, %convert_element_type3A_13, %cond3A_14 : i32
    scf.if %cond3A_15 {
      %scan3A = arith.constant 0 : i32
      %scan3A_27 = arith.constant 2 : i32
      %scan3A_28 = arith.addi %scan3A, %scan3A_27 : i32
      %scan3A_29 = arith.constant 1 : i32
      scf.for %scan3A_31 = %scan3A to %scan3A_28 step %scan3A_29  : i32 {
        %mul3A = arith.constant 1 : i32
        %mul3A_32 = arith.muli %scan3A_31, %mul3A : i32
        %add3A = arith.constant 0 : i32
        %add3A_33 = arith.addi %add3A, %mul3A_32 : i32
        %mul3A_34 = arith.constant 40 : i32
        %mul3A_35 = arith.muli %add3A_33, %mul3A_34 : i32
        "tpu.region"() ({
          %run_scoped3A = tpu.sem_alloc : memref<!tpu.dma_semaphore, #tpu.memory_space<semaphore_mem>>
          %dma_start3A_49 = arith.constant 0 : i32
          %dma_start3A_50 = tpu.memref_slice %arg5[%arg1, %mul3A_35, %dma_start3A_49] : memref<16x80x128xi32, #tpu.memory_space<hbm>> -> memref<1x40x128xi32, #tpu.memory_space<hbm>>
          %dma_start3A_51 = tpu.memref_squeeze %dma_start3A_50 : memref<1x40x128xi32, #tpu.memory_space<hbm>> -> memref<40x128xi32, #tpu.memory_space<hbm>>
          %dma_start3A_52 = arith.constant 0 : i32
          %dma_start3A_53 = tpu.memref_slice %arg5[%arg1, %mul3A_35, %dma_start3A_52] : memref<16x80x128xi32, #tpu.memory_space<hbm>> -> memref<1x40x128xi32, #tpu.memory_space<hbm>>
          %dma_start3A_54 = tpu.memref_squeeze %dma_start3A_53 : memref<1x40x128xi32, #tpu.memory_space<hbm>> -> memref<40x128xi32, #tpu.memory_space<hbm>>
          tpu.enqueue_dma source(%dma_start3A_54 : memref<40x128xi32, #tpu.memory_space<hbm>>) target(%arg10 : memref<40x128xi32, #tpu.memory_space<vmem>>) target_semaphore(%run_scoped3A : memref<!tpu.dma_semaphore, #tpu.memory_space<semaphore_mem>>)
          %dma_wait3A = arith.constant 0 : i32
          %dma_wait3A_55 = tpu.memref_slice %arg5[%arg1, %mul3A_35, %dma_wait3A] : memref<16x80x128xi32, #tpu.memory_space<hbm>> -> memref<1x40x128xi32, #tpu.memory_space<hbm>>
          %dma_wait3A_56 = tpu.memref_squeeze %dma_wait3A_55 : memref<1x40x128xi32, #tpu.memory_space<hbm>> -> memref<40x128xi32, #tpu.memory_space<hbm>>
          %dma_wait3A_57 = arith.constant 0 : i32
          %dma_wait3A_58 = tpu.memref_slice %arg5[%arg1, %mul3A_35, %dma_wait3A_57] : memref<16x80x128xi32, #tpu.memory_space<hbm>> -> memref<1x40x128xi32, #tpu.memory_space<hbm>>
          %dma_wait3A_59 = tpu.memref_squeeze %dma_wait3A_58 : memref<1x40x128xi32, #tpu.memory_space<hbm>> -> memref<40x128xi32, #tpu.memory_space<hbm>>
          tpu.wait_dma2 semaphore(%run_scoped3A : memref<!tpu.dma_semaphore, #tpu.memory_space<semaphore_mem>>) src(%dma_wait3A_59 : memref<40x128xi32, #tpu.memory_space<hbm>>) dst(%arg10 : memref<40x128xi32, #tpu.memory_space<vmem>>)
          tpu.yield
        }) : () -> ()
        %mul3A_36 = arith.constant 40 : i32
        %mul3A_37 = arith.muli %add3A_33, %mul3A_36 : i32
        "tpu.region"() ({
          %run_scoped3A = tpu.sem_alloc : memref<!tpu.dma_semaphore, #tpu.memory_space<semaphore_mem>>
          %dma_start3A_49 = arith.constant 0 : i32
          %dma_start3A_50 = tpu.memref_slice %arg6[%arg1, %mul3A_37, %dma_start3A_49] : memref<16x80x128xi32, #tpu.memory_space<hbm>> -> memref<1x40x128xi32, #tpu.memory_space<hbm>>
          %dma_start3A_51 = tpu.memref_squeeze %dma_start3A_50 : memref<1x40x128xi32, #tpu.memory_space<hbm>> -> memref<40x128xi32, #tpu.memory_space<hbm>>
          %dma_start3A_52 = arith.constant 0 : i32
          %dma_start3A_53 = tpu.memref_slice %arg6[%arg1, %mul3A_37, %dma_start3A_52] : memref<16x80x128xi32, #tpu.memory_space<hbm>> -> memref<1x40x128xi32, #tpu.memory_space<hbm>>
          %dma_start3A_54 = tpu.memref_squeeze %dma_start3A_53 : memref<1x40x128xi32, #tpu.memory_space<hbm>> -> memref<40x128xi32, #tpu.memory_space<hbm>>
          tpu.enqueue_dma source(%dma_start3A_54 : memref<40x128xi32, #tpu.memory_space<hbm>>) target(%arg11 : memref<40x128xi32, #tpu.memory_space<vmem>>) target_semaphore(%run_scoped3A : memref<!tpu.dma_semaphore, #tpu.memory_space<semaphore_mem>>)
          %dma_wait3A = arith.constant 0 : i32
          %dma_wait3A_55 = tpu.memref_slice %arg6[%arg1, %mul3A_37, %dma_wait3A] : memref<16x80x128xi32, #tpu.memory_space<hbm>> -> memref<1x40x128xi32, #tpu.memory_space<hbm>>
          %dma_wait3A_56 = tpu.memref_squeeze %dma_wait3A_55 : memref<1x40x128xi32, #tpu.memory_space<hbm>> -> memref<40x128xi32, #tpu.memory_space<hbm>>
          %dma_wait3A_57 = arith.constant 0 : i32
          %dma_wait3A_58 = tpu.memref_slice %arg6[%arg1, %mul3A_37, %dma_wait3A_57] : memref<16x80x128xi32, #tpu.memory_space<hbm>> -> memref<1x40x128xi32, #tpu.memory_space<hbm>>
          %dma_wait3A_59 = tpu.memref_squeeze %dma_wait3A_58 : memref<1x40x128xi32, #tpu.memory_space<hbm>> -> memref<40x128xi32, #tpu.memory_space<hbm>>
          tpu.wait_dma2 semaphore(%run_scoped3A : memref<!tpu.dma_semaphore, #tpu.memory_space<semaphore_mem>>) src(%dma_wait3A_59 : memref<40x128xi32, #tpu.memory_space<hbm>>) dst(%arg11 : memref<40x128xi32, #tpu.memory_space<vmem>>)
          tpu.yield
        }) : () -> ()
        %dma_start3A = arith.constant 0 : i32
        %dma_start3A_38 = arith.constant 0 : i32
        %dma_start3A_39 = tpu.memref_slice %arg10[%dma_start3A, %dma_start3A_38] : memref<40x128xi32, #tpu.memory_space<vmem>> -> memref<1x128xi32, #tpu.memory_space<vmem>>
        %dma_start3A_40 = tpu.memref_squeeze %dma_start3A_39 : memref<1x128xi32, #tpu.memory_space<vmem>> -> memref<128xi32, #tpu.memory_space<vmem>>
        %dma_start3A_41 = arith.constant 0 : i32
        %dma_start3A_42 = arith.constant 0 : i32
        %dma_start3A_43 = tpu.memref_slice %arg2[%dma_start3A_41, %dma_start3A_42] : memref<10112x128xf32, #tpu.memory_space<hbm>> -> memref<10112x128xf32, #tpu.memory_space<hbm>>
        tpu.enqueue_indirect_dma source(%dma_start3A_43 : memref<10112x128xf32, #tpu.memory_space<hbm>>) target(%arg12 : memref<128x128xf32, #tpu.memory_space<vmem>>) offsets(%dma_start3A_40 : memref<128xi32, #tpu.memory_space<vmem>>) semaphore(%arg14 : memref<!tpu.dma_semaphore, #tpu.memory_space<semaphore_mem>>)
        %scan3A_44 = arith.constant 0 : i32
        %scan3A_45 = arith.constant 20 : i32
        %scan3A_46 = arith.addi %scan3A_44, %scan3A_45 : i32
        %scan3A_47 = arith.constant 1 : i32
        scf.for %scan3A_49 = %scan3A_44 to %scan3A_46 step %scan3A_47  : i32 {
          %mul3A_50 = arith.constant 2 : i32
          %mul3A_51 = arith.muli %scan3A_49, %mul3A_50 : i32
          %add3A_52 = arith.constant 0 : i32
          %add3A_53 = arith.addi %add3A_52, %mul3A_51 : i32
          %add3A_54 = arith.constant 1 : i32
          %add3A_55 = arith.addi %add3A_53, %add3A_54 : i32
          %dma_start3A_56 = arith.constant 0 : i32
          %dma_start3A_57 = tpu.memref_slice %arg10[%add3A_55, %dma_start3A_56] : memref<40x128xi32, #tpu.memory_space<vmem>> -> memref<1x128xi32, #tpu.memory_space<vmem>>
          %dma_start3A_58 = tpu.memref_squeeze %dma_start3A_57 : memref<1x128xi32, #tpu.memory_space<vmem>> -> memref<128xi32, #tpu.memory_space<vmem>>
          %dma_start3A_59 = arith.constant 0 : i32
          %dma_start3A_60 = arith.constant 0 : i32
          %dma_start3A_61 = tpu.memref_slice %arg2[%dma_start3A_59, %dma_start3A_60] : memref<10112x128xf32, #tpu.memory_space<hbm>> -> memref<10112x128xf32, #tpu.memory_space<hbm>>
          tpu.enqueue_indirect_dma source(%dma_start3A_61 : memref<10112x128xf32, #tpu.memory_space<hbm>>) target(%arg13 : memref<128x128xf32, #tpu.memory_space<vmem>>) offsets(%dma_start3A_58 : memref<128xi32, #tpu.memory_space<vmem>>) semaphore(%arg15 : memref<!tpu.dma_semaphore, #tpu.memory_space<semaphore_mem>>)
          %dma_wait3A = arith.constant 0 : i32
          %dma_wait3A_62 = tpu.memref_slice %arg10[%add3A_53, %dma_wait3A] : memref<40x128xi32, #tpu.memory_space<vmem>> -> memref<1x128xi32, #tpu.memory_space<vmem>>
          %dma_wait3A_63 = tpu.memref_squeeze %dma_wait3A_62 : memref<1x128xi32, #tpu.memory_space<vmem>> -> memref<128xi32, #tpu.memory_space<vmem>>
          %dma_wait3A_64 = arith.constant 0 : i32
          %dma_wait3A_65 = arith.constant 0 : i32
          %dma_wait3A_66 = tpu.memref_slice %arg2[%dma_wait3A_64, %dma_wait3A_65] : memref<10112x128xf32, #tpu.memory_space<hbm>> -> memref<10112x128xf32, #tpu.memory_space<hbm>>
          tpu.wait_indirect_dma semaphore(%arg14 : memref<!tpu.dma_semaphore, #tpu.memory_space<semaphore_mem>>) src(%dma_wait3A_66 : memref<10112x128xf32, #tpu.memory_space<hbm>>) dst(%arg12 : memref<128x128xf32, #tpu.memory_space<vmem>>)
          "tpu.region"() ({
            %run_scoped3A = tpu.sem_alloc : memref<!tpu.dma_semaphore, #tpu.memory_space<semaphore_mem>>
            %dma_start3A_83 = arith.constant 0 : i32
            %dma_start3A_84 = tpu.memref_slice %arg11[%add3A_53, %dma_start3A_83] : memref<40x128xi32, #tpu.memory_space<vmem>> -> memref<1x128xi32, #tpu.memory_space<vmem>>
            %dma_start3A_85 = tpu.memref_squeeze %dma_start3A_84 : memref<1x128xi32, #tpu.memory_space<vmem>> -> memref<128xi32, #tpu.memory_space<vmem>>
            %dma_start3A_86 = arith.constant 0 : i32
            %dma_start3A_87 = arith.constant 0 : i32
            %dma_start3A_88 = tpu.memref_slice %arg16[%dma_start3A_86, %dma_start3A_87] : memref<10112x128xf32, #tpu.memory_space<vmem_shared>> -> memref<10112x128xf32, #tpu.memory_space<vmem_shared>>
            tpu.enqueue_indirect_dma source(%arg12 : memref<128x128xf32, #tpu.memory_space<vmem>>) target(%dma_start3A_88 : memref<10112x128xf32, #tpu.memory_space<vmem_shared>>) offsets(%dma_start3A_85 : memref<128xi32, #tpu.memory_space<vmem>>) semaphore(%run_scoped3A : memref<!tpu.dma_semaphore, #tpu.memory_space<semaphore_mem>>) {add = true}
            %dma_wait3A_89 = arith.constant 0 : i32
            %dma_wait3A_90 = tpu.memref_slice %arg11[%add3A_53, %dma_wait3A_89] : memref<40x128xi32, #tpu.memory_space<vmem>> -> memref<1x128xi32, #tpu.memory_space<vmem>>
            %dma_wait3A_91 = tpu.memref_squeeze %dma_wait3A_90 : memref<1x128xi32, #tpu.memory_space<vmem>> -> memref<128xi32, #tpu.memory_space<vmem>>
            %dma_wait3A_92 = arith.constant 0 : i32
            %dma_wait3A_93 = arith.constant 0 : i32
            %dma_wait3A_94 = tpu.memref_slice %arg16[%dma_wait3A_92, %dma_wait3A_93] : memref<10112x128xf32, #tpu.memory_space<vmem_shared>> -> memref<10112x128xf32, #tpu.memory_space<vmem_shared>>
            tpu.wait_indirect_dma semaphore(%run_scoped3A : memref<!tpu.dma_semaphore, #tpu.memory_space<semaphore_mem>>) src(%arg12 : memref<128x128xf32, #tpu.memory_space<vmem>>) dst(%dma_wait3A_94 : memref<10112x128xf32, #tpu.memory_space<vmem_shared>>)
            tpu.yield
          }) : () -> ()
          %add3A_67 = arith.constant 2 : i32
          %add3A_68 = arith.addi %add3A_53, %add3A_67 : i32
          %lt3A = arith.constant 40 : i32
          %lt3A_69 = arith.cmpi slt, %add3A_68, %lt3A : i32
          %convert_element_type3A_70 = arith.extui %lt3A_69 : i1 to i32
          %cond3A_71 = arith.constant 0 : i32
          %cond3A_72 = arith.cmpi ne, %convert_element_type3A_70, %cond3A_71 : i32
          scf.if %cond3A_72 {
            %add3A_83 = arith.constant 2 : i32
            %add3A_84 = arith.addi %add3A_53, %add3A_83 : i32
            %dma_start3A_85 = arith.constant 0 : i32
            %dma_start3A_86 = tpu.memref_slice %arg10[%add3A_84, %dma_start3A_85] : memref<40x128xi32, #tpu.memory_space<vmem>> -> memref<1x128xi32, #tpu.memory_space<vmem>>
            %dma_start3A_87 = tpu.memref_squeeze %dma_start3A_86 : memref<1x128xi32, #tpu.memory_space<vmem>> -> memref<128xi32, #tpu.memory_space<vmem>>
            %dma_start3A_88 = arith.constant 0 : i32
            %dma_start3A_89 = arith.constant 0 : i32
            %dma_start3A_90 = tpu.memref_slice %arg2[%dma_start3A_88, %dma_start3A_89] : memref<10112x128xf32, #tpu.memory_space<hbm>> -> memref<10112x128xf32, #tpu.memory_space<hbm>>
            tpu.enqueue_indirect_dma source(%dma_start3A_90 : memref<10112x128xf32, #tpu.memory_space<hbm>>) target(%arg12 : memref<128x128xf32, #tpu.memory_space<vmem>>) offsets(%dma_start3A_87 : memref<128xi32, #tpu.memory_space<vmem>>) semaphore(%arg14 : memref<!tpu.dma_semaphore, #tpu.memory_space<semaphore_mem>>)
          } else {
          }
          %add3A_73 = arith.constant 1 : i32
          %add3A_74 = arith.addi %add3A_53, %add3A_73 : i32
          %dma_wait3A_75 = arith.constant 0 : i32
          %dma_wait3A_76 = tpu.memref_slice %arg10[%add3A_74, %dma_wait3A_75] : memref<40x128xi32, #tpu.memory_space<vmem>> -> memref<1x128xi32, #tpu.memory_space<vmem>>
          %dma_wait3A_77 = tpu.memref_squeeze %dma_wait3A_76 : memref<1x128xi32, #tpu.memory_space<vmem>> -> memref<128xi32, #tpu.memory_space<vmem>>
          %dma_wait3A_78 = arith.constant 0 : i32
          %dma_wait3A_79 = arith.constant 0 : i32
          %dma_wait3A_80 = tpu.memref_slice %arg2[%dma_wait3A_78, %dma_wait3A_79] : memref<10112x128xf32, #tpu.memory_space<hbm>> -> memref<10112x128xf32, #tpu.memory_space<hbm>>
          tpu.wait_indirect_dma semaphore(%arg15 : memref<!tpu.dma_semaphore, #tpu.memory_space<semaphore_mem>>) src(%dma_wait3A_80 : memref<10112x128xf32, #tpu.memory_space<hbm>>) dst(%arg13 : memref<128x128xf32, #tpu.memory_space<vmem>>)
          %add3A_81 = arith.constant 1 : i32
          %add3A_82 = arith.addi %add3A_53, %add3A_81 : i32
          "tpu.region"() ({
            %run_scoped3A = tpu.sem_alloc : memref<!tpu.dma_semaphore, #tpu.memory_space<semaphore_mem>>
            %dma_start3A_83 = arith.constant 0 : i32
            %dma_start3A_84 = tpu.memref_slice %arg11[%add3A_82, %dma_start3A_83] : memref<40x128xi32, #tpu.memory_space<vmem>> -> memref<1x128xi32, #tpu.memory_space<vmem>>
            %dma_start3A_85 = tpu.memref_squeeze %dma_start3A_84 : memref<1x128xi32, #tpu.memory_space<vmem>> -> memref<128xi32, #tpu.memory_space<vmem>>
            %dma_start3A_86 = arith.constant 0 : i32
            %dma_start3A_87 = arith.constant 0 : i32
            %dma_start3A_88 = tpu.memref_slice %arg16[%dma_start3A_86, %dma_start3A_87] : memref<10112x128xf32, #tpu.memory_space<vmem_shared>> -> memref<10112x128xf32, #tpu.memory_space<vmem_shared>>
            tpu.enqueue_indirect_dma source(%arg13 : memref<128x128xf32, #tpu.memory_space<vmem>>) target(%dma_start3A_88 : memref<10112x128xf32, #tpu.memory_space<vmem_shared>>) offsets(%dma_start3A_85 : memref<128xi32, #tpu.memory_space<vmem>>) semaphore(%run_scoped3A : memref<!tpu.dma_semaphore, #tpu.memory_space<semaphore_mem>>) {add = true}
            %dma_wait3A_89 = arith.constant 0 : i32
            %dma_wait3A_90 = tpu.memref_slice %arg11[%add3A_82, %dma_wait3A_89] : memref<40x128xi32, #tpu.memory_space<vmem>> -> memref<1x128xi32, #tpu.memory_space<vmem>>
            %dma_wait3A_91 = tpu.memref_squeeze %dma_wait3A_90 : memref<1x128xi32, #tpu.memory_space<vmem>> -> memref<128xi32, #tpu.memory_space<vmem>>
            %dma_wait3A_92 = arith.constant 0 : i32
            %dma_wait3A_93 = arith.constant 0 : i32
            %dma_wait3A_94 = tpu.memref_slice %arg16[%dma_wait3A_92, %dma_wait3A_93] : memref<10112x128xf32, #tpu.memory_space<vmem_shared>> -> memref<10112x128xf32, #tpu.memory_space<vmem_shared>>
            tpu.wait_indirect_dma semaphore(%run_scoped3A : memref<!tpu.dma_semaphore, #tpu.memory_space<semaphore_mem>>) src(%arg13 : memref<128x128xf32, #tpu.memory_space<vmem>>) dst(%dma_wait3A_94 : memref<10112x128xf32, #tpu.memory_space<vmem_shared>>)
            tpu.yield
          }) : () -> ()
        }
        %scan3A_48 = arith.constant 20 : i32
      }
      %scan3A_30 = arith.constant 2 : i32
    } else {
    }
    %barrier3A_16 = arith.constant 0 : index
    tpu.barrier barrier_id(%barrier3A_16)
    %eq3A_17 = arith.constant 0 : i32
    %eq3A_18 = arith.cmpi eq, %arg0, %eq3A_17 : i32
    %convert_element_type3A_19 = arith.extui %eq3A_18 : i1 to i32
    %cond3A_20 = arith.constant 0 : i32
    %cond3A_21 = arith.cmpi ne, %convert_element_type3A_19, %cond3A_20 : i32
    scf.if %cond3A_21 {
      %mul3A = arith.constant 632 : i32
      %mul3A_27 = arith.muli %arg1, %mul3A : i32
      %mul3A_28 = arith.constant 632 : i32
      %mul3A_29 = arith.muli %arg1, %mul3A_28 : i32
      "tpu.region"() ({
        %run_scoped3A = tpu.sem_alloc : memref<!tpu.dma_semaphore, #tpu.memory_space<semaphore_mem>>
        %dma_start3A = arith.constant 0 : i32
        %dma_start3A_30 = tpu.memref_slice %arg8[%mul3A_29, %dma_start3A] : memref<10112x128xf32, #tpu.memory_space<hbm>> -> memref<632x128xf32, #tpu.memory_space<hbm>>
        %dma_start3A_31 = arith.constant 0 : i32
        %dma_start3A_32 = tpu.memref_slice %arg16[%mul3A_27, %dma_start3A_31] : memref<10112x128xf32, #tpu.memory_space<vmem_shared>> -> memref<632x128xf32, #tpu.memory_space<vmem_shared>>
        tpu.enqueue_dma source(%dma_start3A_32 : memref<632x128xf32, #tpu.memory_space<vmem_shared>>) target(%dma_start3A_30 : memref<632x128xf32, #tpu.memory_space<hbm>>) target_semaphore(%run_scoped3A : memref<!tpu.dma_semaphore, #tpu.memory_space<semaphore_mem>>)
        %dma_wait3A = arith.constant 0 : i32
        %dma_wait3A_33 = tpu.memref_slice %arg8[%mul3A_29, %dma_wait3A] : memref<10112x128xf32, #tpu.memory_space<hbm>> -> memref<632x128xf32, #tpu.memory_space<hbm>>
        %dma_wait3A_34 = arith.constant 0 : i32
        %dma_wait3A_35 = tpu.memref_slice %arg16[%mul3A_27, %dma_wait3A_34] : memref<10112x128xf32, #tpu.memory_space<vmem_shared>> -> memref<632x128xf32, #tpu.memory_space<vmem_shared>>
        tpu.wait_dma2 semaphore(%run_scoped3A : memref<!tpu.dma_semaphore, #tpu.memory_space<semaphore_mem>>) src(%dma_wait3A_35 : memref<632x128xf32, #tpu.memory_space<vmem_shared>>) dst(%dma_wait3A_33 : memref<632x128xf32, #tpu.memory_space<hbm>>)
        tpu.yield
      }) : () -> ()
    } else {
    }
    %eq3A_22 = arith.constant 1 : i32
    %eq3A_23 = arith.cmpi eq, %arg0, %eq3A_22 : i32
    %convert_element_type3A_24 = arith.extui %eq3A_23 : i1 to i32
    %cond3A_25 = arith.constant 0 : i32
    %cond3A_26 = arith.cmpi ne, %convert_element_type3A_24, %cond3A_25 : i32
    scf.if %cond3A_26 {
      %mul3A = arith.constant 632 : i32
      %mul3A_27 = arith.muli %arg1, %mul3A : i32
      %mul3A_28 = arith.constant 632 : i32
      %mul3A_29 = arith.muli %arg1, %mul3A_28 : i32
      "tpu.region"() ({
        %run_scoped3A = tpu.sem_alloc : memref<!tpu.dma_semaphore, #tpu.memory_space<semaphore_mem>>
        %dma_start3A = arith.constant 0 : i32
        %dma_start3A_30 = tpu.memref_slice %arg9[%mul3A_29, %dma_start3A] : memref<10112x128xf32, #tpu.memory_space<hbm>> -> memref<632x128xf32, #tpu.memory_space<hbm>>
        %dma_start3A_31 = arith.constant 0 : i32
        %dma_start3A_32 = tpu.memref_slice %arg16[%mul3A_27, %dma_start3A_31] : memref<10112x128xf32, #tpu.memory_space<vmem_shared>> -> memref<632x128xf32, #tpu.memory_space<vmem_shared>>
        tpu.enqueue_dma source(%dma_start3A_32 : memref<632x128xf32, #tpu.memory_space<vmem_shared>>) target(%dma_start3A_30 : memref<632x128xf32, #tpu.memory_space<hbm>>) target_semaphore(%run_scoped3A : memref<!tpu.dma_semaphore, #tpu.memory_space<semaphore_mem>>)
        %dma_wait3A = arith.constant 0 : i32
        %dma_wait3A_33 = tpu.memref_slice %arg9[%mul3A_29, %dma_wait3A] : memref<10112x128xf32, #tpu.memory_space<hbm>> -> memref<632x128xf32, #tpu.memory_space<hbm>>
        %dma_wait3A_34 = arith.constant 0 : i32
        %dma_wait3A_35 = tpu.memref_slice %arg16[%mul3A_27, %dma_wait3A_34] : memref<10112x128xf32, #tpu.memory_space<vmem_shared>> -> memref<632x128xf32, #tpu.memory_space<vmem_shared>>
        tpu.wait_dma2 semaphore(%run_scoped3A : memref<!tpu.dma_semaphore, #tpu.memory_space<semaphore_mem>>) src(%dma_wait3A_35 : memref<632x128xf32, #tpu.memory_space<vmem_shared>>) dst(%dma_wait3A_33 : memref<632x128xf32, #tpu.memory_space<hbm>>)
        tpu.yield
      }) : () -> ()
    } else {
    }
    return
  }
}

#map = affine_map<(d0, d1) -> (0, 0)>
#map1 = affine_map<(d0, d1) -> (0, 0, 0)>
module attributes {stable_mosaic.version = 14 : i64} {
  func.func @k(%arg0: i32, %arg1: i32, %arg2: memref<10112x128xf32, #tpu.memory_space<hbm>>, %arg3: memref<16x80x128xi32, #tpu.memory_space<hbm>>, %arg4: memref<16x80x128xi32, #tpu.memory_space<hbm>>, %arg5: memref<16x80x128xi32, #tpu.memory_space<hbm>>, %arg6: memref<16x80x128xi32, #tpu.memory_space<hbm>>, %arg7: memref<10112x128xf32, #tpu.memory_space<hbm>>, %arg8: memref<10112x128xf32, #tpu.memory_space<hbm>>, %arg9: memref<10112x128xf32, #tpu.memory_space<hbm>>, %arg10: memref<40x128xi32, #tpu.memory_space<vmem>>, %arg11: memref<40x128xi32, #tpu.memory_space<vmem>>, %arg12: memref<128x128xf32, #tpu.memory_space<vmem>>, %arg13: memref<128x128xf32, #tpu.memory_space<vmem>>, %arg14: memref<!tpu.dma_semaphore, #tpu.memory_space<semaphore_mem>>, %arg15: memref<!tpu.dma_semaphore, #tpu.memory_space<semaphore_mem>>, %arg16: memref<10112x128xf32, #tpu.memory_space<vmem_shared>>) attributes {dimension_semantics = [#tpu.dimension_semantics<core_parallel>, #tpu.dimension_semantics<subcore_parallel>], iteration_bounds = array<i64: 2, 16>, scalar_prefetch = 0 : i64, scratch_operands = 7 : i64, tpu.core_type = #tpu.core_type<sc_vector_subcore>, window_params = [{transform_indices = #map}, {transform_indices = #map1}, {transform_indices = #map1}, {transform_indices = #map1}, {transform_indices = #map1}, {transform_indices = #map}, {transform_indices = #map}, {transform_indices = #map}]} {
    %eq3A = arith.constant 0 : i32
    %eq3A_0 = arith.cmpi eq, %arg0, %eq3A : i32
    %convert_element_type3A = arith.extui %eq3A_0 : i1 to i32
    %cond3A = arith.constant 0 : i32
    %cond3A_1 = arith.cmpi ne, %convert_element_type3A, %cond3A : i32
    scf.if %cond3A_1 {
      %mul3A = arith.constant 632 : i32
      %mul3A_27 = arith.muli %arg1, %mul3A : i32
      %mul3A_28 = arith.constant 632 : i32
      %mul3A_29 = arith.muli %arg1, %mul3A_28 : i32
      "tpu.region"() ({
        %run_scoped3A = tpu.sem_alloc : memref<!tpu.dma_semaphore, #tpu.memory_space<semaphore_mem>>
        %dma_start3A = arith.constant 0 : i32
        %dma_start3A_30 = tpu.memref_slice %arg16[%mul3A_29, %dma_start3A] : memref<10112x128xf32, #tpu.memory_space<vmem_shared>> -> memref<632x128xf32, #tpu.memory_space<vmem_shared>>
        %dma_start3A_31 = arith.constant 0 : i32
        %dma_start3A_32 = tpu.memref_slice %arg2[%mul3A_27, %dma_start3A_31] : memref<10112x128xf32, #tpu.memory_space<hbm>> -> memref<632x128xf32, #tpu.memory_space<hbm>>
        tpu.enqueue_dma source(%dma_start3A_32 : memref<632x128xf32, #tpu.memory_space<hbm>>) target(%dma_start3A_30 : memref<632x128xf32, #tpu.memory_space<vmem_shared>>) target_semaphore(%run_scoped3A : memref<!tpu.dma_semaphore, #tpu.memory_space<semaphore_mem>>)
        %dma_wait3A = arith.constant 0 : i32
        %dma_wait3A_33 = tpu.memref_slice %arg16[%mul3A_29, %dma_wait3A] : memref<10112x128xf32, #tpu.memory_space<vmem_shared>> -> memref<632x128xf32, #tpu.memory_space<vmem_shared>>
        %dma_wait3A_34 = arith.constant 0 : i32
        %dma_wait3A_35 = tpu.memref_slice %arg2[%mul3A_27, %dma_wait3A_34] : memref<10112x128xf32, #tpu.memory_space<hbm>> -> memref<632x128xf32, #tpu.memory_space<hbm>>
        tpu.wait_dma2 semaphore(%run_scoped3A : memref<!tpu.dma_semaphore, #tpu.memory_space<semaphore_mem>>) src(%dma_wait3A_35 : memref<632x128xf32, #tpu.memory_space<hbm>>) dst(%dma_wait3A_33 : memref<632x128xf32, #tpu.memory_space<vmem_shared>>)
        tpu.yield
      }) : () -> ()
    } else {
    }
    %ne3A = arith.constant 0 : i32
    %ne3A_2 = arith.cmpi ne, %arg0, %ne3A : i32
    %convert_element_type3A_3 = arith.extui %ne3A_2 : i1 to i32
    %cond3A_4 = arith.constant 0 : i32
    %cond3A_5 = arith.cmpi ne, %convert_element_type3A_3, %cond3A_4 : i32
    scf.if %cond3A_5 {
      %mul3A = arith.constant 632 : i32
      %mul3A_27 = arith.muli %arg1, %mul3A : i32
      %mul3A_28 = arith.constant 632 : i32
      %mul3A_29 = arith.muli %arg1, %mul3A_28 : i32
      "tpu.region"() ({
        %run_scoped3A = tpu.sem_alloc : memref<!tpu.dma_semaphore, #tpu.memory_space<semaphore_mem>>
        %dma_start3A = arith.constant 0 : i32
        %dma_start3A_30 = tpu.memref_slice %arg16[%mul3A_29, %dma_start3A] : memref<10112x128xf32, #tpu.memory_space<vmem_shared>> -> memref<632x128xf32, #tpu.memory_space<vmem_shared>>
        %dma_start3A_31 = arith.constant 0 : i32
        %dma_start3A_32 = tpu.memref_slice %arg7[%mul3A_27, %dma_start3A_31] : memref<10112x128xf32, #tpu.memory_space<hbm>> -> memref<632x128xf32, #tpu.memory_space<hbm>>
        tpu.enqueue_dma source(%dma_start3A_32 : memref<632x128xf32, #tpu.memory_space<hbm>>) target(%dma_start3A_30 : memref<632x128xf32, #tpu.memory_space<vmem_shared>>) target_semaphore(%run_scoped3A : memref<!tpu.dma_semaphore, #tpu.memory_space<semaphore_mem>>)
        %dma_wait3A = arith.constant 0 : i32
        %dma_wait3A_33 = tpu.memref_slice %arg16[%mul3A_29, %dma_wait3A] : memref<10112x128xf32, #tpu.memory_space<vmem_shared>> -> memref<632x128xf32, #tpu.memory_space<vmem_shared>>
        %dma_wait3A_34 = arith.constant 0 : i32
        %dma_wait3A_35 = tpu.memref_slice %arg7[%mul3A_27, %dma_wait3A_34] : memref<10112x128xf32, #tpu.memory_space<hbm>> -> memref<632x128xf32, #tpu.memory_space<hbm>>
        tpu.wait_dma2 semaphore(%run_scoped3A : memref<!tpu.dma_semaphore, #tpu.memory_space<semaphore_mem>>) src(%dma_wait3A_35 : memref<632x128xf32, #tpu.memory_space<hbm>>) dst(%dma_wait3A_33 : memref<632x128xf32, #tpu.memory_space<vmem_shared>>)
        tpu.yield
      }) : () -> ()
    } else {
    }
    %barrier3A = arith.constant 0 : index
    tpu.barrier barrier_id(%barrier3A)
    %eq3A_6 = arith.constant 0 : i32
    %eq3A_7 = arith.cmpi eq, %arg0, %eq3A_6 : i32
    %convert_element_type3A_8 = arith.extui %eq3A_7 : i1 to i32
    %cond3A_9 = arith.constant 0 : i32
    %cond3A_10 = arith.cmpi ne, %convert_element_type3A_8, %cond3A_9 : i32
    scf.if %cond3A_10 {
      %scan3A = arith.constant 0 : i32
      %scan3A_27 = arith.constant 2 : i32
      %scan3A_28 = arith.addi %scan3A, %scan3A_27 : i32
      %scan3A_29 = arith.constant 1 : i32
      scf.for %scan3A_31 = %scan3A to %scan3A_28 step %scan3A_29  : i32 {
        %mul3A = arith.constant 1 : i32
        %mul3A_32 = arith.muli %scan3A_31, %mul3A : i32
        %add3A = arith.constant 0 : i32
        %add3A_33 = arith.addi %add3A, %mul3A_32 : i32
        %mul3A_34 = arith.constant 40 : i32
        %mul3A_35 = arith.muli %add3A_33, %mul3A_34 : i32
        "tpu.region"() ({
          %run_scoped3A = tpu.sem_alloc : memref<!tpu.dma_semaphore, #tpu.memory_space<semaphore_mem>>
          %dma_start3A_49 = arith.constant 0 : i32
          %dma_start3A_50 = tpu.memref_slice %arg3[%arg1, %mul3A_35, %dma_start3A_49] : memref<16x80x128xi32, #tpu.memory_space<hbm>> -> memref<1x40x128xi32, #tpu.memory_space<hbm>>
          %dma_start3A_51 = tpu.memref_squeeze %dma_start3A_50 : memref<1x40x128xi32, #tpu.memory_space<hbm>> -> memref<40x128xi32, #tpu.memory_space<hbm>>
          %dma_start3A_52 = arith.constant 0 : i32
          %dma_start3A_53 = tpu.memref_slice %arg3[%arg1, %mul3A_35, %dma_start3A_52] : memref<16x80x128xi32, #tpu.memory_space<hbm>> -> memref<1x40x128xi32, #tpu.memory_space<hbm>>
          %dma_start3A_54 = tpu.memref_squeeze %dma_start3A_53 : memref<1x40x128xi32, #tpu.memory_space<hbm>> -> memref<40x128xi32, #tpu.memory_space<hbm>>
          tpu.enqueue_dma source(%dma_start3A_54 : memref<40x128xi32, #tpu.memory_space<hbm>>) target(%arg10 : memref<40x128xi32, #tpu.memory_space<vmem>>) target_semaphore(%run_scoped3A : memref<!tpu.dma_semaphore, #tpu.memory_space<semaphore_mem>>)
          %dma_wait3A = arith.constant 0 : i32
          %dma_wait3A_55 = tpu.memref_slice %arg3[%arg1, %mul3A_35, %dma_wait3A] : memref<16x80x128xi32, #tpu.memory_space<hbm>> -> memref<1x40x128xi32, #tpu.memory_space<hbm>>
          %dma_wait3A_56 = tpu.memref_squeeze %dma_wait3A_55 : memref<1x40x128xi32, #tpu.memory_space<hbm>> -> memref<40x128xi32, #tpu.memory_space<hbm>>
          %dma_wait3A_57 = arith.constant 0 : i32
          %dma_wait3A_58 = tpu.memref_slice %arg3[%arg1, %mul3A_35, %dma_wait3A_57] : memref<16x80x128xi32, #tpu.memory_space<hbm>> -> memref<1x40x128xi32, #tpu.memory_space<hbm>>
          %dma_wait3A_59 = tpu.memref_squeeze %dma_wait3A_58 : memref<1x40x128xi32, #tpu.memory_space<hbm>> -> memref<40x128xi32, #tpu.memory_space<hbm>>
          tpu.wait_dma2 semaphore(%run_scoped3A : memref<!tpu.dma_semaphore, #tpu.memory_space<semaphore_mem>>) src(%dma_wait3A_59 : memref<40x128xi32, #tpu.memory_space<hbm>>) dst(%arg10 : memref<40x128xi32, #tpu.memory_space<vmem>>)
          tpu.yield
        }) : () -> ()
        %mul3A_36 = arith.constant 40 : i32
        %mul3A_37 = arith.muli %add3A_33, %mul3A_36 : i32
        "tpu.region"() ({
          %run_scoped3A = tpu.sem_alloc : memref<!tpu.dma_semaphore, #tpu.memory_space<semaphore_mem>>
          %dma_start3A_49 = arith.constant 0 : i32
          %dma_start3A_50 = tpu.memref_slice %arg4[%arg1, %mul3A_37, %dma_start3A_49] : memref<16x80x128xi32, #tpu.memory_space<hbm>> -> memref<1x40x128xi32, #tpu.memory_space<hbm>>
          %dma_start3A_51 = tpu.memref_squeeze %dma_start3A_50 : memref<1x40x128xi32, #tpu.memory_space<hbm>> -> memref<40x128xi32, #tpu.memory_space<hbm>>
          %dma_start3A_52 = arith.constant 0 : i32
          %dma_start3A_53 = tpu.memref_slice %arg4[%arg1, %mul3A_37, %dma_start3A_52] : memref<16x80x128xi32, #tpu.memory_space<hbm>> -> memref<1x40x128xi32, #tpu.memory_space<hbm>>
          %dma_start3A_54 = tpu.memref_squeeze %dma_start3A_53 : memref<1x40x128xi32, #tpu.memory_space<hbm>> -> memref<40x128xi32, #tpu.memory_space<hbm>>
          tpu.enqueue_dma source(%dma_start3A_54 : memref<40x128xi32, #tpu.memory_space<hbm>>) target(%arg11 : memref<40x128xi32, #tpu.memory_space<vmem>>) target_semaphore(%run_scoped3A : memref<!tpu.dma_semaphore, #tpu.memory_space<semaphore_mem>>)
          %dma_wait3A = arith.constant 0 : i32
          %dma_wait3A_55 = tpu.memref_slice %arg4[%arg1, %mul3A_37, %dma_wait3A] : memref<16x80x128xi32, #tpu.memory_space<hbm>> -> memref<1x40x128xi32, #tpu.memory_space<hbm>>
          %dma_wait3A_56 = tpu.memref_squeeze %dma_wait3A_55 : memref<1x40x128xi32, #tpu.memory_space<hbm>> -> memref<40x128xi32, #tpu.memory_space<hbm>>
          %dma_wait3A_57 = arith.constant 0 : i32
          %dma_wait3A_58 = tpu.memref_slice %arg4[%arg1, %mul3A_37, %dma_wait3A_57] : memref<16x80x128xi32, #tpu.memory_space<hbm>> -> memref<1x40x128xi32, #tpu.memory_space<hbm>>
          %dma_wait3A_59 = tpu.memref_squeeze %dma_wait3A_58 : memref<1x40x128xi32, #tpu.memory_space<hbm>> -> memref<40x128xi32, #tpu.memory_space<hbm>>
          tpu.wait_dma2 semaphore(%run_scoped3A : memref<!tpu.dma_semaphore, #tpu.memory_space<semaphore_mem>>) src(%dma_wait3A_59 : memref<40x128xi32, #tpu.memory_space<hbm>>) dst(%arg11 : memref<40x128xi32, #tpu.memory_space<vmem>>)
          tpu.yield
        }) : () -> ()
        %dma_start3A = arith.constant 0 : i32
        %dma_start3A_38 = arith.constant 0 : i32
        %dma_start3A_39 = tpu.memref_slice %arg10[%dma_start3A, %dma_start3A_38] : memref<40x128xi32, #tpu.memory_space<vmem>> -> memref<1x128xi32, #tpu.memory_space<vmem>>
        %dma_start3A_40 = tpu.memref_squeeze %dma_start3A_39 : memref<1x128xi32, #tpu.memory_space<vmem>> -> memref<128xi32, #tpu.memory_space<vmem>>
        %dma_start3A_41 = arith.constant 0 : i32
        %dma_start3A_42 = arith.constant 0 : i32
        %dma_start3A_43 = tpu.memref_slice %arg2[%dma_start3A_41, %dma_start3A_42] : memref<10112x128xf32, #tpu.memory_space<hbm>> -> memref<10112x128xf32, #tpu.memory_space<hbm>>
        tpu.enqueue_indirect_dma source(%dma_start3A_43 : memref<10112x128xf32, #tpu.memory_space<hbm>>) target(%arg12 : memref<128x128xf32, #tpu.memory_space<vmem>>) offsets(%dma_start3A_40 : memref<128xi32, #tpu.memory_space<vmem>>) semaphore(%arg14 : memref<!tpu.dma_semaphore, #tpu.memory_space<semaphore_mem>>)
        %scan3A_44 = arith.constant 0 : i32
        %scan3A_45 = arith.constant 20 : i32
        %scan3A_46 = arith.addi %scan3A_44, %scan3A_45 : i32
        %scan3A_47 = arith.constant 1 : i32
        scf.for %scan3A_49 = %scan3A_44 to %scan3A_46 step %scan3A_47  : i32 {
          %mul3A_50 = arith.constant 2 : i32
          %mul3A_51 = arith.muli %scan3A_49, %mul3A_50 : i32
          %add3A_52 = arith.constant 0 : i32
          %add3A_53 = arith.addi %add3A_52, %mul3A_51 : i32
          %add3A_54 = arith.constant 1 : i32
          %add3A_55 = arith.addi %add3A_53, %add3A_54 : i32
          %dma_start3A_56 = arith.constant 0 : i32
          %dma_start3A_57 = tpu.memref_slice %arg10[%add3A_55, %dma_start3A_56] : memref<40x128xi32, #tpu.memory_space<vmem>> -> memref<1x128xi32, #tpu.memory_space<vmem>>
          %dma_start3A_58 = tpu.memref_squeeze %dma_start3A_57 : memref<1x128xi32, #tpu.memory_space<vmem>> -> memref<128xi32, #tpu.memory_space<vmem>>
          %dma_start3A_59 = arith.constant 0 : i32
          %dma_start3A_60 = arith.constant 0 : i32
          %dma_start3A_61 = tpu.memref_slice %arg2[%dma_start3A_59, %dma_start3A_60] : memref<10112x128xf32, #tpu.memory_space<hbm>> -> memref<10112x128xf32, #tpu.memory_space<hbm>>
          tpu.enqueue_indirect_dma source(%dma_start3A_61 : memref<10112x128xf32, #tpu.memory_space<hbm>>) target(%arg13 : memref<128x128xf32, #tpu.memory_space<vmem>>) offsets(%dma_start3A_58 : memref<128xi32, #tpu.memory_space<vmem>>) semaphore(%arg15 : memref<!tpu.dma_semaphore, #tpu.memory_space<semaphore_mem>>)
          %dma_wait3A = arith.constant 0 : i32
          %dma_wait3A_62 = tpu.memref_slice %arg10[%add3A_53, %dma_wait3A] : memref<40x128xi32, #tpu.memory_space<vmem>> -> memref<1x128xi32, #tpu.memory_space<vmem>>
          %dma_wait3A_63 = tpu.memref_squeeze %dma_wait3A_62 : memref<1x128xi32, #tpu.memory_space<vmem>> -> memref<128xi32, #tpu.memory_space<vmem>>
          %dma_wait3A_64 = arith.constant 0 : i32
          %dma_wait3A_65 = arith.constant 0 : i32
          %dma_wait3A_66 = tpu.memref_slice %arg2[%dma_wait3A_64, %dma_wait3A_65] : memref<10112x128xf32, #tpu.memory_space<hbm>> -> memref<10112x128xf32, #tpu.memory_space<hbm>>
          tpu.wait_indirect_dma semaphore(%arg14 : memref<!tpu.dma_semaphore, #tpu.memory_space<semaphore_mem>>) src(%dma_wait3A_66 : memref<10112x128xf32, #tpu.memory_space<hbm>>) dst(%arg12 : memref<128x128xf32, #tpu.memory_space<vmem>>)
          "tpu.region"() ({
            %run_scoped3A = tpu.sem_alloc : memref<!tpu.dma_semaphore, #tpu.memory_space<semaphore_mem>>
            %dma_start3A_83 = arith.constant 0 : i32
            %dma_start3A_84 = tpu.memref_slice %arg11[%add3A_53, %dma_start3A_83] : memref<40x128xi32, #tpu.memory_space<vmem>> -> memref<1x128xi32, #tpu.memory_space<vmem>>
            %dma_start3A_85 = tpu.memref_squeeze %dma_start3A_84 : memref<1x128xi32, #tpu.memory_space<vmem>> -> memref<128xi32, #tpu.memory_space<vmem>>
            %dma_start3A_86 = arith.constant 0 : i32
            %dma_start3A_87 = arith.constant 0 : i32
            %dma_start3A_88 = tpu.memref_slice %arg16[%dma_start3A_86, %dma_start3A_87] : memref<10112x128xf32, #tpu.memory_space<vmem_shared>> -> memref<10112x128xf32, #tpu.memory_space<vmem_shared>>
            tpu.enqueue_indirect_dma source(%arg12 : memref<128x128xf32, #tpu.memory_space<vmem>>) target(%dma_start3A_88 : memref<10112x128xf32, #tpu.memory_space<vmem_shared>>) offsets(%dma_start3A_85 : memref<128xi32, #tpu.memory_space<vmem>>) semaphore(%run_scoped3A : memref<!tpu.dma_semaphore, #tpu.memory_space<semaphore_mem>>) {add = true}
            %dma_wait3A_89 = arith.constant 0 : i32
            %dma_wait3A_90 = tpu.memref_slice %arg11[%add3A_53, %dma_wait3A_89] : memref<40x128xi32, #tpu.memory_space<vmem>> -> memref<1x128xi32, #tpu.memory_space<vmem>>
            %dma_wait3A_91 = tpu.memref_squeeze %dma_wait3A_90 : memref<1x128xi32, #tpu.memory_space<vmem>> -> memref<128xi32, #tpu.memory_space<vmem>>
            %dma_wait3A_92 = arith.constant 0 : i32
            %dma_wait3A_93 = arith.constant 0 : i32
            %dma_wait3A_94 = tpu.memref_slice %arg16[%dma_wait3A_92, %dma_wait3A_93] : memref<10112x128xf32, #tpu.memory_space<vmem_shared>> -> memref<10112x128xf32, #tpu.memory_space<vmem_shared>>
            tpu.wait_indirect_dma semaphore(%run_scoped3A : memref<!tpu.dma_semaphore, #tpu.memory_space<semaphore_mem>>) src(%arg12 : memref<128x128xf32, #tpu.memory_space<vmem>>) dst(%dma_wait3A_94 : memref<10112x128xf32, #tpu.memory_space<vmem_shared>>)
            tpu.yield
          }) : () -> ()
          %add3A_67 = arith.constant 2 : i32
          %add3A_68 = arith.addi %add3A_53, %add3A_67 : i32
          %lt3A = arith.constant 40 : i32
          %lt3A_69 = arith.cmpi slt, %add3A_68, %lt3A : i32
          %convert_element_type3A_70 = arith.extui %lt3A_69 : i1 to i32
          %cond3A_71 = arith.constant 0 : i32
          %cond3A_72 = arith.cmpi ne, %convert_element_type3A_70, %cond3A_71 : i32
          scf.if %cond3A_72 {
            %add3A_83 = arith.constant 2 : i32
            %add3A_84 = arith.addi %add3A_53, %add3A_83 : i32
            %dma_start3A_85 = arith.constant 0 : i32
            %dma_start3A_86 = tpu.memref_slice %arg10[%add3A_84, %dma_start3A_85] : memref<40x128xi32, #tpu.memory_space<vmem>> -> memref<1x128xi32, #tpu.memory_space<vmem>>
            %dma_start3A_87 = tpu.memref_squeeze %dma_start3A_86 : memref<1x128xi32, #tpu.memory_space<vmem>> -> memref<128xi32, #tpu.memory_space<vmem>>
            %dma_start3A_88 = arith.constant 0 : i32
            %dma_start3A_89 = arith.constant 0 : i32
            %dma_start3A_90 = tpu.memref_slice %arg2[%dma_start3A_88, %dma_start3A_89] : memref<10112x128xf32, #tpu.memory_space<hbm>> -> memref<10112x128xf32, #tpu.memory_space<hbm>>
            tpu.enqueue_indirect_dma source(%dma_start3A_90 : memref<10112x128xf32, #tpu.memory_space<hbm>>) target(%arg12 : memref<128x128xf32, #tpu.memory_space<vmem>>) offsets(%dma_start3A_87 : memref<128xi32, #tpu.memory_space<vmem>>) semaphore(%arg14 : memref<!tpu.dma_semaphore, #tpu.memory_space<semaphore_mem>>)
          } else {
          }
          %add3A_73 = arith.constant 1 : i32
          %add3A_74 = arith.addi %add3A_53, %add3A_73 : i32
          %dma_wait3A_75 = arith.constant 0 : i32
          %dma_wait3A_76 = tpu.memref_slice %arg10[%add3A_74, %dma_wait3A_75] : memref<40x128xi32, #tpu.memory_space<vmem>> -> memref<1x128xi32, #tpu.memory_space<vmem>>
          %dma_wait3A_77 = tpu.memref_squeeze %dma_wait3A_76 : memref<1x128xi32, #tpu.memory_space<vmem>> -> memref<128xi32, #tpu.memory_space<vmem>>
          %dma_wait3A_78 = arith.constant 0 : i32
          %dma_wait3A_79 = arith.constant 0 : i32
          %dma_wait3A_80 = tpu.memref_slice %arg2[%dma_wait3A_78, %dma_wait3A_79] : memref<10112x128xf32, #tpu.memory_space<hbm>> -> memref<10112x128xf32, #tpu.memory_space<hbm>>
          tpu.wait_indirect_dma semaphore(%arg15 : memref<!tpu.dma_semaphore, #tpu.memory_space<semaphore_mem>>) src(%dma_wait3A_80 : memref<10112x128xf32, #tpu.memory_space<hbm>>) dst(%arg13 : memref<128x128xf32, #tpu.memory_space<vmem>>)
          %add3A_81 = arith.constant 1 : i32
          %add3A_82 = arith.addi %add3A_53, %add3A_81 : i32
          "tpu.region"() ({
            %run_scoped3A = tpu.sem_alloc : memref<!tpu.dma_semaphore, #tpu.memory_space<semaphore_mem>>
            %dma_start3A_83 = arith.constant 0 : i32
            %dma_start3A_84 = tpu.memref_slice %arg11[%add3A_82, %dma_start3A_83] : memref<40x128xi32, #tpu.memory_space<vmem>> -> memref<1x128xi32, #tpu.memory_space<vmem>>
            %dma_start3A_85 = tpu.memref_squeeze %dma_start3A_84 : memref<1x128xi32, #tpu.memory_space<vmem>> -> memref<128xi32, #tpu.memory_space<vmem>>
            %dma_start3A_86 = arith.constant 0 : i32
            %dma_start3A_87 = arith.constant 0 : i32
            %dma_start3A_88 = tpu.memref_slice %arg16[%dma_start3A_86, %dma_start3A_87] : memref<10112x128xf32, #tpu.memory_space<vmem_shared>> -> memref<10112x128xf32, #tpu.memory_space<vmem_shared>>
            tpu.enqueue_indirect_dma source(%arg13 : memref<128x128xf32, #tpu.memory_space<vmem>>) target(%dma_start3A_88 : memref<10112x128xf32, #tpu.memory_space<vmem_shared>>) offsets(%dma_start3A_85 : memref<128xi32, #tpu.memory_space<vmem>>) semaphore(%run_scoped3A : memref<!tpu.dma_semaphore, #tpu.memory_space<semaphore_mem>>) {add = true}
            %dma_wait3A_89 = arith.constant 0 : i32
            %dma_wait3A_90 = tpu.memref_slice %arg11[%add3A_82, %dma_wait3A_89] : memref<40x128xi32, #tpu.memory_space<vmem>> -> memref<1x128xi32, #tpu.memory_space<vmem>>
            %dma_wait3A_91 = tpu.memref_squeeze %dma_wait3A_90 : memref<1x128xi32, #tpu.memory_space<vmem>> -> memref<128xi32, #tpu.memory_space<vmem>>
            %dma_wait3A_92 = arith.constant 0 : i32
            %dma_wait3A_93 = arith.constant 0 : i32
            %dma_wait3A_94 = tpu.memref_slice %arg16[%dma_wait3A_92, %dma_wait3A_93] : memref<10112x128xf32, #tpu.memory_space<vmem_shared>> -> memref<10112x128xf32, #tpu.memory_space<vmem_shared>>
            tpu.wait_indirect_dma semaphore(%run_scoped3A : memref<!tpu.dma_semaphore, #tpu.memory_space<semaphore_mem>>) src(%arg13 : memref<128x128xf32, #tpu.memory_space<vmem>>) dst(%dma_wait3A_94 : memref<10112x128xf32, #tpu.memory_space<vmem_shared>>)
            tpu.yield
          }) : () -> ()
        }
        %scan3A_48 = arith.constant 20 : i32
      }
      %scan3A_30 = arith.constant 2 : i32
    } else {
    }
    %eq3A_11 = arith.constant 1 : i32
    %eq3A_12 = arith.cmpi eq, %arg0, %eq3A_11 : i32
    %convert_element_type3A_13 = arith.extui %eq3A_12 : i1 to i32
    %cond3A_14 = arith.constant 0 : i32
    %cond3A_15 = arith.cmpi ne, %convert_element_type3A_13, %cond3A_14 : i32
    scf.if %cond3A_15 {
      %scan3A = arith.constant 0 : i32
      %scan3A_27 = arith.constant 2 : i32
      %scan3A_28 = arith.addi %scan3A, %scan3A_27 : i32
      %scan3A_29 = arith.constant 1 : i32
      scf.for %scan3A_31 = %scan3A to %scan3A_28 step %scan3A_29  : i32 {
        %mul3A = arith.constant 1 : i32
        %mul3A_32 = arith.muli %scan3A_31, %mul3A : i32
        %add3A = arith.constant 0 : i32
        %add3A_33 = arith.addi %add3A, %mul3A_32 : i32
        %mul3A_34 = arith.constant 40 : i32
        %mul3A_35 = arith.muli %add3A_33, %mul3A_34 : i32
        "tpu.region"() ({
          %run_scoped3A = tpu.sem_alloc : memref<!tpu.dma_semaphore, #tpu.memory_space<semaphore_mem>>
          %dma_start3A_49 = arith.constant 0 : i32
          %dma_start3A_50 = tpu.memref_slice %arg5[%arg1, %mul3A_35, %dma_start3A_49] : memref<16x80x128xi32, #tpu.memory_space<hbm>> -> memref<1x40x128xi32, #tpu.memory_space<hbm>>
          %dma_start3A_51 = tpu.memref_squeeze %dma_start3A_50 : memref<1x40x128xi32, #tpu.memory_space<hbm>> -> memref<40x128xi32, #tpu.memory_space<hbm>>
          %dma_start3A_52 = arith.constant 0 : i32
          %dma_start3A_53 = tpu.memref_slice %arg5[%arg1, %mul3A_35, %dma_start3A_52] : memref<16x80x128xi32, #tpu.memory_space<hbm>> -> memref<1x40x128xi32, #tpu.memory_space<hbm>>
          %dma_start3A_54 = tpu.memref_squeeze %dma_start3A_53 : memref<1x40x128xi32, #tpu.memory_space<hbm>> -> memref<40x128xi32, #tpu.memory_space<hbm>>
          tpu.enqueue_dma source(%dma_start3A_54 : memref<40x128xi32, #tpu.memory_space<hbm>>) target(%arg10 : memref<40x128xi32, #tpu.memory_space<vmem>>) target_semaphore(%run_scoped3A : memref<!tpu.dma_semaphore, #tpu.memory_space<semaphore_mem>>)
          %dma_wait3A = arith.constant 0 : i32
          %dma_wait3A_55 = tpu.memref_slice %arg5[%arg1, %mul3A_35, %dma_wait3A] : memref<16x80x128xi32, #tpu.memory_space<hbm>> -> memref<1x40x128xi32, #tpu.memory_space<hbm>>
          %dma_wait3A_56 = tpu.memref_squeeze %dma_wait3A_55 : memref<1x40x128xi32, #tpu.memory_space<hbm>> -> memref<40x128xi32, #tpu.memory_space<hbm>>
          %dma_wait3A_57 = arith.constant 0 : i32
          %dma_wait3A_58 = tpu.memref_slice %arg5[%arg1, %mul3A_35, %dma_wait3A_57] : memref<16x80x128xi32, #tpu.memory_space<hbm>> -> memref<1x40x128xi32, #tpu.memory_space<hbm>>
          %dma_wait3A_59 = tpu.memref_squeeze %dma_wait3A_58 : memref<1x40x128xi32, #tpu.memory_space<hbm>> -> memref<40x128xi32, #tpu.memory_space<hbm>>
          tpu.wait_dma2 semaphore(%run_scoped3A : memref<!tpu.dma_semaphore, #tpu.memory_space<semaphore_mem>>) src(%dma_wait3A_59 : memref<40x128xi32, #tpu.memory_space<hbm>>) dst(%arg10 : memref<40x128xi32, #tpu.memory_space<vmem>>)
          tpu.yield
        }) : () -> ()
        %mul3A_36 = arith.constant 40 : i32
        %mul3A_37 = arith.muli %add3A_33, %mul3A_36 : i32
        "tpu.region"() ({
          %run_scoped3A = tpu.sem_alloc : memref<!tpu.dma_semaphore, #tpu.memory_space<semaphore_mem>>
          %dma_start3A_49 = arith.constant 0 : i32
          %dma_start3A_50 = tpu.memref_slice %arg6[%arg1, %mul3A_37, %dma_start3A_49] : memref<16x80x128xi32, #tpu.memory_space<hbm>> -> memref<1x40x128xi32, #tpu.memory_space<hbm>>
          %dma_start3A_51 = tpu.memref_squeeze %dma_start3A_50 : memref<1x40x128xi32, #tpu.memory_space<hbm>> -> memref<40x128xi32, #tpu.memory_space<hbm>>
          %dma_start3A_52 = arith.constant 0 : i32
          %dma_start3A_53 = tpu.memref_slice %arg6[%arg1, %mul3A_37, %dma_start3A_52] : memref<16x80x128xi32, #tpu.memory_space<hbm>> -> memref<1x40x128xi32, #tpu.memory_space<hbm>>
          %dma_start3A_54 = tpu.memref_squeeze %dma_start3A_53 : memref<1x40x128xi32, #tpu.memory_space<hbm>> -> memref<40x128xi32, #tpu.memory_space<hbm>>
          tpu.enqueue_dma source(%dma_start3A_54 : memref<40x128xi32, #tpu.memory_space<hbm>>) target(%arg11 : memref<40x128xi32, #tpu.memory_space<vmem>>) target_semaphore(%run_scoped3A : memref<!tpu.dma_semaphore, #tpu.memory_space<semaphore_mem>>)
          %dma_wait3A = arith.constant 0 : i32
          %dma_wait3A_55 = tpu.memref_slice %arg6[%arg1, %mul3A_37, %dma_wait3A] : memref<16x80x128xi32, #tpu.memory_space<hbm>> -> memref<1x40x128xi32, #tpu.memory_space<hbm>>
          %dma_wait3A_56 = tpu.memref_squeeze %dma_wait3A_55 : memref<1x40x128xi32, #tpu.memory_space<hbm>> -> memref<40x128xi32, #tpu.memory_space<hbm>>
          %dma_wait3A_57 = arith.constant 0 : i32
          %dma_wait3A_58 = tpu.memref_slice %arg6[%arg1, %mul3A_37, %dma_wait3A_57] : memref<16x80x128xi32, #tpu.memory_space<hbm>> -> memref<1x40x128xi32, #tpu.memory_space<hbm>>
          %dma_wait3A_59 = tpu.memref_squeeze %dma_wait3A_58 : memref<1x40x128xi32, #tpu.memory_space<hbm>> -> memref<40x128xi32, #tpu.memory_space<hbm>>
          tpu.wait_dma2 semaphore(%run_scoped3A : memref<!tpu.dma_semaphore, #tpu.memory_space<semaphore_mem>>) src(%dma_wait3A_59 : memref<40x128xi32, #tpu.memory_space<hbm>>) dst(%arg11 : memref<40x128xi32, #tpu.memory_space<vmem>>)
          tpu.yield
        }) : () -> ()
        %dma_start3A = arith.constant 0 : i32
        %dma_start3A_38 = arith.constant 0 : i32
        %dma_start3A_39 = tpu.memref_slice %arg10[%dma_start3A, %dma_start3A_38] : memref<40x128xi32, #tpu.memory_space<vmem>> -> memref<1x128xi32, #tpu.memory_space<vmem>>
        %dma_start3A_40 = tpu.memref_squeeze %dma_start3A_39 : memref<1x128xi32, #tpu.memory_space<vmem>> -> memref<128xi32, #tpu.memory_space<vmem>>
        %dma_start3A_41 = arith.constant 0 : i32
        %dma_start3A_42 = arith.constant 0 : i32
        %dma_start3A_43 = tpu.memref_slice %arg2[%dma_start3A_41, %dma_start3A_42] : memref<10112x128xf32, #tpu.memory_space<hbm>> -> memref<10112x128xf32, #tpu.memory_space<hbm>>
        tpu.enqueue_indirect_dma source(%dma_start3A_43 : memref<10112x128xf32, #tpu.memory_space<hbm>>) target(%arg12 : memref<128x128xf32, #tpu.memory_space<vmem>>) offsets(%dma_start3A_40 : memref<128xi32, #tpu.memory_space<vmem>>) semaphore(%arg14 : memref<!tpu.dma_semaphore, #tpu.memory_space<semaphore_mem>>)
        %scan3A_44 = arith.constant 0 : i32
        %scan3A_45 = arith.constant 20 : i32
        %scan3A_46 = arith.addi %scan3A_44, %scan3A_45 : i32
        %scan3A_47 = arith.constant 1 : i32
        scf.for %scan3A_49 = %scan3A_44 to %scan3A_46 step %scan3A_47  : i32 {
          %mul3A_50 = arith.constant 2 : i32
          %mul3A_51 = arith.muli %scan3A_49, %mul3A_50 : i32
          %add3A_52 = arith.constant 0 : i32
          %add3A_53 = arith.addi %add3A_52, %mul3A_51 : i32
          %add3A_54 = arith.constant 1 : i32
          %add3A_55 = arith.addi %add3A_53, %add3A_54 : i32
          %dma_start3A_56 = arith.constant 0 : i32
          %dma_start3A_57 = tpu.memref_slice %arg10[%add3A_55, %dma_start3A_56] : memref<40x128xi32, #tpu.memory_space<vmem>> -> memref<1x128xi32, #tpu.memory_space<vmem>>
          %dma_start3A_58 = tpu.memref_squeeze %dma_start3A_57 : memref<1x128xi32, #tpu.memory_space<vmem>> -> memref<128xi32, #tpu.memory_space<vmem>>
          %dma_start3A_59 = arith.constant 0 : i32
          %dma_start3A_60 = arith.constant 0 : i32
          %dma_start3A_61 = tpu.memref_slice %arg2[%dma_start3A_59, %dma_start3A_60] : memref<10112x128xf32, #tpu.memory_space<hbm>> -> memref<10112x128xf32, #tpu.memory_space<hbm>>
          tpu.enqueue_indirect_dma source(%dma_start3A_61 : memref<10112x128xf32, #tpu.memory_space<hbm>>) target(%arg13 : memref<128x128xf32, #tpu.memory_space<vmem>>) offsets(%dma_start3A_58 : memref<128xi32, #tpu.memory_space<vmem>>) semaphore(%arg15 : memref<!tpu.dma_semaphore, #tpu.memory_space<semaphore_mem>>)
          %dma_wait3A = arith.constant 0 : i32
          %dma_wait3A_62 = tpu.memref_slice %arg10[%add3A_53, %dma_wait3A] : memref<40x128xi32, #tpu.memory_space<vmem>> -> memref<1x128xi32, #tpu.memory_space<vmem>>
          %dma_wait3A_63 = tpu.memref_squeeze %dma_wait3A_62 : memref<1x128xi32, #tpu.memory_space<vmem>> -> memref<128xi32, #tpu.memory_space<vmem>>
          %dma_wait3A_64 = arith.constant 0 : i32
          %dma_wait3A_65 = arith.constant 0 : i32
          %dma_wait3A_66 = tpu.memref_slice %arg2[%dma_wait3A_64, %dma_wait3A_65] : memref<10112x128xf32, #tpu.memory_space<hbm>> -> memref<10112x128xf32, #tpu.memory_space<hbm>>
          tpu.wait_indirect_dma semaphore(%arg14 : memref<!tpu.dma_semaphore, #tpu.memory_space<semaphore_mem>>) src(%dma_wait3A_66 : memref<10112x128xf32, #tpu.memory_space<hbm>>) dst(%arg12 : memref<128x128xf32, #tpu.memory_space<vmem>>)
          "tpu.region"() ({
            %run_scoped3A = tpu.sem_alloc : memref<!tpu.dma_semaphore, #tpu.memory_space<semaphore_mem>>
            %dma_start3A_83 = arith.constant 0 : i32
            %dma_start3A_84 = tpu.memref_slice %arg11[%add3A_53, %dma_start3A_83] : memref<40x128xi32, #tpu.memory_space<vmem>> -> memref<1x128xi32, #tpu.memory_space<vmem>>
            %dma_start3A_85 = tpu.memref_squeeze %dma_start3A_84 : memref<1x128xi32, #tpu.memory_space<vmem>> -> memref<128xi32, #tpu.memory_space<vmem>>
            %dma_start3A_86 = arith.constant 0 : i32
            %dma_start3A_87 = arith.constant 0 : i32
            %dma_start3A_88 = tpu.memref_slice %arg16[%dma_start3A_86, %dma_start3A_87] : memref<10112x128xf32, #tpu.memory_space<vmem_shared>> -> memref<10112x128xf32, #tpu.memory_space<vmem_shared>>
            tpu.enqueue_indirect_dma source(%arg12 : memref<128x128xf32, #tpu.memory_space<vmem>>) target(%dma_start3A_88 : memref<10112x128xf32, #tpu.memory_space<vmem_shared>>) offsets(%dma_start3A_85 : memref<128xi32, #tpu.memory_space<vmem>>) semaphore(%run_scoped3A : memref<!tpu.dma_semaphore, #tpu.memory_space<semaphore_mem>>) {add = true}
            %dma_wait3A_89 = arith.constant 0 : i32
            %dma_wait3A_90 = tpu.memref_slice %arg11[%add3A_53, %dma_wait3A_89] : memref<40x128xi32, #tpu.memory_space<vmem>> -> memref<1x128xi32, #tpu.memory_space<vmem>>
            %dma_wait3A_91 = tpu.memref_squeeze %dma_wait3A_90 : memref<1x128xi32, #tpu.memory_space<vmem>> -> memref<128xi32, #tpu.memory_space<vmem>>
            %dma_wait3A_92 = arith.constant 0 : i32
            %dma_wait3A_93 = arith.constant 0 : i32
            %dma_wait3A_94 = tpu.memref_slice %arg16[%dma_wait3A_92, %dma_wait3A_93] : memref<10112x128xf32, #tpu.memory_space<vmem_shared>> -> memref<10112x128xf32, #tpu.memory_space<vmem_shared>>
            tpu.wait_indirect_dma semaphore(%run_scoped3A : memref<!tpu.dma_semaphore, #tpu.memory_space<semaphore_mem>>) src(%arg12 : memref<128x128xf32, #tpu.memory_space<vmem>>) dst(%dma_wait3A_94 : memref<10112x128xf32, #tpu.memory_space<vmem_shared>>)
            tpu.yield
          }) : () -> ()
          %add3A_67 = arith.constant 2 : i32
          %add3A_68 = arith.addi %add3A_53, %add3A_67 : i32
          %lt3A = arith.constant 40 : i32
          %lt3A_69 = arith.cmpi slt, %add3A_68, %lt3A : i32
          %convert_element_type3A_70 = arith.extui %lt3A_69 : i1 to i32
          %cond3A_71 = arith.constant 0 : i32
          %cond3A_72 = arith.cmpi ne, %convert_element_type3A_70, %cond3A_71 : i32
          scf.if %cond3A_72 {
            %add3A_83 = arith.constant 2 : i32
            %add3A_84 = arith.addi %add3A_53, %add3A_83 : i32
            %dma_start3A_85 = arith.constant 0 : i32
            %dma_start3A_86 = tpu.memref_slice %arg10[%add3A_84, %dma_start3A_85] : memref<40x128xi32, #tpu.memory_space<vmem>> -> memref<1x128xi32, #tpu.memory_space<vmem>>
            %dma_start3A_87 = tpu.memref_squeeze %dma_start3A_86 : memref<1x128xi32, #tpu.memory_space<vmem>> -> memref<128xi32, #tpu.memory_space<vmem>>
            %dma_start3A_88 = arith.constant 0 : i32
            %dma_start3A_89 = arith.constant 0 : i32
            %dma_start3A_90 = tpu.memref_slice %arg2[%dma_start3A_88, %dma_start3A_89] : memref<10112x128xf32, #tpu.memory_space<hbm>> -> memref<10112x128xf32, #tpu.memory_space<hbm>>
            tpu.enqueue_indirect_dma source(%dma_start3A_90 : memref<10112x128xf32, #tpu.memory_space<hbm>>) target(%arg12 : memref<128x128xf32, #tpu.memory_space<vmem>>) offsets(%dma_start3A_87 : memref<128xi32, #tpu.memory_space<vmem>>) semaphore(%arg14 : memref<!tpu.dma_semaphore, #tpu.memory_space<semaphore_mem>>)
          } else {
          }
          %add3A_73 = arith.constant 1 : i32
          %add3A_74 = arith.addi %add3A_53, %add3A_73 : i32
          %dma_wait3A_75 = arith.constant 0 : i32
          %dma_wait3A_76 = tpu.memref_slice %arg10[%add3A_74, %dma_wait3A_75] : memref<40x128xi32, #tpu.memory_space<vmem>> -> memref<1x128xi32, #tpu.memory_space<vmem>>
          %dma_wait3A_77 = tpu.memref_squeeze %dma_wait3A_76 : memref<1x128xi32, #tpu.memory_space<vmem>> -> memref<128xi32, #tpu.memory_space<vmem>>
          %dma_wait3A_78 = arith.constant 0 : i32
          %dma_wait3A_79 = arith.constant 0 : i32
          %dma_wait3A_80 = tpu.memref_slice %arg2[%dma_wait3A_78, %dma_wait3A_79] : memref<10112x128xf32, #tpu.memory_space<hbm>> -> memref<10112x128xf32, #tpu.memory_space<hbm>>
          tpu.wait_indirect_dma semaphore(%arg15 : memref<!tpu.dma_semaphore, #tpu.memory_space<semaphore_mem>>) src(%dma_wait3A_80 : memref<10112x128xf32, #tpu.memory_space<hbm>>) dst(%arg13 : memref<128x128xf32, #tpu.memory_space<vmem>>)
          %add3A_81 = arith.constant 1 : i32
          %add3A_82 = arith.addi %add3A_53, %add3A_81 : i32
          "tpu.region"() ({
            %run_scoped3A = tpu.sem_alloc : memref<!tpu.dma_semaphore, #tpu.memory_space<semaphore_mem>>
            %dma_start3A_83 = arith.constant 0 : i32
            %dma_start3A_84 = tpu.memref_slice %arg11[%add3A_82, %dma_start3A_83] : memref<40x128xi32, #tpu.memory_space<vmem>> -> memref<1x128xi32, #tpu.memory_space<vmem>>
            %dma_start3A_85 = tpu.memref_squeeze %dma_start3A_84 : memref<1x128xi32, #tpu.memory_space<vmem>> -> memref<128xi32, #tpu.memory_space<vmem>>
            %dma_start3A_86 = arith.constant 0 : i32
            %dma_start3A_87 = arith.constant 0 : i32
            %dma_start3A_88 = tpu.memref_slice %arg16[%dma_start3A_86, %dma_start3A_87] : memref<10112x128xf32, #tpu.memory_space<vmem_shared>> -> memref<10112x128xf32, #tpu.memory_space<vmem_shared>>
            tpu.enqueue_indirect_dma source(%arg13 : memref<128x128xf32, #tpu.memory_space<vmem>>) target(%dma_start3A_88 : memref<10112x128xf32, #tpu.memory_space<vmem_shared>>) offsets(%dma_start3A_85 : memref<128xi32, #tpu.memory_space<vmem>>) semaphore(%run_scoped3A : memref<!tpu.dma_semaphore, #tpu.memory_space<semaphore_mem>>) {add = true}
            %dma_wait3A_89 = arith.constant 0 : i32
            %dma_wait3A_90 = tpu.memref_slice %arg11[%add3A_82, %dma_wait3A_89] : memref<40x128xi32, #tpu.memory_space<vmem>> -> memref<1x128xi32, #tpu.memory_space<vmem>>
            %dma_wait3A_91 = tpu.memref_squeeze %dma_wait3A_90 : memref<1x128xi32, #tpu.memory_space<vmem>> -> memref<128xi32, #tpu.memory_space<vmem>>
            %dma_wait3A_92 = arith.constant 0 : i32
            %dma_wait3A_93 = arith.constant 0 : i32
            %dma_wait3A_94 = tpu.memref_slice %arg16[%dma_wait3A_92, %dma_wait3A_93] : memref<10112x128xf32, #tpu.memory_space<vmem_shared>> -> memref<10112x128xf32, #tpu.memory_space<vmem_shared>>
            tpu.wait_indirect_dma semaphore(%run_scoped3A : memref<!tpu.dma_semaphore, #tpu.memory_space<semaphore_mem>>) src(%arg13 : memref<128x128xf32, #tpu.memory_space<vmem>>) dst(%dma_wait3A_94 : memref<10112x128xf32, #tpu.memory_space<vmem_shared>>)
            tpu.yield
          }) : () -> ()
        }
        %scan3A_48 = arith.constant 20 : i32
      }
      %scan3A_30 = arith.constant 2 : i32
    } else {
    }
    %barrier3A_16 = arith.constant 0 : index
    tpu.barrier barrier_id(%barrier3A_16)
    %eq3A_17 = arith.constant 0 : i32
    %eq3A_18 = arith.cmpi eq, %arg0, %eq3A_17 : i32
    %convert_element_type3A_19 = arith.extui %eq3A_18 : i1 to i32
    %cond3A_20 = arith.constant 0 : i32
    %cond3A_21 = arith.cmpi ne, %convert_element_type3A_19, %cond3A_20 : i32
    scf.if %cond3A_21 {
      %mul3A = arith.constant 632 : i32
      %mul3A_27 = arith.muli %arg1, %mul3A : i32
      %mul3A_28 = arith.constant 632 : i32
      %mul3A_29 = arith.muli %arg1, %mul3A_28 : i32
      "tpu.region"() ({
        %run_scoped3A = tpu.sem_alloc : memref<!tpu.dma_semaphore, #tpu.memory_space<semaphore_mem>>
        %dma_start3A = arith.constant 0 : i32
        %dma_start3A_30 = tpu.memref_slice %arg8[%mul3A_29, %dma_start3A] : memref<10112x128xf32, #tpu.memory_space<hbm>> -> memref<632x128xf32, #tpu.memory_space<hbm>>
        %dma_start3A_31 = arith.constant 0 : i32
        %dma_start3A_32 = tpu.memref_slice %arg16[%mul3A_27, %dma_start3A_31] : memref<10112x128xf32, #tpu.memory_space<vmem_shared>> -> memref<632x128xf32, #tpu.memory_space<vmem_shared>>
        tpu.enqueue_dma source(%dma_start3A_32 : memref<632x128xf32, #tpu.memory_space<vmem_shared>>) target(%dma_start3A_30 : memref<632x128xf32, #tpu.memory_space<hbm>>) target_semaphore(%run_scoped3A : memref<!tpu.dma_semaphore, #tpu.memory_space<semaphore_mem>>)
        %dma_wait3A = arith.constant 0 : i32
        %dma_wait3A_33 = tpu.memref_slice %arg8[%mul3A_29, %dma_wait3A] : memref<10112x128xf32, #tpu.memory_space<hbm>> -> memref<632x128xf32, #tpu.memory_space<hbm>>
        %dma_wait3A_34 = arith.constant 0 : i32
        %dma_wait3A_35 = tpu.memref_slice %arg16[%mul3A_27, %dma_wait3A_34] : memref<10112x128xf32, #tpu.memory_space<vmem_shared>> -> memref<632x128xf32, #tpu.memory_space<vmem_shared>>
        tpu.wait_dma2 semaphore(%run_scoped3A : memref<!tpu.dma_semaphore, #tpu.memory_space<semaphore_mem>>) src(%dma_wait3A_35 : memref<632x128xf32, #tpu.memory_space<vmem_shared>>) dst(%dma_wait3A_33 : memref<632x128xf32, #tpu.memory_space<hbm>>)
        tpu.yield
      }) : () -> ()
    } else {
    }
    %eq3A_22 = arith.constant 1 : i32
    %eq3A_23 = arith.cmpi eq, %arg0, %eq3A_22 : i32
    %convert_element_type3A_24 = arith.extui %eq3A_23 : i1 to i32
    %cond3A_25 = arith.constant 0 : i32
    %cond3A_26 = arith.cmpi ne, %convert_element_type3A_24, %cond3A_25 : i32
    scf.if %cond3A_26 {
      %mul3A = arith.constant 632 : i32
      %mul3A_27 = arith.muli %arg1, %mul3A : i32
      %mul3A_28 = arith.constant 632 : i32
      %mul3A_29 = arith.muli %arg1, %mul3A_28 : i32
      "tpu.region"() ({
        %run_scoped3A = tpu.sem_alloc : memref<!tpu.dma_semaphore, #tpu.memory_space<semaphore_mem>>
        %dma_start3A = arith.constant 0 : i32
        %dma_start3A_30 = tpu.memref_slice %arg9[%mul3A_29, %dma_start3A] : memref<10112x128xf32, #tpu.memory_space<hbm>> -> memref<632x128xf32, #tpu.memory_space<hbm>>
        %dma_start3A_31 = arith.constant 0 : i32
        %dma_start3A_32 = tpu.memref_slice %arg16[%mul3A_27, %dma_start3A_31] : memref<10112x128xf32, #tpu.memory_space<vmem_shared>> -> memref<632x128xf32, #tpu.memory_space<vmem_shared>>
        tpu.enqueue_dma source(%dma_start3A_32 : memref<632x128xf32, #tpu.memory_space<vmem_shared>>) target(%dma_start3A_30 : memref<632x128xf32, #tpu.memory_space<hbm>>) target_semaphore(%run_scoped3A : memref<!tpu.dma_semaphore, #tpu.memory_space<semaphore_mem>>)
        %dma_wait3A = arith.constant 0 : i32
        %dma_wait3A_33 = tpu.memref_slice %arg9[%mul3A_29, %dma_wait3A] : memref<10112x128xf32, #tpu.memory_space<hbm>> -> memref<632x128xf32, #tpu.memory_space<hbm>>
        %dma_wait3A_34 = arith.constant 0 : i32
        %dma_wait3A_35 = tpu.memref_slice %arg16[%mul3A_27, %dma_wait3A_34] : memref<10112x128xf32, #tpu.memory_space<vmem_shared>> -> memref<632x128xf32, #tpu.memory_space<vmem_shared>>
        tpu.wait_dma2 semaphore(%run_scoped3A : memref<!tpu.dma_semaphore, #tpu.memory_space<semaphore_mem>>) src(%dma_wait3A_35 : memref<632x128xf32, #tpu.memory_space<vmem_shared>>) dst(%dma_wait3A_33 : memref<632x128xf32, #tpu.memory_space<hbm>>)
        tpu.yield
      }) : () -> ()
    } else {
    }
    return
  }
}

module attributes {stable_mosaic.version = 14 : i64} {
  func.func @_scale_body(%arg0: i32, %arg1: memref<400x128xf32, #tpu.memory_space<vmem>>, %arg2: memref<400x128xf32, #tpu.memory_space<vmem>>, %arg3: memref<400x128xf32, #tpu.memory_space<vmem>>, %arg4: memref<400x128xf32, #tpu.memory_space<vmem>>) attributes {dimension_semantics = [#tpu.dimension_semantics<arbitrary>], iteration_bounds = array<i64: 25>, scalar_prefetch = 0 : i64, scratch_operands = 0 : i64, tpu.core_type = #tpu.core_type<tc>, window_params = [{transform_indices = @transform_0, window_bounds = array<i64: 400, 128>}, {transform_indices = @transform_1, window_bounds = array<i64: 400, 128>}, {transform_indices = @transform_2, window_bounds = array<i64: 400, 128>}, {transform_indices = @transform_3, window_bounds = array<i64: 400, 128>}]} {
    %get3A = arith.constant 0 : index
    %get3A_0 = arith.constant 0 : index
    %get3A_1 = vector.load %arg1[%get3A, %get3A_0] : memref<400x128xf32, #tpu.memory_space<vmem>>, vector<400x128xf32>
    %get3A_2 = arith.constant 0 : index
    %get3A_3 = arith.constant 0 : index
    %get3A_4 = vector.load %arg2[%get3A_2, %get3A_3] : memref<400x128xf32, #tpu.memory_space<vmem>>, vector<400x1xf32>
    %get3A_5 = arith.constant 0 : index
    %get3A_6 = arith.constant 0 : index
    %get3A_7 = vector.load %arg3[%get3A_5, %get3A_6] : memref<400x128xf32, #tpu.memory_space<vmem>>, vector<400x1xf32>
    %add3A = arith.addf %get3A_4, %get3A_7 : vector<400x1xf32>
    %add3A_8 = arith.constant 1.000000e+00 : f32
    %add3A_9 = vector.broadcast %add3A_8 : f32 to vector<400x1xf32>
    %add3A_10 = arith.addf %add3A, %add3A_9 : vector<400x1xf32>
    %rsqrt3A = math.rsqrt %add3A_10 : vector<400x1xf32>
    %mul3A = vector.broadcast %rsqrt3A : vector<400x1xf32> to vector<400x128xf32>
    %mul3A_11 = arith.mulf %get3A_1, %mul3A : vector<400x128xf32>
    %swap3A = arith.constant 0 : index
    %swap3A_12 = arith.constant 0 : index
    %swap3A_13 = vector.load %arg4[%swap3A, %swap3A_12] : memref<400x128xf32, #tpu.memory_space<vmem>>, vector<400x128xf32>
    tpu.vector_store %arg4[%swap3A, %swap3A_12], %mul3A_11 {strides = array<i32>} : memref<400x128xf32, #tpu.memory_space<vmem>>, vector<400x128xf32>,
    return
  }
  func.func @transform_0(%arg0: i32) -> (i32, i32) {
    %c0_i32 = arith.constant 0 : i32
    %c0_i32_0 = arith.constant 0 : i32
    return %arg0, %c0_i32 : i32, i32
  }
  func.func @transform_1(%arg0: i32) -> (i32, i32) {
    %c0_i32 = arith.constant 0 : i32
    %c0_i32_0 = arith.constant 0 : i32
    return %arg0, %c0_i32 : i32, i32
  }
  func.func @transform_2(%arg0: i32) -> (i32, i32) {
    %c0_i32 = arith.constant 0 : i32
    %c0_i32_0 = arith.constant 0 : i32
    return %arg0, %c0_i32 : i32, i32
  }
  func.func @transform_3(%arg0: i32) -> (i32, i32) {
    %c0_i32 = arith.constant 0 : i32
    %c0_i32_0 = arith.constant 0 : i32
    return %arg0, %c0_i32 : i32, i32
  }
}

module attributes {stable_mosaic.version = 14 : i64} {
  func.func @_mm_body(%arg0: i32, %arg1: memref<400x128xf32, #tpu.memory_space<vmem>>, %arg2: memref<128x128xf32, #tpu.memory_space<vmem>>, %arg3: memref<400x128xf32, #tpu.memory_space<vmem>>) attributes {dimension_semantics = [#tpu.dimension_semantics<arbitrary>], iteration_bounds = array<i64: 25>, scalar_prefetch = 0 : i64, scratch_operands = 0 : i64, tpu.core_type = #tpu.core_type<tc>, window_params = [{transform_indices = @transform_0, window_bounds = array<i64: 400, 128>}, {pipeline_mode = #tpu.pipeline_mode<synchronous>, transform_indices = @transform_1, window_bounds = array<i64: 128, 128>}, {transform_indices = @transform_2, window_bounds = array<i64: 400, 128>}]} {
    %get3A = arith.constant 0 : index
    %get3A_0 = arith.constant 0 : index
    %get3A_1 = vector.load %arg1[%get3A, %get3A_0] : memref<400x128xf32, #tpu.memory_space<vmem>>, vector<400x128xf32>
    %get3A_2 = arith.constant 0 : index
    %get3A_3 = arith.constant 0 : index
    %get3A_4 = vector.load %arg2[%get3A_2, %get3A_3] : memref<128x128xf32, #tpu.memory_space<vmem>>, vector<128x128xf32>
    %dot_general3A = arith.constant dense<0.000000e+00> : vector<400x128xf32>
    %dot_general3A_5 = tpu.matmul %get3A_1, %get3A_4, %dot_general3A {dimension_numbers = #tpu.dot_dimension_numbers<[1], [0], [0], [1], [0, 0, 1, 1], [], []>, precision = #tpu.contract_precision<fp32>, transpose_lhs_hint = false} : vector<400x128xf32>, vector<128x128xf32>, vector<400x128xf32> -> vector<400x128xf32>
    %swap3A = arith.constant 0 : index
    %swap3A_6 = arith.constant 0 : index
    %swap3A_7 = vector.load %arg3[%swap3A, %swap3A_6] : memref<400x128xf32, #tpu.memory_space<vmem>>, vector<400x128xf32>
    tpu.vector_store %arg3[%swap3A, %swap3A_6], %dot_general3A_5 {strides = array<i32>} : memref<400x128xf32, #tpu.memory_space<vmem>>, vector<400x128xf32>,
    return
  }
  func.func @transform_0(%arg0: i32) -> (i32, i32) {
    %c0_i32 = arith.constant 0 : i32
    %c0_i32_0 = arith.constant 0 : i32
    return %arg0, %c0_i32 : i32, i32
  }
  func.func @transform_1(%arg0: i32) -> (i32, i32) {
    %c0_i32 = arith.constant 0 : i32
    %c0_i32_0 = arith.constant 0 : i32
    %c0_i32_1 = arith.constant 0 : i32
    return %c0_i32, %c0_i32_0 : i32, i32
  }
  func.func @transform_2(%arg0: i32) -> (i32, i32) {
    %c0_i32 = arith.constant 0 : i32
    %c0_i32_0 = arith.constant 0 : i32
    return %arg0, %c0_i32 : i32, i32
  }
}

module attributes {stable_mosaic.version = 14 : i64} {
  func.func @_combine1_body(%arg0: i32, %arg1: memref<400x128xf32, #tpu.memory_space<vmem>>, %arg2: memref<400x128xf32, #tpu.memory_space<vmem>>, %arg3: memref<400x128xf32, #tpu.memory_space<vmem>>, %arg4: memref<400x128xf32, #tpu.memory_space<vmem>>, %arg5: memref<1x128xf32, #tpu.memory_space<vmem>>, %arg6: memref<128x128xf32, #tpu.memory_space<vmem>>, %arg7: memref<400x128xf32, #tpu.memory_space<vmem>>) attributes {dimension_semantics = [#tpu.dimension_semantics<arbitrary>], iteration_bounds = array<i64: 25>, scalar_prefetch = 0 : i64, scratch_operands = 0 : i64, tpu.core_type = #tpu.core_type<tc>, window_params = [{transform_indices = @transform_0, window_bounds = array<i64: 400, 128>}, {transform_indices = @transform_1, window_bounds = array<i64: 400, 128>}, {transform_indices = @transform_2, window_bounds = array<i64: 400, 128>}, {transform_indices = @transform_3, window_bounds = array<i64: 400, 128>}, {pipeline_mode = #tpu.pipeline_mode<synchronous>, transform_indices = @transform_4, window_bounds = array<i64: 1, 128>}, {pipeline_mode = #tpu.pipeline_mode<synchronous>, transform_indices = @transform_5, window_bounds = array<i64: 128, 128>}, {transform_indices = @transform_6, window_bounds = array<i64: 400, 128>}]} {
    %get3A = arith.constant 0 : index
    %get3A_0 = arith.constant 0 : index
    %get3A_1 = vector.load %arg3[%get3A, %get3A_0] : memref<400x128xf32, #tpu.memory_space<vmem>>, vector<400x1xf32>
    %get3A_2 = arith.constant 0 : index
    %get3A_3 = arith.constant 0 : index
    %get3A_4 = vector.load %arg4[%get3A_2, %get3A_3] : memref<400x128xf32, #tpu.memory_space<vmem>>, vector<400x1xf32>
    %add3A = arith.addf %get3A_1, %get3A_4 : vector<400x1xf32>
    %add3A_5 = arith.constant 1.000000e+00 : f32
    %add3A_6 = vector.broadcast %add3A_5 : f32 to vector<400x1xf32>
    %add3A_7 = arith.addf %add3A, %add3A_6 : vector<400x1xf32>
    %rsqrt3A = math.rsqrt %add3A_7 : vector<400x1xf32>
    %get3A_8 = arith.constant 0 : index
    %get3A_9 = arith.constant 0 : index
    %get3A_10 = vector.load %arg1[%get3A_8, %get3A_9] : memref<400x128xf32, #tpu.memory_space<vmem>>, vector<400x128xf32>
    %get3A_11 = arith.constant 0 : index
    %get3A_12 = arith.constant 0 : index
    %get3A_13 = vector.load %arg2[%get3A_11, %get3A_12] : memref<400x128xf32, #tpu.memory_space<vmem>>, vector<400x128xf32>
    %add3A_14 = arith.addf %get3A_10, %get3A_13 : vector<400x128xf32>
    %mul3A = vector.broadcast %rsqrt3A : vector<400x1xf32> to vector<400x128xf32>
    %mul3A_15 = arith.mulf %mul3A, %add3A_14 : vector<400x128xf32>
    %get3A_16 = arith.constant 0 : index
    %get3A_17 = arith.constant 0 : index
    %get3A_18 = vector.load %arg5[%get3A_16, %get3A_17] : memref<1x128xf32, #tpu.memory_space<vmem>>, vector<1x128xf32>
    %add3A_19 = vector.broadcast %get3A_18 : vector<1x128xf32> to vector<400x128xf32>
    %add3A_20 = arith.addf %mul3A_15, %add3A_19 : vector<400x128xf32>
    %max3A = arith.constant 0.000000e+00 : f32
    %max3A_21 = vector.broadcast %max3A : f32 to vector<400x128xf32>
    %max3A_22 = arith.maximumf %add3A_20, %max3A_21 : vector<400x128xf32>
    %get3A_23 = arith.constant 0 : index
    %get3A_24 = arith.constant 0 : index
    %get3A_25 = vector.load %arg6[%get3A_23, %get3A_24] : memref<128x128xf32, #tpu.memory_space<vmem>>, vector<128x128xf32>
    %dot_general3A = arith.constant dense<0.000000e+00> : vector<400x128xf32>
    %dot_general3A_26 = tpu.matmul %max3A_22, %get3A_25, %dot_general3A {dimension_numbers = #tpu.dot_dimension_numbers<[1], [0], [0], [1], [0, 0, 1, 1], [], []>, precision = #tpu.contract_precision<fp32>, transpose_lhs_hint = false} : vector<400x128xf32>, vector<128x128xf32>, vector<400x128xf32> -> vector<400x128xf32>
    %mul3A_27 = vector.broadcast %rsqrt3A : vector<400x1xf32> to vector<400x128xf32>
    %mul3A_28 = arith.mulf %mul3A_27, %dot_general3A_26 : vector<400x128xf32>
    %swap3A = arith.constant 0 : index
    %swap3A_29 = arith.constant 0 : index
    %swap3A_30 = vector.load %arg7[%swap3A, %swap3A_29] : memref<400x128xf32, #tpu.memory_space<vmem>>, vector<400x128xf32>
    tpu.vector_store %arg7[%swap3A, %swap3A_29], %mul3A_28 {strides = array<i32>} : memref<400x128xf32, #tpu.memory_space<vmem>>, vector<400x128xf32>,
    return
  }
  func.func @transform_0(%arg0: i32) -> (i32, i32) {
    %c0_i32 = arith.constant 0 : i32
    %c0_i32_0 = arith.constant 0 : i32
    return %arg0, %c0_i32 : i32, i32
  }
  func.func @transform_1(%arg0: i32) -> (i32, i32) {
    %c0_i32 = arith.constant 0 : i32
    %c0_i32_0 = arith.constant 0 : i32
    return %arg0, %c0_i32 : i32, i32
  }
  func.func @transform_2(%arg0: i32) -> (i32, i32) {
    %c0_i32 = arith.constant 0 : i32
    %c0_i32_0 = arith.constant 0 : i32
    return %arg0, %c0_i32 : i32, i32
  }
  func.func @transform_3(%arg0: i32) -> (i32, i32) {
    %c0_i32 = arith.constant 0 : i32
    %c0_i32_0 = arith.constant 0 : i32
    return %arg0, %c0_i32 : i32, i32
  }
  func.func @transform_4(%arg0: i32) -> (i32, i32) {
    %c0_i32 = arith.constant 0 : i32
    %c0_i32_0 = arith.constant 0 : i32
    %c0_i32_1 = arith.constant 0 : i32
    return %c0_i32, %c0_i32_0 : i32, i32
  }
  func.func @transform_5(%arg0: i32) -> (i32, i32) {
    %c0_i32 = arith.constant 0 : i32
    %c0_i32_0 = arith.constant 0 : i32
    %c0_i32_1 = arith.constant 0 : i32
    return %c0_i32, %c0_i32_0 : i32, i32
  }
  func.func @transform_6(%arg0: i32) -> (i32, i32) {
    %c0_i32 = arith.constant 0 : i32
    %c0_i32_0 = arith.constant 0 : i32
    return %arg0, %c0_i32 : i32, i32
  }
}

module attributes {stable_mosaic.version = 14 : i64} {
  func.func @_combine2_body(%arg0: i32, %arg1: memref<400x128xf32, #tpu.memory_space<vmem>>, %arg2: memref<400x128xf32, #tpu.memory_space<vmem>>, %arg3: memref<400x128xf32, #tpu.memory_space<vmem>>, %arg4: memref<400x128xf32, #tpu.memory_space<vmem>>, %arg5: memref<1x128xf32, #tpu.memory_space<vmem>>, %arg6: memref<400x128xf32, #tpu.memory_space<vmem>>) attributes {dimension_semantics = [#tpu.dimension_semantics<arbitrary>], iteration_bounds = array<i64: 25>, scalar_prefetch = 0 : i64, scratch_operands = 0 : i64, tpu.core_type = #tpu.core_type<tc>, window_params = [{transform_indices = @transform_0, window_bounds = array<i64: 400, 128>}, {transform_indices = @transform_1, window_bounds = array<i64: 400, 128>}, {transform_indices = @transform_2, window_bounds = array<i64: 400, 128>}, {transform_indices = @transform_3, window_bounds = array<i64: 400, 128>}, {pipeline_mode = #tpu.pipeline_mode<synchronous>, transform_indices = @transform_4, window_bounds = array<i64: 1, 128>}, {transform_indices = @transform_5, window_bounds = array<i64: 400, 128>}]} {
    %get3A = arith.constant 0 : index
    %get3A_0 = arith.constant 0 : index
    %get3A_1 = vector.load %arg3[%get3A, %get3A_0] : memref<400x128xf32, #tpu.memory_space<vmem>>, vector<400x1xf32>
    %get3A_2 = arith.constant 0 : index
    %get3A_3 = arith.constant 0 : index
    %get3A_4 = vector.load %arg4[%get3A_2, %get3A_3] : memref<400x128xf32, #tpu.memory_space<vmem>>, vector<400x1xf32>
    %add3A = arith.addf %get3A_1, %get3A_4 : vector<400x1xf32>
    %add3A_5 = arith.constant 1.000000e+00 : f32
    %add3A_6 = vector.broadcast %add3A_5 : f32 to vector<400x1xf32>
    %add3A_7 = arith.addf %add3A, %add3A_6 : vector<400x1xf32>
    %rsqrt3A = math.rsqrt %add3A_7 : vector<400x1xf32>
    %get3A_8 = arith.constant 0 : index
    %get3A_9 = arith.constant 0 : index
    %get3A_10 = vector.load %arg1[%get3A_8, %get3A_9] : memref<400x128xf32, #tpu.memory_space<vmem>>, vector<400x128xf32>
    %get3A_11 = arith.constant 0 : index
    %get3A_12 = arith.constant 0 : index
    %get3A_13 = vector.load %arg2[%get3A_11, %get3A_12] : memref<400x128xf32, #tpu.memory_space<vmem>>, vector<400x128xf32>
    %add3A_14 = arith.addf %get3A_10, %get3A_13 : vector<400x128xf32>
    %mul3A = vector.broadcast %rsqrt3A : vector<400x1xf32> to vector<400x128xf32>
    %mul3A_15 = arith.mulf %mul3A, %add3A_14 : vector<400x128xf32>
    %get3A_16 = arith.constant 0 : index
    %get3A_17 = arith.constant 0 : index
    %get3A_18 = vector.load %arg5[%get3A_16, %get3A_17] : memref<1x128xf32, #tpu.memory_space<vmem>>, vector<1x128xf32>
    %add3A_19 = vector.broadcast %get3A_18 : vector<1x128xf32> to vector<400x128xf32>
    %add3A_20 = arith.addf %mul3A_15, %add3A_19 : vector<400x128xf32>
    %swap3A = arith.constant 0 : index
    %swap3A_21 = arith.constant 0 : index
    %swap3A_22 = vector.load %arg6[%swap3A, %swap3A_21] : memref<400x128xf32, #tpu.memory_space<vmem>>, vector<400x128xf32>
    tpu.vector_store %arg6[%swap3A, %swap3A_21], %add3A_20 {strides = array<i32>} : memref<400x128xf32, #tpu.memory_space<vmem>>, vector<400x128xf32>,
    return
  }
  func.func @transform_0(%arg0: i32) -> (i32, i32) {
    %c0_i32 = arith.constant 0 : i32
    %c0_i32_0 = arith.constant 0 : i32
    return %arg0, %c0_i32 : i32, i32
  }
  func.func @transform_1(%arg0: i32) -> (i32, i32) {
    %c0_i32 = arith.constant 0 : i32
    %c0_i32_0 = arith.constant 0 : i32
    return %arg0, %c0_i32 : i32, i32
  }
  func.func @transform_2(%arg0: i32) -> (i32, i32) {
    %c0_i32 = arith.constant 0 : i32
    %c0_i32_0 = arith.constant 0 : i32
    return %arg0, %c0_i32 : i32, i32
  }
  func.func @transform_3(%arg0: i32) -> (i32, i32) {
    %c0_i32 = arith.constant 0 : i32
    %c0_i32_0 = arith.constant 0 : i32
    return %arg0, %c0_i32 : i32, i32
  }
  func.func @transform_4(%arg0: i32) -> (i32, i32) {
    %c0_i32 = arith.constant 0 : i32
    %c0_i32_0 = arith.constant 0 : i32
    %c0_i32_1 = arith.constant 0 : i32
    return %c0_i32, %c0_i32_0 : i32, i32
  }
  func.func @transform_5(%arg0: i32) -> (i32, i32) {
    %c0_i32 = arith.constant 0 : i32
    %c0_i32_0 = arith.constant 0 : i32
    return %arg0, %c0_i32 : i32, i32
  }
}

</mosaic_0001>

<sc_bundles>
// kernel: kernel.12.cloned.1.call-start
scs
__scs_entry_jumppad:
0x0: {  	(pc) =	sbr.rel $0x88, $3  }
0x1: {  	(tag) =	ssettag $0x0;
	lr =	simm.s32 $0x1  }
0x2: {  	[smem:$0x3F9B] =	sst lr;
	_ =	strace $0xD0000000  }
0x3: {  	_ = 	snop  }
0x4: {  	_ = 	snop  }
0x5: {  	_ = 	snop  }
0x6: {  	_ = 	snop  }
0x7: {  	_ = 	snop  }
__scs_overlays_trampoline_lowered:
0x8: {  	[smem:$0x3FAA] =	sst s0  }
0x9: {  	[smem:$0x3FAB] =	sst s1  }
0xa: {  	[smem:$0x3FAC] =	sst s2  }
0xb: {  	[smem:$0x3FAD] =	sst s3  }
0xc: {  	[smem:$0x3FAE] =	sst s4  }
0xd: {  	[smem:$0x3FAF] =	sst s5  }
0xe: {  	[smem:$0x3FB0] =	sst s6  }
0xf: {  	[smem:$0x3FB1] =	sst s7  }
0x10: {  	[smem:$0x3FB2] =	sst s8  }
0x11: {  	[smem:$0x3FB3] =	sst s9;
	s0 =	simm.s32 @!p0 $0x0  }
0x12: {  	s1 =	sld [smem:$0x3F99];
	s0 =	simm.s32 @p0 $0x1  }
0x13: {  	[smem:$0x3FB4] =	sst s0;
	s0 =	simm.s32 @!p1 $0x0  }
0x14: {  	s2 =	sld [smem:$0x3F98];
	s0 =	simm.s32 @p1 $0x1  }
0x15: {  	[smem:$0x3FB5] =	sst s0;
	s0 =	simm.s32 @!p2 $0x0  }
0x16: {  	s3 =	sld [smem:$0x3FDB];
	s0 =	simm.s32 @p2 $0x1  }
0x17: {  	s4 =	simm.s32 $0x1BF5;
	[smem:$0x3FB7] =	sst s0  }
0x18: {  	s0 =	sld [smem:$0x3F9A];
	_ =	swait.ge [sflag:s4], $0x0  }
0x19: {  	s7 =	sld [smem:$0x3F9B]  }
0x1a: {  	s8 =	sadd.s32 $0xFFFFE003, lr  }
0x1b: {  	s9 =	sadd.s32 $0xFFFFFEF7, lr;
	s5 =	simm.s32 $0xFFFFFFFF;
	p2 =	slt.u32 s8, $0xFFFFF086  }
0x1c: {  	p1 =	slt.u32 s9, $0xF7A;
	s5 =	simm.s32 @!p2 $0x0  }
0x1d: {  	s5 =	simm.s32 @p1 $0x1;
	p0 =	seq.s32 s7, s2  }
0x1e: {  	s7 =	smul.u32 @!p0 $0xF7A, s2;
	p2 =	seq.s32 @!p0 s5, $0x0  }
0x1f: {  	s9 =	smul.u32 $0xF7A, s1;
	s8 =	simm.s32 @!p0 $0x1BF5;
	p2 =	por !p2, p0  }
0x20: {  	[sflag:s8] =	ssyncset.s32 @!p0 $0xFFFFF086;
	s6 =	sadd.s32 @!p0 s3, s7;
	s7 =	simm.s32 @!p0 $0x108  }
0x21: {  	s3 =	sadd.s32 s3, s9;
	s6 =	sadd.s32 @!p0 $0x88, s6;
	s7 =	simm.s32 @p2 $0x1082  }
0x22: {  	[simem:s7], [sflag:s8] =	dma.local @!p0 [hbm:s6], $0xF7A  }
0x23: {  	s9 =	sor.u32 $0xD0000000, s2;
	s6 =	simm.s32 $0x108;
	_ =	swait.ge @!p0 [sflag:s8], $0x0  }
0x24: {  	s3 =	sadd.s32 $0x88, s3;
	s6 =	simm.s32 @!p1 $0x1082;
	[sflag:s4] =	ssyncset.s32 $0xFFFFF086  }
0x25: {  	[simem:s6], [sflag:s4] =	dma.local [hbm:s3], $0xF7A  }
0x26: {  	[smem:$0x3F9B] =	sst s1;
	(tag) =	ssettag s2;
	_ =	strace s9  }
0x27: {  	s1 =	sld [smem:$0x3FAB]  }
0x28: {  	s2 =	sld [smem:$0x3FAC]  }
0x29: {  	s4 =	sld [smem:$0x3FAE]  }
0x2a: {  	p0 =	seq.s32 s5, $0x0;
	s5 =	sld [smem:$0x3FAF]  }
0x2b: {  	s6 =	sld [smem:$0x3FB0]  }
0x2c: {  	s7 =	sld [smem:$0x3FB1]  }
0x2d: {  	s3 =	simm.s32 $0x108;
	s8 =	sld [smem:$0x3FB2]  }
0x2e: {  	s3 =	simm.s32 @!p0 $0x1082;
	s9 =	sld [smem:$0x3FB3]  }
0x2f: {  	lr =	sadd.s32 s0, s3;
	s0 =	sld [smem:$0x3FAA]  }
0x30: {  	s3 =	sld [smem:$0x3FAD]  }
0x31: {  	[smem:$0x3FB6] =	sst s10  }
0x32: {  	s10 =	sld [smem:$0x3FB4];
	_ =	sdelay $0x3  }
0x33: {  	p0 =	seq.s32 s10, $0x1;
	s10 =	sld [smem:$0x3FB6];
	_ =	sdelay $0x3  }
0x34: {  	[smem:$0x3FB6] =	sst s10  }
0x35: {  	s10 =	sld [smem:$0x3FB5];
	_ =	sdelay $0x3  }
0x36: {  	p1 =	seq.s32 s10, $0x1;
	s10 =	sld [smem:$0x3FB6];
	_ =	sdelay $0x3  }
0x37: {  	[smem:$0x3FB6] =	sst s10  }
0x38: {  	s10 =	sld [smem:$0x3FB7]  }
0x39: {  	_ = 	snop;
	(pc) =	sbr.ind lr, $3  }
0x3a: {  	_ = 	snop  }
0x3b: {  	_ = 	snop  }
0x3c: {  	p2 =	seq.s32 s10, $0x1;
	s10 =	sld [smem:$0x3FB6]  }
0x3d: {  	_ =	shalt  }
0x3e: {  	_ =	shalt  }
0x3f: {  	_ =	shalt  }
0x40: {  	_ =	shalt  }
0x41: {  	_ =	shalt  }
0x42: {  	_ =	shalt  }
0x43: {  	_ =	shalt  }
0x44: {  	_ =	shalt  }
0x45: {  	_ =	shalt  }
0x46: {  	_ =	shalt  }
0x47: {  	_ =	shalt  }
0x48: {  	_ =	shalt  }
0x49: {  	_ =	shalt  }
0x4a: {  	_ =	shalt  }
0x4b: {  	_ =	shalt  }
0x4c: {  	_ =	shalt  }
0x4d: {  	_ =	shalt  }
0x4e: {  	_ =	shalt  }
0x4f: {  	_ =	shalt  }
0x50: {  	_ =	shalt  }
0x51: {  	_ =	shalt  }
0x52: {  	_ =	shalt  }
0x53: {  	_ =	shalt  }
0x54: {  	_ =	shalt  }
0x55: {  	_ =	shalt  }
0x56: {  	_ =	shalt  }
0x57: {  	_ =	shalt  }
0x58: {  	_ =	shalt  }
0x59: {  	_ =	shalt  }
0x5a: {  	_ =	shalt  }
0x5b: {  	_ =	shalt  }
0x5c: {  	_ =	shalt  }
0x5d: {  	_ =	shalt  }
0x5e: {  	_ =	shalt  }
0x5f: {  	_ =	shalt  }
0x60: {  	_ =	shalt  }
0x61: {  	_ =	shalt  }
0x62: {  	_ =	shalt  }
0x63: {  	_ =	shalt  }
0x64: {  	_ =	shalt  }
0x65: {  	_ =	shalt  }
0x66: {  	_ =	shalt  }
0x67: {  	_ =	shalt  }
0x68: {  	_ =	shalt  }
0x69: {  	_ =	shalt  }
0x6a: {  	_ =	shalt  }
0x6b: {  	_ =	shalt  }
0x6c: {  	_ =	shalt  }
0x6d: {  	_ =	shalt  }
0x6e: {  	_ =	shalt  }
0x6f: {  	_ =	shalt  }
0x70: {  	_ =	shalt  }
0x71: {  	_ =	shalt  }
0x72: {  	_ =	shalt  }
0x73: {  	_ =	shalt  }
0x74: {  	_ =	shalt  }
0x75: {  	_ =	shalt  }
0x76: {  	_ =	shalt  }
0x77: {  	_ =	shalt  }
0x78: {  	_ =	shalt  }
0x79: {  	_ =	shalt  }
0x7a: {  	_ =	shalt  }
0x7b: {  	_ =	shalt  }
0x7c: {  	_ =	shalt  }
0x7d: {  	_ =	shalt  }
0x7e: {  	_ =	shalt  }
0x7f: {  	_ =	shalt  }
0x80: {  	_ =	shalt  }
0x81: {  	_ =	shalt  }
0x82: {  	_ =	shalt  }
0x83: {  	_ =	shalt  }
0x84: {  	_ =	shalt  }
0x85: {  	_ =	shalt  }
0x86: {  	_ =	shalt  }
0x87: {  	_ =	shalt  }
.Lfunc_end0:
.L_simem_size_0:
called_computation.1_lowered:
.L_overlay_start_0:
0x88: {  	s2 =	sld [smem:$0x3FD9]  }
0x89: {  	s3 =	sld [smem:$0x3FFE];
	_ =	sdelay $0x1  }
0x8a: {  	s1 =	srdreg.scid  }
0x8b: {  	s0 =	sand.u32 $0x1, s1  }
0x8c: {  	s17 =	sshll.u32 s0, $0xA;
	s2 =	sadd.s32 s3, s2  }
0x8d: {  	s2 =	sadd.s32 s2, s17  }
0x8e: {  	[smem:$0x3FC2] =	sst s2  }
0x8f: {  	_ = 	snop  }
0x90: {  	s2 =	sld [smem:$0x3FD0];
	(tm) =	ssettm $0x1  }
0x91: {  	s18 =	sld [smem:$0x3FFB];
	_ =	sdelay $0x3  }
0x92: {  	_ =	strace s18  }
0x93: {  	s3 =	sld [smem:$0x3FFC];
	_ =	sdelay $0x3  }
0x94: {  	_ =	strace s3  }
0x95: {  	s3 =	sld [smem:$0x3FFD];
	_ =	sdelay $0x3  }
0x96: {  	_ =	strace s3  }
0x97: {  	_ =	strace $0x8FFFFFFF  }
0x98: {  	s19 =	sld [smem:$0x3FDB];
	_ =	sdelay $0x1  }
0x99: {  	s4 =	simm.s32 $_scs_section_size  }
0x9a: {  	s5 =	simm.s32 $_size__tile_overlayer_lowered;
	s6 =	simm.s32 $_tile_overlayer_lowered  }
0x9b: {  	s22 =	simm.s32 $0x1BFF;
	s21 =	sshll.u32 s6, $0x1;
	s3 =	sadd.s32 s4, s19  }
0x9c: {  	s7 =	simm.s32 $0x0;
	s20 =	sshll.u32 s5, $0x1;
	s5 =	sadd.s32 s21, s3  }
0x9d: {  	[timem:s7], [sflag:s22] =	dma.local [hbm:s5], s20  }
0x9e: {  	_ =	swait.ge [sflag:s22], s20  }
0x9f: {  	s4 =	ssub.s32 $0x0, s20;
	[sflag:s22] =	ssyncset.done $0x0  }
0xa0: {  	[sflag:s22] =	ssyncadd.s32 s4;
	_ =	sdelay $0x1  }
0xa1: {  	s23 =	simm.s32 $0x1B8B  }
0xa2: {  	_ =	swait.ge [sflag:s23], $0x1  }
0xa3: {  	[sflag:s23] =	ssyncset.done $0x0  }
0xa4: {  	s25 =	simm.s32 $0x1B8E;
	s24 =	sld [smem:$0x3FFE];
	[sflag:s23] =	ssyncadd.s32 $0xFFFFFFFF  }
0xa5: {  	s26 =	simm.s32 $execute0_lowered;
	[smem:$0x3FD2] =	sst s25  }
0xa6: {  	s5 =	sshll.u32 s26, $0x1;
	_ =	strace $0x80000049;
	[dreg:$0x1] =	wrdreg $0xFFFFFFFF  }
0xa7: {  	s28 =	simm.s32 $_size_execute0_lowered;
	s3 =	sadd.s32 s3, s5;
	[dreg:$0x0] =	wrdreg $0x0  }
0xa8: {  	s5 =	sshll.u32 s28, $0x1;
	[dreg:$0x2] =	wrdreg s3  }
0xa9: {  	[dreg:$0x3] =	wrdreg s5  }
0xaa: {  	[dreg:$0x4] =	wrdreg $0xC0  }
0xab: {  	_ =	task [dreg:s7], $0x5FFFF  }
0xac: {  	[dreg:$0x1] =	wrdreg $0xFFFFFFFF  }
0xad: {  	[dreg:$0x0] =	wrdreg $0x60  }
0xae: {  	[dreg:$0x2] =	wrdreg s24  }
0xaf: {  	[dreg:$0x3] =	wrdreg s2  }
0xb0: {  	[dreg:$0x4] =	wrdreg $0xA8000  }
0xb1: {  	[dreg:$0x5] =	wrdreg $0x9  }
0xb2: {  	_ =	task.clear_ibuf [dreg:s7], $0x6FFFF;
	_ =	strace $0x90000049  }
0xb3: {  	s29 =	simm.s32 $0x9;
	_ =	strace $0x8000004B  }
0xb4: {  	_ =	swait.ge [sflag:s29], $0x1  }
0xb5: {  	[sflag:s29] =	ssyncadd.s32 $0xFFFFFFFF  }
0xb6: {  	_ =	strace $0x9000004B  }
0xb7: {  	_ =	sfence  }
0xb8: {  	s30 =	sld [smem:$0x0];
	_ =	sdelay $0x2  }
0xb9: {  	s31 =	sshll.u32 s1, $0xD;
	s1 =	sshrl.u32 s1, $0x2  }
0xba: {  	s3 =	sand.u32 $0x4000, s31;
	s1 =	sadd.s32 s1, s30  }
0xbb: {  	s0 =	sor.u32 s3, s0;
	s1 =	sshll.u32 s1, $0x11  }
0xbc: {  	s0 =	sor.u32 s1, s0  }
0xbd: {  	s0 =	sadd.s32 $0x8F2B, s0  }
0xbe: {  	[sflag:s0] =	ssyncadd.remote.s32 $0x1  }
0xbf: {  	_ =	sfence.sel $0xFFFF  }
0xc0: {  	[dreg:$0x0] =	wrdreg $0xFFFFFFFF;
	(pc) =	sbr.abs _section_cstart, $3  }
0xc1: {  	[dreg:$0x1] =	wrdreg $0xFFFFFFFF  }
0xc2: {  	_ =	task.clear_ibuf [dreg:s7], $0x2FFFF;
	_ =	strace $0x9FFFFFFF  }
0xc3: {  	(tm) =	ssettm $0x7FFFFFFF  }
tec
execute0_lowered:
.L_overlay_start_1:
0x0: {  	(tag) =	ssettag $0x1  }
0x1: {  	s0 =	rddreg [dreg:$0x0]  }
0x2: {  	s2 =	rddreg [dreg:$0x1]  }
0x3: {  	s1 =	rddreg [dreg:$0x2];
	s3 =	simm.s32 $0x0  }
0x4: {  	s21 =	stileid.u32;
	s7 =	srdreg.scid;
	s28 =	simm.s32 $0x2  }
0x5: {  	s29 =	simm.s32 $0x1380;
	s30 =	simm.s32 $0x2700;
	s31 =	simm.s32 $0x2780  }
0x6: {  	[smem:$0x7FF] =	sst s3;
	s4 =	sadd.s32 $0x30A00, s0;
	s6 =	sadd.s32 $0x7FA00, s0  }
0x7: {  	s5 =	smul.u32 $0x2780, s21;
	s14 =	sadd.s32 $0x84A00, s0;
	s15 =	sadd.s32 $0x3A00, s0  }
0x8: {  	s20 =	sand.u32 $0x1, s7;
	s10 =	smul.u32 $0x4F000, s21;
	s18 =	sadd.s32 $0x89A00, s0  }
0x9: {  	s12 =	smul.u32 $0x2800, s21;
	s26 =	sshll.u32 s21, $0x6;
	s21 =	simm.s32 $0x3  }
0xa: {  	_ =	strace $0x8000004A;
	s8 =	ssub.s32 $0x2, s20;
	[dreg:$0x4] =	wrdreg s18  }
0xb: {  	p0 =	seq.s32 s20, $0x0;
	s20 =	sor.u32 $0x1C03, s26;
	s26 =	simm.s32 $0x1  }
0xc: {  	s9 =	sadd.s32 s5, s0;
	s11 =	sshrl.u32 s8, $0x1;
	s0 =	sadd.s32 $0xB1200, s0  }
0xd: {  	s22 =	sshrl.u32 s10, $0x2;
	s17 =	sshrl.u32 s12, $0x3;
	s24 =	sadd.s32 s4, s5  }
0xe: {  	[dreg:$0x5] =	wrdreg s0;
	s19 =	ssub.s32 s8, s11;
	s8 =	sadd.s32 s22, s1  }
0xf: {  	s23 =	sadd.s32 $0x9200, s9;
	[dreg:$0x7] =	wrdreg s24;
	s25 =	sadd.s32 $0x280, s17  }
.Ltmp0:
0x10: {  	s12 =	sadd.s32 s14, s17;
	s13 =	sadd.s32 s15, s17;
	(pc) =	sbr.rel .LBB2_1-.Ltmp0, $4  }
0x11: {  	s16 =	sadd.s32 s6, s17;
	s17 =	sadd.s32 s2, s17;
	s22 =	simm.s32 $0x1400  }
0x12: {  	s24 =	simm.s32 $0x2800;
	[dreg:$0x6] =	wrdreg s23;
	s11 =	smax.u32 s19, $0x1  }
0x13: {  	s14 =	sadd.s32 s14, s25;
	s15 =	sadd.s32 s15, s25;
	s18 =	sadd.s32 s6, s25  }
0x14: {  	s19 =	sadd.s32 s2, s25;
	s23 =	simm.s32 $0x80;
	s25 =	simm.s32 $0x6800  }
.LBB2_11:
0x15: {  	s6 =	sadd.s32 $0x80, s2;
	[sflag:s21] =	ssyncadd.s32 $0xFFFFC000  }
0x16: {  	[tilespmem:s25], [sflag:$0x2] =	stream.indirect.gather [hbm4b:s4+s23], $0x80, s6, s23, $0xb8;
	[tilespmem:$0x1E400] =	vst v63  }
0x17: {  	_ =	swait.ge [sflag:s26], $0x4000  }
0x18: {  	[sflag:s26] =	ssyncset.done $0x0  }
0x19: {  	s7 =	sadd.s32 $0x1400, s2;
	[sflag:s26] =	ssyncadd.s32 $0xFFFFC000  }
0x1a: {  	[spmem:s1] =	stream.indirect.scatter.add.f32 [tilespmem:s24], [sflag:$0x3], $0x80, s7, s23, $0xb8;
	[tilespmem:$0x1E400] =	vst v63  }
0x1b: {  	_ =	swait.ge [sflag:s21], $0x4000  }
0x1c: {  	[sflag:s21] =	ssyncset.done $0x0  }
0x1d: {  	s9 =	sadd.s32 $0x100, s2;
	[sflag:s21] =	ssyncadd.s32 $0xFFFFC000  }
0x1e: {  	[tilespmem:s24], [sflag:$0x1] =	stream.indirect.gather [hbm4b:s4+s23], $0x80, s9, s23, $0xb8;
	[tilespmem:$0x1E400] =	vst v63  }
0x1f: {  	_ =	swait.ge [sflag:s28], $0x4000  }
0x20: {  	[sflag:s28] =	ssyncset.done $0x0  }
0x21: {  	s10 =	sadd.s32 $0x1480, s2;
	[sflag:s28] =	ssyncadd.s32 $0xFFFFC000  }
0x22: {  	[spmem:s1] =	stream.indirect.scatter.add.f32 [tilespmem:s25], [sflag:$0x3], $0x80, s10, s23, $0xb8;
	[tilespmem:$0x1E400] =	vst v63  }
0x23: {  	_ =	swait.ge [sflag:s21], $0x4000  }
0x24: {  	[sflag:s21] =	ssyncset.done $0x0  }
0x25: {  	[sflag:s21] =	ssyncadd.s32 $0xFFFFC000  }
0x26: {  	[tilespmem:s25], [sflag:$0x2] =	stream.indirect.gather [hbm4b:s4+s23], $0x80, s29, s23, $0xb8;
	[tilespmem:$0x1E400] =	vst v63  }
0x27: {  	_ =	swait.ge [sflag:s26], $0x4000  }
0x28: {  	[sflag:s26] =	ssyncset.done $0x0  }
0x29: {  	[sflag:s26] =	ssyncadd.s32 $0xFFFFC000  }
0x2a: {  	[spmem:s1] =	stream.indirect.scatter.add.f32 [tilespmem:s24], [sflag:$0x3], $0x80, s30, s23, $0xb8;
	[tilespmem:$0x1E400] =	vst v63  }
0x2b: {  	_ =	swait.ge [sflag:s21], $0x4000  }
0x2c: {  	[sflag:s21] =	ssyncset.done $0x0  }
0x2d: {  	[sflag:s21] =	ssyncadd.s32 $0xFFFFC000  }
0x2e: {  	_ =	swait.ge [sflag:s28], $0x4000  }
0x2f: {  	[sflag:s28] =	ssyncset.done $0x0  }
0x30: {  	[sflag:s28] =	ssyncadd.s32 $0xFFFFC000  }
0x31: {  	[spmem:s1] =	stream.indirect.scatter.add.f32 [tilespmem:s25], [sflag:$0x3], $0x80, s31, s23, $0xb8;
	[tilespmem:$0x1E400] =	vst v63  }
0x32: {  	_ =	swait.ge [sflag:s21], $0x4000  }
0x33: {  	[sflag:s21] =	ssyncset.done $0x0  }
0x34: {  	[sflag:s21] =	ssyncadd.s32 $0xFFFFC000  }
0x35: {  	[bflag:$0x0] =	sbarrier.arrive $0xFFFF  }
0x36: {  	s2 =	rddreg [dreg:$0x4]  }
.LBB2_12:
0x37: {  	s3 =	sadd.s32 $0x1, s3  }
0x38: {  	p1 =	sne.s32 s3, s11  }
.Ltmp1:
0x39: {  	s2 =	sadd.s32 s2, s5;
	(pc) =	sbr.rel @!p1 .LBB2_13-.Ltmp1, $4  }
0x3a: {  	[hbm:s2], [sflag:s20] =	dma.local [spmem:s0], $0x2780  }
0x3b: {  	_ =	swait.ge [sflag:s21], $0x2780  }
0x3c: {  	[sflag:s21] =	ssyncset.done $0x0  }
0x3d: {  	[sflag:s21] =	ssyncadd.s32 $0xFFFFD880  }
.LBB2_1:
.Ltmp2:
0x3e: {  	(pc) =	sbr.rel @!p0 .LBB2_2-.Ltmp2, $2  }
0x3f: {  	_ =	sdelay $0x2  }
0x40: {  	s0 =	sshrl.u32 s8, $0x3  }
0x41: {  	s2 =	rddreg [dreg:$0x7]  }
0x42: {  	[spmem:s0], [sflag:s20] =	dma.local [hbm:s2], $0x2780  }
0x43: {  	_ =	swait.ge [sflag:s21], $0x2780  }
0x44: {  	[sflag:s21] =	ssyncset.done $0x0  }
0x45: {  	[sflag:s21] =	ssyncadd.s32 $0xFFFFD880  }
0x46: {  	s10 =	simm.s32 $0x0;
	[bflag:$0x0] =	sbarrier.arrive $0xFFFF  }
0x47: {  	[tilespmem:s10], [sflag:$0x3] =	stream.linear.gather [hbm4b:s16+s10], $0x1400, $0x38;
	[tilespmem:$0x1E400] =	vst v63  }
0x48: {  	_ =	swait.ge [sflag:s21], $0x1400  }
0x49: {  	[sflag:s21] =	ssyncset.done $0x0  }
0x4a: {  	[sflag:s21] =	ssyncadd.s32 $0xFFFFEC00  }
0x4b: {  	[tilespmem:s22], [sflag:$0x3] =	stream.linear.gather [hbm4b:s17+s10], $0x1400, $0x38;
	[tilespmem:$0x1E400] =	vst v63  }
0x4c: {  	_ =	swait.ge [sflag:s21], $0x1400  }
0x4d: {  	[sflag:s21] =	ssyncset.done $0x0  }
0x4e: {  	[sflag:s21] =	ssyncadd.s32 $0xFFFFEC00  }
0x4f: {  	[tilespmem:s24], [sflag:$0x1] =	stream.indirect.gather [hbm4b:s4+s23], $0x80, s10, s23, $0xb8;
	[tilespmem:$0x1E400] =	vst v63  }
0x50: {  	s6 =	simm.s32 $0x80  }
0x51: {  	[tilespmem:s25], [sflag:$0x2] =	stream.indirect.gather [hbm4b:s4+s23], $0x80, s6, s23, $0xb8;
	[tilespmem:$0x1E400] =	vst v63  }
0x52: {  	_ =	swait.ge [sflag:s26], $0x4000  }
0x53: {  	[sflag:s26] =	ssyncset.done $0x0  }
0x54: {  	s7 =	simm.s32 $0x1400;
	[sflag:s26] =	ssyncadd.s32 $0xFFFFC000  }
0x55: {  	[spmem:s1] =	stream.indirect.scatter.add.f32 [tilespmem:s24], [sflag:$0x3], $0x80, s7, s23, $0xb8;
	[tilespmem:$0x1E400] =	vst v63  }
0x56: {  	_ =	swait.ge [sflag:s21], $0x4000  }
0x57: {  	[sflag:s21] =	ssyncset.done $0x0  }
0x58: {  	s9 =	simm.s32 $0x100;
	[sflag:s21] =	ssyncadd.s32 $0xFFFFC000  }
0x59: {  	[tilespmem:s24], [sflag:$0x1] =	stream.indirect.gather [hbm4b:s4+s23], $0x80, s9, s23, $0xb8;
	[tilespmem:$0x1E400] =	vst v63  }
0x5a: {  	_ =	swait.ge [sflag:s28], $0x4000  }
0x5b: {  	[sflag:s28] =	ssyncset.done $0x0  }
0x5c: {  	s10 =	simm.s32 $0x1480;
	[sflag:s28] =	ssyncadd.s32 $0xFFFFC000  }
0x5d: {  	[spmem:s1] =	stream.indirect.scatter.add.f32 [tilespmem:s25], [sflag:$0x3], $0x80, s10, s23, $0xb8;
	[tilespmem:$0x1E400] =	vst v63  }
0x5e: {  	_ =	swait.ge [sflag:s21], $0x4000  }
0x5f: {  	s2 =	simm.s32 $0x100;
	s6 =	simm.s32 $0x800;
	[sflag:s21] =	ssyncset.done $0x0  }
.LBB2_8:
0x60: {  	s9 =	sadd.s32 $0x80, s2  }
0x61: {  	[sflag:s21] =	ssyncadd.s32 $0xFFFFC000;
	s7 =	smov.u32 s6;
	s10 =	sadd.s32 $0x400, s6  }
0x62: {  	[tilespmem:s25], [sflag:$0x2] =	stream.indirect.gather [hbm4b:s4+s23], $0x80, s9, s23, $0xb8;
	[tilespmem:$0x1E400] =	vst v63  }
0x63: {  	p1 =	sne.s32 s6, $0x4800;
	_ =	swait.ge [sflag:s26], $0x4000  }
0x64: {  	[sflag:s26] =	ssyncset.done $0x0  }
0x65: {  	s6 =	sadd.s32 $0x1400, s2;
	[sflag:s26] =	ssyncadd.s32 $0xFFFFC000  }
0x66: {  	[spmem:s1] =	stream.indirect.scatter.add.f32 [tilespmem:s24], [sflag:$0x3], $0x80, s6, s23, $0xb8;
	[tilespmem:$0x1E400] =	vst v63  }
0x67: {  	_ =	swait.ge [sflag:s21], $0x4000  }
0x68: {  	[sflag:s21] =	ssyncset.done $0x0  }
0x69: {  	s6 =	sadd.s32 $0x100, s2;
	[sflag:s21] =	ssyncadd.s32 $0xFFFFC000  }
0x6a: {  	[tilespmem:s24], [sflag:$0x1] =	stream.indirect.gather [hbm4b:s4+s23], $0x80, s6, s23, $0xb8;
	[tilespmem:$0x1E400] =	vst v63  }
0x6b: {  	_ =	swait.ge [sflag:s28], $0x4000  }
.Ltmp3:
0x6c: {  	[sflag:s28] =	ssyncset.done $0x0;
	(pc) =	sbr.rel @p1 .LBB2_8-.Ltmp3, $4  }
0x6d: {  	s2 =	sadd.s32 $0x1480, s2;
	[sflag:s28] =	ssyncadd.s32 $0xFFFFC000  }
0x6e: {  	[spmem:s1] =	stream.indirect.scatter.add.f32 [tilespmem:s25], [sflag:$0x3], $0x80, s2, s23, $0xb8;
	[tilespmem:$0x1E400] =	vst v63  }
0x6f: {  	_ =	swait.ge [sflag:s21], $0x4000  }
0x70: {  	s6 =	smov.u32 s10;
	s2 =	sshra.s32 s7, $0x2;
	[sflag:s21] =	ssyncset.done $0x0  }
0x71: {  	s6 =	sadd.s32 $0x80, s2;
	[sflag:s21] =	ssyncadd.s32 $0xFFFFC000  }
0x72: {  	[tilespmem:s25], [sflag:$0x2] =	stream.indirect.gather [hbm4b:s4+s23], $0x80, s6, s23, $0xb8;
	[tilespmem:$0x1E400] =	vst v63  }
0x73: {  	_ =	swait.ge [sflag:s26], $0x4000  }
0x74: {  	[sflag:s26] =	ssyncset.done $0x0  }
0x75: {  	s10 =	sadd.s32 $0x1400, s2;
	[sflag:s26] =	ssyncadd.s32 $0xFFFFC000  }
0x76: {  	[spmem:s1] =	stream.indirect.scatter.add.f32 [tilespmem:s24], [sflag:$0x3], $0x80, s10, s23, $0xb8;
	[tilespmem:$0x1E400] =	vst v63  }
0x77: {  	_ =	swait.ge [sflag:s21], $0x4000  }
0x78: {  	[sflag:s21] =	ssyncset.done $0x0  }
0x79: {  	s7 =	sadd.s32 $0x100, s2;
	[sflag:s21] =	ssyncadd.s32 $0xFFFFC000  }
0x7a: {  	[tilespmem:s24], [sflag:$0x1] =	stream.indirect.gather [hbm4b:s4+s23], $0x80, s7, s23, $0xb8;
	[tilespmem:$0x1E400] =	vst v63  }
0x7b: {  	_ =	swait.ge [sflag:s28], $0x4000  }
0x7c: {  	[sflag:s28] =	ssyncset.done $0x0  }
0x7d: {  	s9 =	sadd.s32 $0x1480, s2;
	[sflag:s28] =	ssyncadd.s32 $0xFFFFC000  }
0x7e: {  	[spmem:s1] =	stream.indirect.scatter.add.f32 [tilespmem:s25], [sflag:$0x3], $0x80, s9, s23, $0xb8;
	[tilespmem:$0x1E400] =	vst v63  }
0x7f: {  	_ =	swait.ge [sflag:s21], $0x4000  }
0x80: {  	[sflag:s21] =	ssyncset.done $0x0  }
0x81: {  	[sflag:s21] =	ssyncadd.s32 $0xFFFFC000  }
0x82: {  	[tilespmem:s25], [sflag:$0x2] =	stream.indirect.gather [hbm4b:s4+s23], $0x80, s29, s23, $0xb8;
	[tilespmem:$0x1E400] =	vst v63  }
0x83: {  	_ =	swait.ge [sflag:s26], $0x4000  }
0x84: {  	[sflag:s26] =	ssyncset.done $0x0  }
0x85: {  	[sflag:s26] =	ssyncadd.s32 $0xFFFFC000  }
0x86: {  	[spmem:s1] =	stream.indirect.scatter.add.f32 [tilespmem:s24], [sflag:$0x3], $0x80, s30, s23, $0xb8;
	[tilespmem:$0x1E400] =	vst v63  }
0x87: {  	_ =	swait.ge [sflag:s21], $0x4000  }
0x88: {  	[sflag:s21] =	ssyncset.done $0x0  }
0x89: {  	[sflag:s21] =	ssyncadd.s32 $0xFFFFC000  }
0x8a: {  	_ =	swait.ge [sflag:s28], $0x4000  }
0x8b: {  	[sflag:s28] =	ssyncset.done $0x0  }
0x8c: {  	[sflag:s28] =	ssyncadd.s32 $0xFFFFC000  }
0x8d: {  	[spmem:s1] =	stream.indirect.scatter.add.f32 [tilespmem:s25], [sflag:$0x3], $0x80, s31, s23, $0xb8;
	[tilespmem:$0x1E400] =	vst v63  }
0x8e: {  	_ =	swait.ge [sflag:s21], $0x4000  }
0x8f: {  	[sflag:s21] =	ssyncset.done $0x0  }
0x90: {  	s10 =	simm.s32 $0x0;
	[sflag:s21] =	ssyncadd.s32 $0xFFFFC000  }
0x91: {  	[tilespmem:s10], [sflag:$0x3] =	stream.linear.gather [hbm4b:s18+s10], $0x1400, $0x38;
	[tilespmem:$0x1E400] =	vst v63  }
0x92: {  	_ =	swait.ge [sflag:s21], $0x1400  }
0x93: {  	[sflag:s21] =	ssyncset.done $0x0  }
0x94: {  	[sflag:s21] =	ssyncadd.s32 $0xFFFFEC00  }
0x95: {  	[tilespmem:s22], [sflag:$0x3] =	stream.linear.gather [hbm4b:s19+s10], $0x1400, $0x38;
	[tilespmem:$0x1E400] =	vst v63  }
0x96: {  	_ =	swait.ge [sflag:s21], $0x1400  }
0x97: {  	[sflag:s21] =	ssyncset.done $0x0  }
0x98: {  	[sflag:s21] =	ssyncadd.s32 $0xFFFFEC00  }
0x99: {  	[tilespmem:s24], [sflag:$0x1] =	stream.indirect.gather [hbm4b:s4+s23], $0x80, s10, s23, $0xb8;
	[tilespmem:$0x1E400] =	vst v63  }
0x9a: {  	s6 =	simm.s32 $0x80  }
0x9b: {  	[tilespmem:s25], [sflag:$0x2] =	stream.indirect.gather [hbm4b:s4+s23], $0x80, s6, s23, $0xb8;
	[tilespmem:$0x1E400] =	vst v63  }
0x9c: {  	_ =	swait.ge [sflag:s26], $0x4000  }
0x9d: {  	[sflag:s26] =	ssyncset.done $0x0  }
0x9e: {  	s7 =	simm.s32 $0x1400;
	[sflag:s26] =	ssyncadd.s32 $0xFFFFC000  }
0x9f: {  	[spmem:s1] =	stream.indirect.scatter.add.f32 [tilespmem:s24], [sflag:$0x3], $0x80, s7, s23, $0xb8;
	[tilespmem:$0x1E400] =	vst v63  }
0xa0: {  	_ =	swait.ge [sflag:s21], $0x4000  }
0xa1: {  	[sflag:s21] =	ssyncset.done $0x0  }
0xa2: {  	s9 =	simm.s32 $0x100;
	[sflag:s21] =	ssyncadd.s32 $0xFFFFC000  }
0xa3: {  	[tilespmem:s24], [sflag:$0x1] =	stream.indirect.gather [hbm4b:s4+s23], $0x80, s9, s23, $0xb8;
	[tilespmem:$0x1E400] =	vst v63  }
0xa4: {  	_ =	swait.ge [sflag:s28], $0x4000  }
0xa5: {  	[sflag:s28] =	ssyncset.done $0x0  }
0xa6: {  	s10 =	simm.s32 $0x1480;
	[sflag:s28] =	ssyncadd.s32 $0xFFFFC000  }
0xa7: {  	[spmem:s1] =	stream.indirect.scatter.add.f32 [tilespmem:s25], [sflag:$0x3], $0x80, s10, s23, $0xb8;
	[tilespmem:$0x1E400] =	vst v63  }
0xa8: {  	_ =	swait.ge [sflag:s21], $0x4000  }
0xa9: {  	s2 =	simm.s32 $0x100;
	s6 =	simm.s32 $0x800;
	[sflag:s21] =	ssyncset.done $0x0  }
.LBB2_10:
0xaa: {  	s7 =	sadd.s32 $0x80, s2  }
0xab: {  	[sflag:s21] =	ssyncadd.s32 $0xFFFFC000;
	s9 =	smov.u32 s6;
	s10 =	sadd.s32 $0x400, s6  }
0xac: {  	[tilespmem:s25], [sflag:$0x2] =	stream.indirect.gather [hbm4b:s4+s23], $0x80, s7, s23, $0xb8;
	[tilespmem:$0x1E400] =	vst v63  }
0xad: {  	p1 =	sne.s32 s6, $0x4800;
	_ =	swait.ge [sflag:s26], $0x4000  }
0xae: {  	[sflag:s26] =	ssyncset.done $0x0  }
0xaf: {  	s6 =	sadd.s32 $0x1400, s2;
	[sflag:s26] =	ssyncadd.s32 $0xFFFFC000  }
0xb0: {  	[spmem:s1] =	stream.indirect.scatter.add.f32 [tilespmem:s24], [sflag:$0x3], $0x80, s6, s23, $0xb8;
	[tilespmem:$0x1E400] =	vst v63  }
0xb1: {  	_ =	swait.ge [sflag:s21], $0x4000  }
0xb2: {  	[sflag:s21] =	ssyncset.done $0x0  }
0xb3: {  	s6 =	sadd.s32 $0x100, s2;
	[sflag:s21] =	ssyncadd.s32 $0xFFFFC000  }
0xb4: {  	[tilespmem:s24], [sflag:$0x1] =	stream.indirect.gather [hbm4b:s4+s23], $0x80, s6, s23, $0xb8;
	[tilespmem:$0x1E400] =	vst v63  }
0xb5: {  	_ =	swait.ge [sflag:s28], $0x4000  }
.Ltmp4:
0xb6: {  	[sflag:s28] =	ssyncset.done $0x0;
	(pc) =	sbr.rel @p1 .LBB2_10-.Ltmp4, $4  }
0xb7: {  	s2 =	sadd.s32 $0x1480, s2;
	[sflag:s28] =	ssyncadd.s32 $0xFFFFC000  }
0xb8: {  	[spmem:s1] =	stream.indirect.scatter.add.f32 [tilespmem:s25], [sflag:$0x3], $0x80, s2, s23, $0xb8;
	[tilespmem:$0x1E400] =	vst v63  }
0xb9: {  	_ =	swait.ge [sflag:s21], $0x4000  }
0xba: {  	s6 =	smov.u32 s10;
	s2 =	sshra.s32 s9, $0x2;
	[sflag:s21] =	ssyncset.done $0x0  }
.Ltmp5:
0xbb: {  	_ = 	snop;
	(pc) =	sbr.rel .LBB2_11-.Ltmp5, $1  }
0xbc: {  	_ =	sdelay $0x3  }
.LBB2_2:
0xbd: {  	s2 =	rddreg [dreg:$0x6]  }
0xbe: {  	[spmem:s0], [sflag:s20] =	dma.local [hbm:s2], $0x2780  }
0xbf: {  	_ =	swait.ge [sflag:s21], $0x2780  }
0xc0: {  	[sflag:s21] =	ssyncset.done $0x0  }
0xc1: {  	[sflag:s21] =	ssyncadd.s32 $0xFFFFD880  }
0xc2: {  	s10 =	simm.s32 $0x0;
	[bflag:$0x0] =	sbarrier.arrive $0xFFFF  }
0xc3: {  	[tilespmem:s10], [sflag:$0x3] =	stream.linear.gather [hbm4b:s12+s10], $0x1400, $0x38;
	[tilespmem:$0x1E400] =	vst v63  }
0xc4: {  	_ =	swait.ge [sflag:s21], $0x1400  }
0xc5: {  	[sflag:s21] =	ssyncset.done $0x0  }
0xc6: {  	[sflag:s21] =	ssyncadd.s32 $0xFFFFEC00  }
0xc7: {  	[tilespmem:s22], [sflag:$0x3] =	stream.linear.gather [hbm4b:s13+s10], $0x1400, $0x38;
	[tilespmem:$0x1E400] =	vst v63  }
0xc8: {  	_ =	swait.ge [sflag:s21], $0x1400  }
0xc9: {  	[sflag:s21] =	ssyncset.done $0x0  }
0xca: {  	[sflag:s21] =	ssyncadd.s32 $0xFFFFEC00  }
0xcb: {  	[tilespmem:s24], [sflag:$0x1] =	stream.indirect.gather [hbm4b:s4+s23], $0x80, s10, s23, $0xb8;
	[tilespmem:$0x1E400] =	vst v63  }
0xcc: {  	s6 =	simm.s32 $0x80  }
0xcd: {  	[tilespmem:s25], [sflag:$0x2] =	stream.indirect.gather [hbm4b:s4+s23], $0x80, s6, s23, $0xb8;
	[tilespmem:$0x1E400] =	vst v63  }
0xce: {  	_ =	swait.ge [sflag:s26], $0x4000  }
0xcf: {  	[sflag:s26] =	ssyncset.done $0x0  }
0xd0: {  	s7 =	simm.s32 $0x1400;
	[sflag:s26] =	ssyncadd.s32 $0xFFFFC000  }
0xd1: {  	[spmem:s1] =	stream.indirect.scatter.add.f32 [tilespmem:s24], [sflag:$0x3], $0x80, s7, s23, $0xb8;
	[tilespmem:$0x1E400] =	vst v63  }
0xd2: {  	_ =	swait.ge [sflag:s21], $0x4000  }
0xd3: {  	[sflag:s21] =	ssyncset.done $0x0  }
0xd4: {  	s9 =	simm.s32 $0x100;
	[sflag:s21] =	ssyncadd.s32 $0xFFFFC000  }
0xd5: {  	[tilespmem:s24], [sflag:$0x1] =	stream.indirect.gather [hbm4b:s4+s23], $0x80, s9, s23, $0xb8;
	[tilespmem:$0x1E400] =	vst v63  }
0xd6: {  	_ =	swait.ge [sflag:s28], $0x4000  }
0xd7: {  	[sflag:s28] =	ssyncset.done $0x0  }
0xd8: {  	s10 =	simm.s32 $0x1480;
	[sflag:s28] =	ssyncadd.s32 $0xFFFFC000  }
0xd9: {  	[spmem:s1] =	stream.indirect.scatter.add.f32 [tilespmem:s25], [sflag:$0x3], $0x80, s10, s23, $0xb8;
	[tilespmem:$0x1E400] =	vst v63  }
0xda: {  	_ =	swait.ge [sflag:s21], $0x4000  }
0xdb: {  	s2 =	simm.s32 $0x100;
	s6 =	simm.s32 $0x800;
	[sflag:s21] =	ssyncset.done $0x0  }
.LBB2_3:
0xdc: {  	s7 =	sadd.s32 $0x80, s2  }
0xdd: {  	[sflag:s21] =	ssyncadd.s32 $0xFFFFC000;
	s9 =	smov.u32 s6;
	s10 =	sadd.s32 $0x400, s6  }
0xde: {  	[tilespmem:s25], [sflag:$0x2] =	stream.indirect.gather [hbm4b:s4+s23], $0x80, s7, s23, $0xb8;
	[tilespmem:$0x1E400] =	vst v63  }
0xdf: {  	p1 =	sne.s32 s6, $0x4800;
	_ =	swait.ge [sflag:s26], $0x4000  }
0xe0: {  	[sflag:s26] =	ssyncset.done $0x0  }
0xe1: {  	s6 =	sadd.s32 $0x1400, s2;
	[sflag:s26] =	ssyncadd.s32 $0xFFFFC000  }
0xe2: {  	[spmem:s1] =	stream.indirect.scatter.add.f32 [tilespmem:s24], [sflag:$0x3], $0x80, s6, s23, $0xb8;
	[tilespmem:$0x1E400] =	vst v63  }
0xe3: {  	_ =	swait.ge [sflag:s21], $0x4000  }
0xe4: {  	[sflag:s21] =	ssyncset.done $0x0  }
0xe5: {  	s6 =	sadd.s32 $0x100, s2;
	[sflag:s21] =	ssyncadd.s32 $0xFFFFC000  }
0xe6: {  	[tilespmem:s24], [sflag:$0x1] =	stream.indirect.gather [hbm4b:s4+s23], $0x80, s6, s23, $0xb8;
	[tilespmem:$0x1E400] =	vst v63  }
0xe7: {  	_ =	swait.ge [sflag:s28], $0x4000  }
.Ltmp6:
0xe8: {  	[sflag:s28] =	ssyncset.done $0x0;
	(pc) =	sbr.rel @p1 .LBB2_3-.Ltmp6, $4  }
0xe9: {  	s2 =	sadd.s32 $0x1480, s2;
	[sflag:s28] =	ssyncadd.s32 $0xFFFFC000  }
0xea: {  	[spmem:s1] =	stream.indirect.scatter.add.f32 [tilespmem:s25], [sflag:$0x3], $0x80, s2, s23, $0xb8;
	[tilespmem:$0x1E400] =	vst v63  }
0xeb: {  	_ =	swait.ge [sflag:s21], $0x4000  }
0xec: {  	s6 =	smov.u32 s10;
	s2 =	sshra.s32 s9, $0x2;
	[sflag:s21] =	ssyncset.done $0x0  }
0xed: {  	s6 =	sadd.s32 $0x80, s2;
	[sflag:s21] =	ssyncadd.s32 $0xFFFFC000  }
0xee: {  	[tilespmem:s25], [sflag:$0x2] =	stream.indirect.gather [hbm4b:s4+s23], $0x80, s6, s23, $0xb8;
	[tilespmem:$0x1E400] =	vst v63  }
0xef: {  	_ =	swait.ge [sflag:s26], $0x4000  }
0xf0: {  	[sflag:s26] =	ssyncset.done $0x0  }
0xf1: {  	s10 =	sadd.s32 $0x1400, s2;
	[sflag:s26] =	ssyncadd.s32 $0xFFFFC000  }
0xf2: {  	[spmem:s1] =	stream.indirect.scatter.add.f32 [tilespmem:s24], [sflag:$0x3], $0x80, s10, s23, $0xb8;
	[tilespmem:$0x1E400] =	vst v63  }
0xf3: {  	_ =	swait.ge [sflag:s21], $0x4000  }
0xf4: {  	[sflag:s21] =	ssyncset.done $0x0  }
0xf5: {  	s7 =	sadd.s32 $0x100, s2;
	[sflag:s21] =	ssyncadd.s32 $0xFFFFC000  }
0xf6: {  	[tilespmem:s24], [sflag:$0x1] =	stream.indirect.gather [hbm4b:s4+s23], $0x80, s7, s23, $0xb8;
	[tilespmem:$0x1E400] =	vst v63  }
0xf7: {  	_ =	swait.ge [sflag:s28], $0x4000  }
0xf8: {  	[sflag:s28] =	ssyncset.done $0x0  }
0xf9: {  	s9 =	sadd.s32 $0x1480, s2;
	[sflag:s28] =	ssyncadd.s32 $0xFFFFC000  }
0xfa: {  	[spmem:s1] =	stream.indirect.scatter.add.f32 [tilespmem:s25], [sflag:$0x3], $0x80, s9, s23, $0xb8;
	[tilespmem:$0x1E400] =	vst v63  }
0xfb: {  	_ =	swait.ge [sflag:s21], $0x4000  }
0xfc: {  	[sflag:s21] =	ssyncset.done $0x0  }
0xfd: {  	[sflag:s21] =	ssyncadd.s32 $0xFFFFC000  }
0xfe: {  	[tilespmem:s25], [sflag:$0x2] =	stream.indirect.gather [hbm4b:s4+s23], $0x80, s29, s23, $0xb8;
	[tilespmem:$0x1E400] =	vst v63  }
0xff: {  	_ =	swait.ge [sflag:s26], $0x4000  }
0x100: {  	[sflag:s26] =	ssyncset.done $0x0  }
0x101: {  	[sflag:s26] =	ssyncadd.s32 $0xFFFFC000  }
0x102: {  	[spmem:s1] =	stream.indirect.scatter.add.f32 [tilespmem:s24], [sflag:$0x3], $0x80, s30, s23, $0xb8;
	[tilespmem:$0x1E400] =	vst v63  }
0x103: {  	_ =	swait.ge [sflag:s21], $0x4000  }
0x104: {  	[sflag:s21] =	ssyncset.done $0x0  }
0x105: {  	[sflag:s21] =	ssyncadd.s32 $0xFFFFC000  }
0x106: {  	_ =	swait.ge [sflag:s28], $0x4000  }
0x107: {  	[sflag:s28] =	ssyncset.done $0x0  }
0x108: {  	[sflag:s28] =	ssyncadd.s32 $0xFFFFC000  }
0x109: {  	[spmem:s1] =	stream.indirect.scatter.add.f32 [tilespmem:s25], [sflag:$0x3], $0x80, s31, s23, $0xb8;
	[tilespmem:$0x1E400] =	vst v63  }
0x10a: {  	_ =	swait.ge [sflag:s21], $0x4000  }
0x10b: {  	[sflag:s21] =	ssyncset.done $0x0  }
0x10c: {  	s10 =	simm.s32 $0x0;
	[sflag:s21] =	ssyncadd.s32 $0xFFFFC000  }
0x10d: {  	[tilespmem:s10], [sflag:$0x3] =	stream.linear.gather [hbm4b:s14+s10], $0x1400, $0x38;
	[tilespmem:$0x1E400] =	vst v63  }
0x10e: {  	_ =	swait.ge [sflag:s21], $0x1400  }
0x10f: {  	[sflag:s21] =	ssyncset.done $0x0  }
0x110: {  	[sflag:s21] =	ssyncadd.s32 $0xFFFFEC00  }
0x111: {  	[tilespmem:s22], [sflag:$0x3] =	stream.linear.gather [hbm4b:s15+s10], $0x1400, $0x38;
	[tilespmem:$0x1E400] =	vst v63  }
0x112: {  	_ =	swait.ge [sflag:s21], $0x1400  }
0x113: {  	[sflag:s21] =	ssyncset.done $0x0  }
0x114: {  	[sflag:s21] =	ssyncadd.s32 $0xFFFFEC00  }
0x115: {  	[tilespmem:s24], [sflag:$0x1] =	stream.indirect.gather [hbm4b:s4+s23], $0x80, s10, s23, $0xb8;
	[tilespmem:$0x1E400] =	vst v63  }
0x116: {  	s6 =	simm.s32 $0x80  }
0x117: {  	[tilespmem:s25], [sflag:$0x2] =	stream.indirect.gather [hbm4b:s4+s23], $0x80, s6, s23, $0xb8;
	[tilespmem:$0x1E400] =	vst v63  }
0x118: {  	_ =	swait.ge [sflag:s26], $0x4000  }
0x119: {  	[sflag:s26] =	ssyncset.done $0x0  }
0x11a: {  	s7 =	simm.s32 $0x1400;
	[sflag:s26] =	ssyncadd.s32 $0xFFFFC000  }
0x11b: {  	[spmem:s1] =	stream.indirect.scatter.add.f32 [tilespmem:s24], [sflag:$0x3], $0x80, s7, s23, $0xb8;
	[tilespmem:$0x1E400] =	vst v63  }
0x11c: {  	_ =	swait.ge [sflag:s21], $0x4000  }
0x11d: {  	[sflag:s21] =	ssyncset.done $0x0  }
0x11e: {  	s9 =	simm.s32 $0x100;
	[sflag:s21] =	ssyncadd.s32 $0xFFFFC000  }
0x11f: {  	[tilespmem:s24], [sflag:$0x1] =	stream.indirect.gather [hbm4b:s4+s23], $0x80, s9, s23, $0xb8;
	[tilespmem:$0x1E400] =	vst v63  }
0x120: {  	_ =	swait.ge [sflag:s28], $0x4000  }
0x121: {  	[sflag:s28] =	ssyncset.done $0x0  }
0x122: {  	s10 =	simm.s32 $0x1480;
	[sflag:s28] =	ssyncadd.s32 $0xFFFFC000  }
0x123: {  	[spmem:s1] =	stream.indirect.scatter.add.f32 [tilespmem:s25], [sflag:$0x3], $0x80, s10, s23, $0xb8;
	[tilespmem:$0x1E400] =	vst v63  }
0x124: {  	_ =	swait.ge [sflag:s21], $0x4000  }
0x125: {  	s2 =	simm.s32 $0x100;
	s6 =	simm.s32 $0x800;
	[sflag:s21] =	ssyncset.done $0x0  }
.LBB2_5:
0x126: {  	s7 =	sadd.s32 $0x80, s2  }
0x127: {  	[sflag:s21] =	ssyncadd.s32 $0xFFFFC000;
	s9 =	smov.u32 s6;
	s10 =	sadd.s32 $0x400, s6  }
0x128: {  	[tilespmem:s25], [sflag:$0x2] =	stream.indirect.gather [hbm4b:s4+s23], $0x80, s7, s23, $0xb8;
	[tilespmem:$0x1E400] =	vst v63  }
0x129: {  	p1 =	sne.s32 s6, $0x4800;
	_ =	swait.ge [sflag:s26], $0x4000  }
0x12a: {  	[sflag:s26] =	ssyncset.done $0x0  }
0x12b: {  	s6 =	sadd.s32 $0x1400, s2;
	[sflag:s26] =	ssyncadd.s32 $0xFFFFC000  }
0x12c: {  	[spmem:s1] =	stream.indirect.scatter.add.f32 [tilespmem:s24], [sflag:$0x3], $0x80, s6, s23, $0xb8;
	[tilespmem:$0x1E400] =	vst v63  }
0x12d: {  	_ =	swait.ge [sflag:s21], $0x4000  }
0x12e: {  	[sflag:s21] =	ssyncset.done $0x0  }
0x12f: {  	s6 =	sadd.s32 $0x100, s2;
	[sflag:s21] =	ssyncadd.s32 $0xFFFFC000  }
0x130: {  	[tilespmem:s24], [sflag:$0x1] =	stream.indirect.gather [hbm4b:s4+s23], $0x80, s6, s23, $0xb8;
	[tilespmem:$0x1E400] =	vst v63  }
0x131: {  	_ =	swait.ge [sflag:s28], $0x4000  }
.Ltmp7:
0x132: {  	[sflag:s28] =	ssyncset.done $0x0;
	(pc) =	sbr.rel @p1 .LBB2_5-.Ltmp7, $4  }
0x133: {  	s2 =	sadd.s32 $0x1480, s2;
	[sflag:s28] =	ssyncadd.s32 $0xFFFFC000  }
0x134: {  	[spmem:s1] =	stream.indirect.scatter.add.f32 [tilespmem:s25], [sflag:$0x3], $0x80, s2, s23, $0xb8;
	[tilespmem:$0x1E400] =	vst v63  }
0x135: {  	_ =	swait.ge [sflag:s21], $0x4000  }
0x136: {  	s6 =	smov.u32 s10;
	s2 =	sshra.s32 s9, $0x2;
	[sflag:s21] =	ssyncset.done $0x0  }
0x137: {  	s6 =	sadd.s32 $0x80, s2;
	[sflag:s21] =	ssyncadd.s32 $0xFFFFC000  }
0x138: {  	[tilespmem:s25], [sflag:$0x2] =	stream.indirect.gather [hbm4b:s4+s23], $0x80, s6, s23, $0xb8;
	[tilespmem:$0x1E400] =	vst v63  }
0x139: {  	_ =	swait.ge [sflag:s26], $0x4000  }
0x13a: {  	[sflag:s26] =	ssyncset.done $0x0  }
0x13b: {  	s7 =	sadd.s32 $0x1400, s2;
	[sflag:s26] =	ssyncadd.s32 $0xFFFFC000  }
0x13c: {  	[spmem:s1] =	stream.indirect.scatter.add.f32 [tilespmem:s24], [sflag:$0x3], $0x80, s7, s23, $0xb8;
	[tilespmem:$0x1E400] =	vst v63  }
0x13d: {  	_ =	swait.ge [sflag:s21], $0x4000  }
0x13e: {  	[sflag:s21] =	ssyncset.done $0x0  }
0x13f: {  	s9 =	sadd.s32 $0x100, s2;
	[sflag:s21] =	ssyncadd.s32 $0xFFFFC000  }
0x140: {  	[tilespmem:s24], [sflag:$0x1] =	stream.indirect.gather [hbm4b:s4+s23], $0x80, s9, s23, $0xb8;
	[tilespmem:$0x1E400] =	vst v63  }
0x141: {  	_ =	swait.ge [sflag:s28], $0x4000  }
0x142: {  	[sflag:s28] =	ssyncset.done $0x0  }
0x143: {  	s10 =	sadd.s32 $0x1480, s2;
	[sflag:s28] =	ssyncadd.s32 $0xFFFFC000  }
0x144: {  	[spmem:s1] =	stream.indirect.scatter.add.f32 [tilespmem:s25], [sflag:$0x3], $0x80, s10, s23, $0xb8;
	[tilespmem:$0x1E400] =	vst v63  }
0x145: {  	_ =	swait.ge [sflag:s21], $0x4000  }
0x146: {  	[sflag:s21] =	ssyncset.done $0x0  }
0x147: {  	[sflag:s21] =	ssyncadd.s32 $0xFFFFC000  }
0x148: {  	[tilespmem:s25], [sflag:$0x2] =	stream.indirect.gather [hbm4b:s4+s23], $0x80, s29, s23, $0xb8;
	[tilespmem:$0x1E400] =	vst v63  }
0x149: {  	_ =	swait.ge [sflag:s26], $0x4000  }
0x14a: {  	[sflag:s26] =	ssyncset.done $0x0  }
0x14b: {  	[sflag:s26] =	ssyncadd.s32 $0xFFFFC000  }
0x14c: {  	[spmem:s1] =	stream.indirect.scatter.add.f32 [tilespmem:s24], [sflag:$0x3], $0x80, s30, s23, $0xb8;
	[tilespmem:$0x1E400] =	vst v63  }
0x14d: {  	_ =	swait.ge [sflag:s21], $0x4000  }
0x14e: {  	[sflag:s21] =	ssyncset.done $0x0  }
0x14f: {  	[sflag:s21] =	ssyncadd.s32 $0xFFFFC000  }
0x150: {  	_ =	swait.ge [sflag:s28], $0x4000  }
0x151: {  	[sflag:s28] =	ssyncset.done $0x0  }
0x152: {  	[sflag:s28] =	ssyncadd.s32 $0xFFFFC000  }
0x153: {  	[spmem:s1] =	stream.indirect.scatter.add.f32 [tilespmem:s25], [sflag:$0x3], $0x80, s31, s23, $0xb8;
	[tilespmem:$0x1E400] =	vst v63  }
.Ltmp8:
0x154: {  	_ =	swait.ge [sflag:s21], $0x4000;
	(pc) =	sbr.rel .LBB2_12-.Ltmp8, $4  }
0x155: {  	[sflag:s21] =	ssyncset.done $0x0  }
0x156: {  	[sflag:s21] =	ssyncadd.s32 $0xFFFFC000  }
0x157: {  	[bflag:$0x0] =	sbarrier.arrive $0xFFFF  }
0x158: {  	s2 =	rddreg [dreg:$0x5]  }
.LBB2_13:
0x159: {  	_ =	sfence.sel $0x180000  }
0x15a: {  	[bflag:$0x0] =	sbarrier.arrive $0xFFFF  }
0x15b: {  	_ =	strace $0x9000004A  }
0x15c: {  	s0 =	stileid.u32;
	[bflag:$0x2] =	sbarrier.arrive $0xFFFF  }
0x15d: {  	p0 =	sne.s32 s0, $0x0;
	s0 =	rddreg [dreg:$0x3]  }
0x15e: {  	s0 =	sadd.s32 @!p0 $0x100000, s0  }
0x15f: {  	[sflag:s0] =	ssyncadd.tile.s32 @!p0 $0x1;
	_ =	shalt  }
.Lfunc_end2:
_tile_overlayer_lowered:
.L_overlay_start_2:
0x160: {  	(tag) =	ssettag $0x2  }
0x161: {  	s0 =	rddreg [dreg:$0x0];
	s2 =	stileid.u32  }
0x162: {  	s1 =	rddreg [dreg:$0x1];
	p0 =	sne.s32 s2, $0x0  }
0x163: {  	s3 =	rddreg [dreg:$0x2];
	[bflag:$0x3] =	sbarrier.arrive $0xFFFF;
	s2 =	simm.s32 @!p0 $0x1C03  }
0x164: {  	[timem:s3], [sflag:s2] =	dma.local @!p0 [hbm:s0], s1  }
0x165: {  	s0 =	simm.s32 @!p0 $0x3  }
0x166: {  	_ =	swait.ge @!p0 [sflag:s0], s1  }
0x167: {  	s1 =	ssub.s32 @!p0 $0x0, s1;
	[sflag:s0] =	ssyncset.done @!p0 $0x0  }
0x168: {  	[sflag:s0] =	ssyncadd.s32 @!p0 s1  }
0x169: {  	[bflag:$0x3] =	sbarrier.arrive $0xFFFF  }
0x16a: {  	_ =	shalt  }

// kernel: kernel.15.cloned.1.call-start
scs
__scs_entry_jumppad:
0x0: {  	(pc) =	sbr.rel $0x88, $3  }
0x1: {  	(tag) =	ssettag $0x0;
	lr =	simm.s32 $0x1  }
0x2: {  	[smem:$0x3F9B] =	sst lr;
	_ =	strace $0xD0000000  }
0x3: {  	_ = 	snop  }
0x4: {  	_ = 	snop  }
0x5: {  	_ = 	snop  }
0x6: {  	_ = 	snop  }
0x7: {  	_ = 	snop  }
__scs_overlays_trampoline_lowered:
0x8: {  	[smem:$0x3FAA] =	sst s0  }
0x9: {  	[smem:$0x3FAB] =	sst s1  }
0xa: {  	[smem:$0x3FAC] =	sst s2  }
0xb: {  	[smem:$0x3FAD] =	sst s3  }
0xc: {  	[smem:$0x3FAE] =	sst s4  }
0xd: {  	[smem:$0x3FAF] =	sst s5  }
0xe: {  	[smem:$0x3FB0] =	sst s6  }
0xf: {  	[smem:$0x3FB1] =	sst s7  }
0x10: {  	[smem:$0x3FB2] =	sst s8  }
0x11: {  	[smem:$0x3FB3] =	sst s9;
	s0 =	simm.s32 @!p0 $0x0  }
0x12: {  	s1 =	sld [smem:$0x3F99];
	s0 =	simm.s32 @p0 $0x1  }
0x13: {  	[smem:$0x3FB4] =	sst s0;
	s0 =	simm.s32 @!p1 $0x0  }
0x14: {  	s2 =	sld [smem:$0x3F98];
	s0 =	simm.s32 @p1 $0x1  }
0x15: {  	[smem:$0x3FB5] =	sst s0;
	s0 =	simm.s32 @!p2 $0x0  }
0x16: {  	s3 =	sld [smem:$0x3FDB];
	s0 =	simm.s32 @p2 $0x1  }
0x17: {  	s4 =	simm.s32 $0x1BF5;
	[smem:$0x3FB7] =	sst s0  }
0x18: {  	s0 =	sld [smem:$0x3F9A];
	_ =	swait.ge [sflag:s4], $0x0  }
0x19: {  	s7 =	sld [smem:$0x3F9B]  }
0x1a: {  	s8 =	sadd.s32 $0xFFFFE003, lr  }
0x1b: {  	s9 =	sadd.s32 $0xFFFFFEF7, lr;
	s5 =	simm.s32 $0xFFFFFFFF;
	p2 =	slt.u32 s8, $0xFFFFF086  }
0x1c: {  	p1 =	slt.u32 s9, $0xF7A;
	s5 =	simm.s32 @!p2 $0x0  }
0x1d: {  	s5 =	simm.s32 @p1 $0x1;
	p0 =	seq.s32 s7, s2  }
0x1e: {  	s7 =	smul.u32 @!p0 $0xF7A, s2;
	p2 =	seq.s32 @!p0 s5, $0x0  }
0x1f: {  	s9 =	smul.u32 $0xF7A, s1;
	s8 =	simm.s32 @!p0 $0x1BF5;
	p2 =	por !p2, p0  }
0x20: {  	[sflag:s8] =	ssyncset.s32 @!p0 $0xFFFFF086;
	s6 =	sadd.s32 @!p0 s3, s7;
	s7 =	simm.s32 @!p0 $0x108  }
0x21: {  	s3 =	sadd.s32 s3, s9;
	s6 =	sadd.s32 @!p0 $0x88, s6;
	s7 =	simm.s32 @p2 $0x1082  }
0x22: {  	[simem:s7], [sflag:s8] =	dma.local @!p0 [hbm:s6], $0xF7A  }
0x23: {  	s9 =	sor.u32 $0xD0000000, s2;
	s6 =	simm.s32 $0x108;
	_ =	swait.ge @!p0 [sflag:s8], $0x0  }
0x24: {  	s3 =	sadd.s32 $0x88, s3;
	s6 =	simm.s32 @!p1 $0x1082;
	[sflag:s4] =	ssyncset.s32 $0xFFFFF086  }
0x25: {  	[simem:s6], [sflag:s4] =	dma.local [hbm:s3], $0xF7A  }
0x26: {  	[smem:$0x3F9B] =	sst s1;
	(tag) =	ssettag s2;
	_ =	strace s9  }
0x27: {  	s1 =	sld [smem:$0x3FAB]  }
0x28: {  	s2 =	sld [smem:$0x3FAC]  }
0x29: {  	s4 =	sld [smem:$0x3FAE]  }
0x2a: {  	p0 =	seq.s32 s5, $0x0;
	s5 =	sld [smem:$0x3FAF]  }
0x2b: {  	s6 =	sld [smem:$0x3FB0]  }
0x2c: {  	s7 =	sld [smem:$0x3FB1]  }
0x2d: {  	s3 =	simm.s32 $0x108;
	s8 =	sld [smem:$0x3FB2]  }
0x2e: {  	s3 =	simm.s32 @!p0 $0x1082;
	s9 =	sld [smem:$0x3FB3]  }
0x2f: {  	lr =	sadd.s32 s0, s3;
	s0 =	sld [smem:$0x3FAA]  }
0x30: {  	s3 =	sld [smem:$0x3FAD]  }
0x31: {  	[smem:$0x3FB6] =	sst s10  }
0x32: {  	s10 =	sld [smem:$0x3FB4];
	_ =	sdelay $0x3  }
0x33: {  	p0 =	seq.s32 s10, $0x1;
	s10 =	sld [smem:$0x3FB6];
	_ =	sdelay $0x3  }
0x34: {  	[smem:$0x3FB6] =	sst s10  }
0x35: {  	s10 =	sld [smem:$0x3FB5];
	_ =	sdelay $0x3  }
0x36: {  	p1 =	seq.s32 s10, $0x1;
	s10 =	sld [smem:$0x3FB6];
	_ =	sdelay $0x3  }
0x37: {  	[smem:$0x3FB6] =	sst s10  }
0x38: {  	s10 =	sld [smem:$0x3FB7]  }
0x39: {  	_ = 	snop;
	(pc) =	sbr.ind lr, $3  }
0x3a: {  	_ = 	snop  }
0x3b: {  	_ = 	snop  }
0x3c: {  	p2 =	seq.s32 s10, $0x1;
	s10 =	sld [smem:$0x3FB6]  }
0x3d: {  	_ =	shalt  }
0x3e: {  	_ =	shalt  }
0x3f: {  	_ =	shalt  }
0x40: {  	_ =	shalt  }
0x41: {  	_ =	shalt  }
0x42: {  	_ =	shalt  }
0x43: {  	_ =	shalt  }
0x44: {  	_ =	shalt  }
0x45: {  	_ =	shalt  }
0x46: {  	_ =	shalt  }
0x47: {  	_ =	shalt  }
0x48: {  	_ =	shalt  }
0x49: {  	_ =	shalt  }
0x4a: {  	_ =	shalt  }
0x4b: {  	_ =	shalt  }
0x4c: {  	_ =	shalt  }
0x4d: {  	_ =	shalt  }
0x4e: {  	_ =	shalt  }
0x4f: {  	_ =	shalt  }
0x50: {  	_ =	shalt  }
0x51: {  	_ =	shalt  }
0x52: {  	_ =	shalt  }
0x53: {  	_ =	shalt  }
0x54: {  	_ =	shalt  }
0x55: {  	_ =	shalt  }
0x56: {  	_ =	shalt  }
0x57: {  	_ =	shalt  }
0x58: {  	_ =	shalt  }
0x59: {  	_ =	shalt  }
0x5a: {  	_ =	shalt  }
0x5b: {  	_ =	shalt  }
0x5c: {  	_ =	shalt  }
0x5d: {  	_ =	shalt  }
0x5e: {  	_ =	shalt  }
0x5f: {  	_ =	shalt  }
0x60: {  	_ =	shalt  }
0x61: {  	_ =	shalt  }
0x62: {  	_ =	shalt  }
0x63: {  	_ =	shalt  }
0x64: {  	_ =	shalt  }
0x65: {  	_ =	shalt  }
0x66: {  	_ =	shalt  }
0x67: {  	_ =	shalt  }
0x68: {  	_ =	shalt  }
0x69: {  	_ =	shalt  }
0x6a: {  	_ =	shalt  }
0x6b: {  	_ =	shalt  }
0x6c: {  	_ =	shalt  }
0x6d: {  	_ =	shalt  }
0x6e: {  	_ =	shalt  }
0x6f: {  	_ =	shalt  }
0x70: {  	_ =	shalt  }
0x71: {  	_ =	shalt  }
0x72: {  	_ =	shalt  }
0x73: {  	_ =	shalt  }
0x74: {  	_ =	shalt  }
0x75: {  	_ =	shalt  }
0x76: {  	_ =	shalt  }
0x77: {  	_ =	shalt  }
0x78: {  	_ =	shalt  }
0x79: {  	_ =	shalt  }
0x7a: {  	_ =	shalt  }
0x7b: {  	_ =	shalt  }
0x7c: {  	_ =	shalt  }
0x7d: {  	_ =	shalt  }
0x7e: {  	_ =	shalt  }
0x7f: {  	_ =	shalt  }
0x80: {  	_ =	shalt  }
0x81: {  	_ =	shalt  }
0x82: {  	_ =	shalt  }
0x83: {  	_ =	shalt  }
0x84: {  	_ =	shalt  }
0x85: {  	_ =	shalt  }
0x86: {  	_ =	shalt  }
0x87: {  	_ =	shalt  }
.Lfunc_end0:
.L_simem_size_0:
called_computation.2_lowered:
.L_overlay_start_0:
0x88: {  	s2 =	sld [smem:$0x3FD9]  }
0x89: {  	s3 =	sld [smem:$0x3FFE];
	_ =	sdelay $0x1  }
0x8a: {  	s1 =	srdreg.scid  }
0x8b: {  	s0 =	sand.u32 $0x1, s1  }
0x8c: {  	s17 =	sshll.u32 s0, $0xA;
	s2 =	sadd.s32 s3, s2  }
0x8d: {  	s2 =	sadd.s32 s2, s17  }
0x8e: {  	[smem:$0x3FC2] =	sst s2  }
0x8f: {  	_ = 	snop  }
0x90: {  	s2 =	sld [smem:$0x3FD0];
	(tm) =	ssettm $0x1  }
0x91: {  	s18 =	sld [smem:$0x3FFB];
	_ =	sdelay $0x3  }
0x92: {  	_ =	strace s18  }
0x93: {  	s3 =	sld [smem:$0x3FFC];
	_ =	sdelay $0x3  }
0x94: {  	_ =	strace s3  }
0x95: {  	s3 =	sld [smem:$0x3FFD];
	_ =	sdelay $0x3  }
0x96: {  	_ =	strace s3  }
0x97: {  	_ =	strace $0x8FFFFFFF  }
0x98: {  	s19 =	sld [smem:$0x3FDB];
	_ =	sdelay $0x1  }
0x99: {  	s4 =	simm.s32 $_scs_section_size  }
0x9a: {  	s5 =	simm.s32 $_size__tile_overlayer_lowered;
	s6 =	simm.s32 $_tile_overlayer_lowered  }
0x9b: {  	s22 =	simm.s32 $0x1BFF;
	s21 =	sshll.u32 s6, $0x1;
	s3 =	sadd.s32 s4, s19  }
0x9c: {  	s7 =	simm.s32 $0x0;
	s20 =	sshll.u32 s5, $0x1;
	s5 =	sadd.s32 s21, s3  }
0x9d: {  	[timem:s7], [sflag:s22] =	dma.local [hbm:s5], s20  }
0x9e: {  	_ =	swait.ge [sflag:s22], s20  }
0x9f: {  	s4 =	ssub.s32 $0x0, s20;
	[sflag:s22] =	ssyncset.done $0x0  }
0xa0: {  	[sflag:s22] =	ssyncadd.s32 s4;
	_ =	sdelay $0x1  }
0xa1: {  	s23 =	simm.s32 $0x1B8B  }
0xa2: {  	_ =	swait.ge [sflag:s23], $0x1  }
0xa3: {  	[sflag:s23] =	ssyncset.done $0x0  }
0xa4: {  	s25 =	simm.s32 $0x1B8E;
	s24 =	sld [smem:$0x3FFE];
	[sflag:s23] =	ssyncadd.s32 $0xFFFFFFFF  }
0xa5: {  	s26 =	simm.s32 $execute0_lowered;
	[smem:$0x3FD2] =	sst s25  }
0xa6: {  	s5 =	sshll.u32 s26, $0x1;
	_ =	strace $0x8000004C;
	[dreg:$0x1] =	wrdreg $0xFFFFFFFF  }
0xa7: {  	s28 =	simm.s32 $_size_execute0_lowered;
	s3 =	sadd.s32 s3, s5;
	[dreg:$0x0] =	wrdreg $0x0  }
0xa8: {  	s5 =	sshll.u32 s28, $0x1;
	[dreg:$0x2] =	wrdreg s3  }
0xa9: {  	[dreg:$0x3] =	wrdreg s5  }
0xaa: {  	[dreg:$0x4] =	wrdreg $0xC0  }
0xab: {  	_ =	task [dreg:s7], $0x5FFFF  }
0xac: {  	[dreg:$0x1] =	wrdreg $0xFFFFFFFF  }
0xad: {  	[dreg:$0x0] =	wrdreg $0x60  }
0xae: {  	[dreg:$0x2] =	wrdreg s24  }
0xaf: {  	[dreg:$0x3] =	wrdreg s2  }
0xb0: {  	[dreg:$0x4] =	wrdreg $0xA8000  }
0xb1: {  	[dreg:$0x5] =	wrdreg $0x9  }
0xb2: {  	_ =	task.clear_ibuf [dreg:s7], $0x6FFFF;
	_ =	strace $0x9000004C  }
0xb3: {  	s29 =	simm.s32 $0x9;
	_ =	strace $0x8000004E  }
0xb4: {  	_ =	swait.ge [sflag:s29], $0x1  }
0xb5: {  	[sflag:s29] =	ssyncadd.s32 $0xFFFFFFFF  }
0xb6: {  	_ =	strace $0x9000004E  }
0xb7: {  	_ =	sfence  }
0xb8: {  	s30 =	sld [smem:$0x0];
	_ =	sdelay $0x2  }
0xb9: {  	s31 =	sshll.u32 s1, $0xD;
	s1 =	sshrl.u32 s1, $0x2  }
0xba: {  	s3 =	sand.u32 $0x4000, s31;
	s1 =	sadd.s32 s1, s30  }
0xbb: {  	s0 =	sor.u32 s3, s0;
	s1 =	sshll.u32 s1, $0x11  }
0xbc: {  	s0 =	sor.u32 s1, s0  }
0xbd: {  	s0 =	sadd.s32 $0x8F2B, s0  }
0xbe: {  	[sflag:s0] =	ssyncadd.remote.s32 $0x1  }
0xbf: {  	_ =	sfence.sel $0xFFFF  }
0xc0: {  	[dreg:$0x0] =	wrdreg $0xFFFFFFFF;
	(pc) =	sbr.abs _section_cstart, $3  }
0xc1: {  	[dreg:$0x1] =	wrdreg $0xFFFFFFFF  }
0xc2: {  	_ =	task.clear_ibuf [dreg:s7], $0x2FFFF;
	_ =	strace $0x9FFFFFFF  }
0xc3: {  	(tm) =	ssettm $0x7FFFFFFF  }
tec
execute0_lowered:
.L_overlay_start_1:
0x0: {  	(tag) =	ssettag $0x1  }
0x1: {  	s0 =	rddreg [dreg:$0x0]  }
0x2: {  	s2 =	rddreg [dreg:$0x1]  }
0x3: {  	s1 =	rddreg [dreg:$0x2];
	s3 =	simm.s32 $0x0  }
0x4: {  	s21 =	stileid.u32;
	s7 =	srdreg.scid;
	s28 =	simm.s32 $0x2  }
0x5: {  	s29 =	simm.s32 $0x1380;
	s30 =	simm.s32 $0x2700;
	s31 =	simm.s32 $0x2780  }
0x6: {  	[smem:$0x7FF] =	sst s3;
	s4 =	sadd.s32 $0x30A00, s0;
	s6 =	sadd.s32 $0x7FA00, s0  }
0x7: {  	s5 =	smul.u32 $0x2780, s21;
	s14 =	sadd.s32 $0x84A00, s0;
	s15 =	sadd.s32 $0x3A00, s0  }
0x8: {  	s20 =	sand.u32 $0x1, s7;
	s10 =	smul.u32 $0x4F000, s21;
	s18 =	sadd.s32 $0x89A00, s0  }
0x9: {  	s12 =	smul.u32 $0x2800, s21;
	s26 =	sshll.u32 s21, $0x6;
	s21 =	simm.s32 $0x3  }
0xa: {  	_ =	strace $0x8000004D;
	s8 =	ssub.s32 $0x2, s20;
	[dreg:$0x4] =	wrdreg s18  }
0xb: {  	p0 =	seq.s32 s20, $0x0;
	s20 =	sor.u32 $0x1C03, s26;
	s26 =	simm.s32 $0x1  }
0xc: {  	s9 =	sadd.s32 s5, s0;
	s11 =	sshrl.u32 s8, $0x1;
	s0 =	sadd.s32 $0xB1200, s0  }
0xd: {  	s22 =	sshrl.u32 s10, $0x2;
	s17 =	sshrl.u32 s12, $0x3;
	s24 =	sadd.s32 s4, s5  }
0xe: {  	[dreg:$0x5] =	wrdreg s0;
	s19 =	ssub.s32 s8, s11;
	s8 =	sadd.s32 s22, s1  }
0xf: {  	s23 =	sadd.s32 $0x9200, s9;
	[dreg:$0x7] =	wrdreg s24;
	s25 =	sadd.s32 $0x280, s17  }
.Ltmp0:
0x10: {  	s12 =	sadd.s32 s14, s17;
	s13 =	sadd.s32 s15, s17;
	(pc) =	sbr.rel .LBB2_1-.Ltmp0, $4  }
0x11: {  	s16 =	sadd.s32 s6, s17;
	s17 =	sadd.s32 s2, s17;
	s22 =	simm.s32 $0x1400  }
0x12: {  	s24 =	simm.s32 $0x2800;
	[dreg:$0x6] =	wrdreg s23;
	s11 =	smax.u32 s19, $0x1  }
0x13: {  	s14 =	sadd.s32 s14, s25;
	s15 =	sadd.s32 s15, s25;
	s18 =	sadd.s32 s6, s25  }
0x14: {  	s19 =	sadd.s32 s2, s25;
	s23 =	simm.s32 $0x80;
	s25 =	simm.s32 $0x6800  }
.LBB2_11:
0x15: {  	s6 =	sadd.s32 $0x80, s2;
	[sflag:s21] =	ssyncadd.s32 $0xFFFFC000  }
0x16: {  	[tilespmem:s25], [sflag:$0x2] =	stream.indirect.gather [hbm4b:s4+s23], $0x80, s6, s23, $0xb8;
	[tilespmem:$0x1E400] =	vst v63  }
0x17: {  	_ =	swait.ge [sflag:s26], $0x4000  }
0x18: {  	[sflag:s26] =	ssyncset.done $0x0  }
0x19: {  	s7 =	sadd.s32 $0x1400, s2;
	[sflag:s26] =	ssyncadd.s32 $0xFFFFC000  }
0x1a: {  	[spmem:s1] =	stream.indirect.scatter.add.f32 [tilespmem:s24], [sflag:$0x3], $0x80, s7, s23, $0xb8;
	[tilespmem:$0x1E400] =	vst v63  }
0x1b: {  	_ =	swait.ge [sflag:s21], $0x4000  }
0x1c: {  	[sflag:s21] =	ssyncset.done $0x0  }
0x1d: {  	s9 =	sadd.s32 $0x100, s2;
	[sflag:s21] =	ssyncadd.s32 $0xFFFFC000  }
0x1e: {  	[tilespmem:s24], [sflag:$0x1] =	stream.indirect.gather [hbm4b:s4+s23], $0x80, s9, s23, $0xb8;
	[tilespmem:$0x1E400] =	vst v63  }
0x1f: {  	_ =	swait.ge [sflag:s28], $0x4000  }
0x20: {  	[sflag:s28] =	ssyncset.done $0x0  }
0x21: {  	s10 =	sadd.s32 $0x1480, s2;
	[sflag:s28] =	ssyncadd.s32 $0xFFFFC000  }
0x22: {  	[spmem:s1] =	stream.indirect.scatter.add.f32 [tilespmem:s25], [sflag:$0x3], $0x80, s10, s23, $0xb8;
	[tilespmem:$0x1E400] =	vst v63  }
0x23: {  	_ =	swait.ge [sflag:s21], $0x4000  }
0x24: {  	[sflag:s21] =	ssyncset.done $0x0  }
0x25: {  	[sflag:s21] =	ssyncadd.s32 $0xFFFFC000  }
0x26: {  	[tilespmem:s25], [sflag:$0x2] =	stream.indirect.gather [hbm4b:s4+s23], $0x80, s29, s23, $0xb8;
	[tilespmem:$0x1E400] =	vst v63  }
0x27: {  	_ =	swait.ge [sflag:s26], $0x4000  }
0x28: {  	[sflag:s26] =	ssyncset.done $0x0  }
0x29: {  	[sflag:s26] =	ssyncadd.s32 $0xFFFFC000  }
0x2a: {  	[spmem:s1] =	stream.indirect.scatter.add.f32 [tilespmem:s24], [sflag:$0x3], $0x80, s30, s23, $0xb8;
	[tilespmem:$0x1E400] =	vst v63  }
0x2b: {  	_ =	swait.ge [sflag:s21], $0x4000  }
0x2c: {  	[sflag:s21] =	ssyncset.done $0x0  }
0x2d: {  	[sflag:s21] =	ssyncadd.s32 $0xFFFFC000  }
0x2e: {  	_ =	swait.ge [sflag:s28], $0x4000  }
0x2f: {  	[sflag:s28] =	ssyncset.done $0x0  }
0x30: {  	[sflag:s28] =	ssyncadd.s32 $0xFFFFC000  }
0x31: {  	[spmem:s1] =	stream.indirect.scatter.add.f32 [tilespmem:s25], [sflag:$0x3], $0x80, s31, s23, $0xb8;
	[tilespmem:$0x1E400] =	vst v63  }
0x32: {  	_ =	swait.ge [sflag:s21], $0x4000  }
0x33: {  	[sflag:s21] =	ssyncset.done $0x0  }
0x34: {  	[sflag:s21] =	ssyncadd.s32 $0xFFFFC000  }
0x35: {  	[bflag:$0x0] =	sbarrier.arrive $0xFFFF  }
0x36: {  	s2 =	rddreg [dreg:$0x4]  }
.LBB2_12:
0x37: {  	s3 =	sadd.s32 $0x1, s3  }
0x38: {  	p1 =	sne.s32 s3, s11  }
.Ltmp1:
0x39: {  	s2 =	sadd.s32 s2, s5;
	(pc) =	sbr.rel @!p1 .LBB2_13-.Ltmp1, $4  }
0x3a: {  	[hbm:s2], [sflag:s20] =	dma.local [spmem:s0], $0x2780  }
0x3b: {  	_ =	swait.ge [sflag:s21], $0x2780  }
0x3c: {  	[sflag:s21] =	ssyncset.done $0x0  }
0x3d: {  	[sflag:s21] =	ssyncadd.s32 $0xFFFFD880  }
.LBB2_1:
.Ltmp2:
0x3e: {  	(pc) =	sbr.rel @!p0 .LBB2_2-.Ltmp2, $2  }
0x3f: {  	_ =	sdelay $0x2  }
0x40: {  	s0 =	sshrl.u32 s8, $0x3  }
0x41: {  	s2 =	rddreg [dreg:$0x7]  }
0x42: {  	[spmem:s0], [sflag:s20] =	dma.local [hbm:s2], $0x2780  }
0x43: {  	_ =	swait.ge [sflag:s21], $0x2780  }
0x44: {  	[sflag:s21] =	ssyncset.done $0x0  }
0x45: {  	[sflag:s21] =	ssyncadd.s32 $0xFFFFD880  }
0x46: {  	s10 =	simm.s32 $0x0;
	[bflag:$0x0] =	sbarrier.arrive $0xFFFF  }
0x47: {  	[tilespmem:s10], [sflag:$0x3] =	stream.linear.gather [hbm4b:s16+s10], $0x1400, $0x38;
	[tilespmem:$0x1E400] =	vst v63  }
0x48: {  	_ =	swait.ge [sflag:s21], $0x1400  }
0x49: {  	[sflag:s21] =	ssyncset.done $0x0  }
0x4a: {  	[sflag:s21] =	ssyncadd.s32 $0xFFFFEC00  }
0x4b: {  	[tilespmem:s22], [sflag:$0x3] =	stream.linear.gather [hbm4b:s17+s10], $0x1400, $0x38;
	[tilespmem:$0x1E400] =	vst v63  }
0x4c: {  	_ =	swait.ge [sflag:s21], $0x1400  }
0x4d: {  	[sflag:s21] =	ssyncset.done $0x0  }
0x4e: {  	[sflag:s21] =	ssyncadd.s32 $0xFFFFEC00  }
0x4f: {  	[tilespmem:s24], [sflag:$0x1] =	stream.indirect.gather [hbm4b:s4+s23], $0x80, s10, s23, $0xb8;
	[tilespmem:$0x1E400] =	vst v63  }
0x50: {  	s6 =	simm.s32 $0x80  }
0x51: {  	[tilespmem:s25], [sflag:$0x2] =	stream.indirect.gather [hbm4b:s4+s23], $0x80, s6, s23, $0xb8;
	[tilespmem:$0x1E400] =	vst v63  }
0x52: {  	_ =	swait.ge [sflag:s26], $0x4000  }
0x53: {  	[sflag:s26] =	ssyncset.done $0x0  }
0x54: {  	s7 =	simm.s32 $0x1400;
	[sflag:s26] =	ssyncadd.s32 $0xFFFFC000  }
0x55: {  	[spmem:s1] =	stream.indirect.scatter.add.f32 [tilespmem:s24], [sflag:$0x3], $0x80, s7, s23, $0xb8;
	[tilespmem:$0x1E400] =	vst v63  }
0x56: {  	_ =	swait.ge [sflag:s21], $0x4000  }
0x57: {  	[sflag:s21] =	ssyncset.done $0x0  }
0x58: {  	s9 =	simm.s32 $0x100;
	[sflag:s21] =	ssyncadd.s32 $0xFFFFC000  }
0x59: {  	[tilespmem:s24], [sflag:$0x1] =	stream.indirect.gather [hbm4b:s4+s23], $0x80, s9, s23, $0xb8;
	[tilespmem:$0x1E400] =	vst v63  }
0x5a: {  	_ =	swait.ge [sflag:s28], $0x4000  }
0x5b: {  	[sflag:s28] =	ssyncset.done $0x0  }
0x5c: {  	s10 =	simm.s32 $0x1480;
	[sflag:s28] =	ssyncadd.s32 $0xFFFFC000  }
0x5d: {  	[spmem:s1] =	stream.indirect.scatter.add.f32 [tilespmem:s25], [sflag:$0x3], $0x80, s10, s23, $0xb8;
	[tilespmem:$0x1E400] =	vst v63  }
0x5e: {  	_ =	swait.ge [sflag:s21], $0x4000  }
0x5f: {  	s2 =	simm.s32 $0x100;
	s6 =	simm.s32 $0x800;
	[sflag:s21] =	ssyncset.done $0x0  }
.LBB2_8:
0x60: {  	s9 =	sadd.s32 $0x80, s2  }
0x61: {  	[sflag:s21] =	ssyncadd.s32 $0xFFFFC000;
	s7 =	smov.u32 s6;
	s10 =	sadd.s32 $0x400, s6  }
0x62: {  	[tilespmem:s25], [sflag:$0x2] =	stream.indirect.gather [hbm4b:s4+s23], $0x80, s9, s23, $0xb8;
	[tilespmem:$0x1E400] =	vst v63  }
0x63: {  	p1 =	sne.s32 s6, $0x4800;
	_ =	swait.ge [sflag:s26], $0x4000  }
0x64: {  	[sflag:s26] =	ssyncset.done $0x0  }
0x65: {  	s6 =	sadd.s32 $0x1400, s2;
	[sflag:s26] =	ssyncadd.s32 $0xFFFFC000  }
0x66: {  	[spmem:s1] =	stream.indirect.scatter.add.f32 [tilespmem:s24], [sflag:$0x3], $0x80, s6, s23, $0xb8;
	[tilespmem:$0x1E400] =	vst v63  }
0x67: {  	_ =	swait.ge [sflag:s21], $0x4000  }
0x68: {  	[sflag:s21] =	ssyncset.done $0x0  }
0x69: {  	s6 =	sadd.s32 $0x100, s2;
	[sflag:s21] =	ssyncadd.s32 $0xFFFFC000  }
0x6a: {  	[tilespmem:s24], [sflag:$0x1] =	stream.indirect.gather [hbm4b:s4+s23], $0x80, s6, s23, $0xb8;
	[tilespmem:$0x1E400] =	vst v63  }
0x6b: {  	_ =	swait.ge [sflag:s28], $0x4000  }
.Ltmp3:
0x6c: {  	[sflag:s28] =	ssyncset.done $0x0;
	(pc) =	sbr.rel @p1 .LBB2_8-.Ltmp3, $4  }
0x6d: {  	s2 =	sadd.s32 $0x1480, s2;
	[sflag:s28] =	ssyncadd.s32 $0xFFFFC000  }
0x6e: {  	[spmem:s1] =	stream.indirect.scatter.add.f32 [tilespmem:s25], [sflag:$0x3], $0x80, s2, s23, $0xb8;
	[tilespmem:$0x1E400] =	vst v63  }
0x6f: {  	_ =	swait.ge [sflag:s21], $0x4000  }
0x70: {  	s6 =	smov.u32 s10;
	s2 =	sshra.s32 s7, $0x2;
	[sflag:s21] =	ssyncset.done $0x0  }
0x71: {  	s6 =	sadd.s32 $0x80, s2;
	[sflag:s21] =	ssyncadd.s32 $0xFFFFC000  }
0x72: {  	[tilespmem:s25], [sflag:$0x2] =	stream.indirect.gather [hbm4b:s4+s23], $0x80, s6, s23, $0xb8;
	[tilespmem:$0x1E400] =	vst v63  }
0x73: {  	_ =	swait.ge [sflag:s26], $0x4000  }
0x74: {  	[sflag:s26] =	ssyncset.done $0x0  }
0x75: {  	s10 =	sadd.s32 $0x1400, s2;
	[sflag:s26] =	ssyncadd.s32 $0xFFFFC000  }
0x76: {  	[spmem:s1] =	stream.indirect.scatter.add.f32 [tilespmem:s24], [sflag:$0x3], $0x80, s10, s23, $0xb8;
	[tilespmem:$0x1E400] =	vst v63  }
0x77: {  	_ =	swait.ge [sflag:s21], $0x4000  }
0x78: {  	[sflag:s21] =	ssyncset.done $0x0  }
0x79: {  	s7 =	sadd.s32 $0x100, s2;
	[sflag:s21] =	ssyncadd.s32 $0xFFFFC000  }
0x7a: {  	[tilespmem:s24], [sflag:$0x1] =	stream.indirect.gather [hbm4b:s4+s23], $0x80, s7, s23, $0xb8;
	[tilespmem:$0x1E400] =	vst v63  }
0x7b: {  	_ =	swait.ge [sflag:s28], $0x4000  }
0x7c: {  	[sflag:s28] =	ssyncset.done $0x0  }
0x7d: {  	s9 =	sadd.s32 $0x1480, s2;
	[sflag:s28] =	ssyncadd.s32 $0xFFFFC000  }
0x7e: {  	[spmem:s1] =	stream.indirect.scatter.add.f32 [tilespmem:s25], [sflag:$0x3], $0x80, s9, s23, $0xb8;
	[tilespmem:$0x1E400] =	vst v63  }
0x7f: {  	_ =	swait.ge [sflag:s21], $0x4000  }
0x80: {  	[sflag:s21] =	ssyncset.done $0x0  }
0x81: {  	[sflag:s21] =	ssyncadd.s32 $0xFFFFC000  }
0x82: {  	[tilespmem:s25], [sflag:$0x2] =	stream.indirect.gather [hbm4b:s4+s23], $0x80, s29, s23, $0xb8;
	[tilespmem:$0x1E400] =	vst v63  }
0x83: {  	_ =	swait.ge [sflag:s26], $0x4000  }
0x84: {  	[sflag:s26] =	ssyncset.done $0x0  }
0x85: {  	[sflag:s26] =	ssyncadd.s32 $0xFFFFC000  }
0x86: {  	[spmem:s1] =	stream.indirect.scatter.add.f32 [tilespmem:s24], [sflag:$0x3], $0x80, s30, s23, $0xb8;
	[tilespmem:$0x1E400] =	vst v63  }
0x87: {  	_ =	swait.ge [sflag:s21], $0x4000  }
0x88: {  	[sflag:s21] =	ssyncset.done $0x0  }
0x89: {  	[sflag:s21] =	ssyncadd.s32 $0xFFFFC000  }
0x8a: {  	_ =	swait.ge [sflag:s28], $0x4000  }
0x8b: {  	[sflag:s28] =	ssyncset.done $0x0  }
0x8c: {  	[sflag:s28] =	ssyncadd.s32 $0xFFFFC000  }
0x8d: {  	[spmem:s1] =	stream.indirect.scatter.add.f32 [tilespmem:s25], [sflag:$0x3], $0x80, s31, s23, $0xb8;
	[tilespmem:$0x1E400] =	vst v63  }
0x8e: {  	_ =	swait.ge [sflag:s21], $0x4000  }
0x8f: {  	[sflag:s21] =	ssyncset.done $0x0  }
0x90: {  	s10 =	simm.s32 $0x0;
	[sflag:s21] =	ssyncadd.s32 $0xFFFFC000  }
0x91: {  	[tilespmem:s10], [sflag:$0x3] =	stream.linear.gather [hbm4b:s18+s10], $0x1400, $0x38;
	[tilespmem:$0x1E400] =	vst v63  }
0x92: {  	_ =	swait.ge [sflag:s21], $0x1400  }
0x93: {  	[sflag:s21] =	ssyncset.done $0x0  }
0x94: {  	[sflag:s21] =	ssyncadd.s32 $0xFFFFEC00  }
0x95: {  	[tilespmem:s22], [sflag:$0x3] =	stream.linear.gather [hbm4b:s19+s10], $0x1400, $0x38;
	[tilespmem:$0x1E400] =	vst v63  }
0x96: {  	_ =	swait.ge [sflag:s21], $0x1400  }
0x97: {  	[sflag:s21] =	ssyncset.done $0x0  }
0x98: {  	[sflag:s21] =	ssyncadd.s32 $0xFFFFEC00  }
0x99: {  	[tilespmem:s24], [sflag:$0x1] =	stream.indirect.gather [hbm4b:s4+s23], $0x80, s10, s23, $0xb8;
	[tilespmem:$0x1E400] =	vst v63  }
0x9a: {  	s6 =	simm.s32 $0x80  }
0x9b: {  	[tilespmem:s25], [sflag:$0x2] =	stream.indirect.gather [hbm4b:s4+s23], $0x80, s6, s23, $0xb8;
	[tilespmem:$0x1E400] =	vst v63  }
0x9c: {  	_ =	swait.ge [sflag:s26], $0x4000  }
0x9d: {  	[sflag:s26] =	ssyncset.done $0x0  }
0x9e: {  	s7 =	simm.s32 $0x1400;
	[sflag:s26] =	ssyncadd.s32 $0xFFFFC000  }
0x9f: {  	[spmem:s1] =	stream.indirect.scatter.add.f32 [tilespmem:s24], [sflag:$0x3], $0x80, s7, s23, $0xb8;
	[tilespmem:$0x1E400] =	vst v63  }
0xa0: {  	_ =	swait.ge [sflag:s21], $0x4000  }
0xa1: {  	[sflag:s21] =	ssyncset.done $0x0  }
0xa2: {  	s9 =	simm.s32 $0x100;
	[sflag:s21] =	ssyncadd.s32 $0xFFFFC000  }
0xa3: {  	[tilespmem:s24], [sflag:$0x1] =	stream.indirect.gather [hbm4b:s4+s23], $0x80, s9, s23, $0xb8;
	[tilespmem:$0x1E400] =	vst v63  }
0xa4: {  	_ =	swait.ge [sflag:s28], $0x4000  }
0xa5: {  	[sflag:s28] =	ssyncset.done $0x0  }
0xa6: {  	s10 =	simm.s32 $0x1480;
	[sflag:s28] =	ssyncadd.s32 $0xFFFFC000  }
0xa7: {  	[spmem:s1] =	stream.indirect.scatter.add.f32 [tilespmem:s25], [sflag:$0x3], $0x80, s10, s23, $0xb8;
	[tilespmem:$0x1E400] =	vst v63  }
0xa8: {  	_ =	swait.ge [sflag:s21], $0x4000  }
0xa9: {  	s2 =	simm.s32 $0x100;
	s6 =	simm.s32 $0x800;
	[sflag:s21] =	ssyncset.done $0x0  }
.LBB2_10:
0xaa: {  	s7 =	sadd.s32 $0x80, s2  }
0xab: {  	[sflag:s21] =	ssyncadd.s32 $0xFFFFC000;
	s9 =	smov.u32 s6;
	s10 =	sadd.s32 $0x400, s6  }
0xac: {  	[tilespmem:s25], [sflag:$0x2] =	stream.indirect.gather [hbm4b:s4+s23], $0x80, s7, s23, $0xb8;
	[tilespmem:$0x1E400] =	vst v63  }
0xad: {  	p1 =	sne.s32 s6, $0x4800;
	_ =	swait.ge [sflag:s26], $0x4000  }
0xae: {  	[sflag:s26] =	ssyncset.done $0x0  }
0xaf: {  	s6 =	sadd.s32 $0x1400, s2;
	[sflag:s26] =	ssyncadd.s32 $0xFFFFC000  }
0xb0: {  	[spmem:s1] =	stream.indirect.scatter.add.f32 [tilespmem:s24], [sflag:$0x3], $0x80, s6, s23, $0xb8;
	[tilespmem:$0x1E400] =	vst v63  }
0xb1: {  	_ =	swait.ge [sflag:s21], $0x4000  }
0xb2: {  	[sflag:s21] =	ssyncset.done $0x0  }
0xb3: {  	s6 =	sadd.s32 $0x100, s2;
	[sflag:s21] =	ssyncadd.s32 $0xFFFFC000  }
0xb4: {  	[tilespmem:s24], [sflag:$0x1] =	stream.indirect.gather [hbm4b:s4+s23], $0x80, s6, s23, $0xb8;
	[tilespmem:$0x1E400] =	vst v63  }
0xb5: {  	_ =	swait.ge [sflag:s28], $0x4000  }
.Ltmp4:
0xb6: {  	[sflag:s28] =	ssyncset.done $0x0;
	(pc) =	sbr.rel @p1 .LBB2_10-.Ltmp4, $4  }
0xb7: {  	s2 =	sadd.s32 $0x1480, s2;
	[sflag:s28] =	ssyncadd.s32 $0xFFFFC000  }
0xb8: {  	[spmem:s1] =	stream.indirect.scatter.add.f32 [tilespmem:s25], [sflag:$0x3], $0x80, s2, s23, $0xb8;
	[tilespmem:$0x1E400] =	vst v63  }
0xb9: {  	_ =	swait.ge [sflag:s21], $0x4000  }
0xba: {  	s6 =	smov.u32 s10;
	s2 =	sshra.s32 s9, $0x2;
	[sflag:s21] =	ssyncset.done $0x0  }
.Ltmp5:
0xbb: {  	_ = 	snop;
	(pc) =	sbr.rel .LBB2_11-.Ltmp5, $1  }
0xbc: {  	_ =	sdelay $0x3  }
.LBB2_2:
0xbd: {  	s2 =	rddreg [dreg:$0x6]  }
0xbe: {  	[spmem:s0], [sflag:s20] =	dma.local [hbm:s2], $0x2780  }
0xbf: {  	_ =	swait.ge [sflag:s21], $0x2780  }
0xc0: {  	[sflag:s21] =	ssyncset.done $0x0  }
0xc1: {  	[sflag:s21] =	ssyncadd.s32 $0xFFFFD880  }
0xc2: {  	s10 =	simm.s32 $0x0;
	[bflag:$0x0] =	sbarrier.arrive $0xFFFF  }
0xc3: {  	[tilespmem:s10], [sflag:$0x3] =	stream.linear.gather [hbm4b:s12+s10], $0x1400, $0x38;
	[tilespmem:$0x1E400] =	vst v63  }
0xc4: {  	_ =	swait.ge [sflag:s21], $0x1400  }
0xc5: {  	[sflag:s21] =	ssyncset.done $0x0  }
0xc6: {  	[sflag:s21] =	ssyncadd.s32 $0xFFFFEC00  }
0xc7: {  	[tilespmem:s22], [sflag:$0x3] =	stream.linear.gather [hbm4b:s13+s10], $0x1400, $0x38;
	[tilespmem:$0x1E400] =	vst v63  }
0xc8: {  	_ =	swait.ge [sflag:s21], $0x1400  }
0xc9: {  	[sflag:s21] =	ssyncset.done $0x0  }
0xca: {  	[sflag:s21] =	ssyncadd.s32 $0xFFFFEC00  }
0xcb: {  	[tilespmem:s24], [sflag:$0x1] =	stream.indirect.gather [hbm4b:s4+s23], $0x80, s10, s23, $0xb8;
	[tilespmem:$0x1E400] =	vst v63  }
0xcc: {  	s6 =	simm.s32 $0x80  }
0xcd: {  	[tilespmem:s25], [sflag:$0x2] =	stream.indirect.gather [hbm4b:s4+s23], $0x80, s6, s23, $0xb8;
	[tilespmem:$0x1E400] =	vst v63  }
0xce: {  	_ =	swait.ge [sflag:s26], $0x4000  }
0xcf: {  	[sflag:s26] =	ssyncset.done $0x0  }
0xd0: {  	s7 =	simm.s32 $0x1400;
	[sflag:s26] =	ssyncadd.s32 $0xFFFFC000  }
0xd1: {  	[spmem:s1] =	stream.indirect.scatter.add.f32 [tilespmem:s24], [sflag:$0x3], $0x80, s7, s23, $0xb8;
	[tilespmem:$0x1E400] =	vst v63  }
0xd2: {  	_ =	swait.ge [sflag:s21], $0x4000  }
0xd3: {  	[sflag:s21] =	ssyncset.done $0x0  }
0xd4: {  	s9 =	simm.s32 $0x100;
	[sflag:s21] =	ssyncadd.s32 $0xFFFFC000  }
0xd5: {  	[tilespmem:s24], [sflag:$0x1] =	stream.indirect.gather [hbm4b:s4+s23], $0x80, s9, s23, $0xb8;
	[tilespmem:$0x1E400] =	vst v63  }
0xd6: {  	_ =	swait.ge [sflag:s28], $0x4000  }
0xd7: {  	[sflag:s28] =	ssyncset.done $0x0  }
0xd8: {  	s10 =	simm.s32 $0x1480;
	[sflag:s28] =	ssyncadd.s32 $0xFFFFC000  }
0xd9: {  	[spmem:s1] =	stream.indirect.scatter.add.f32 [tilespmem:s25], [sflag:$0x3], $0x80, s10, s23, $0xb8;
	[tilespmem:$0x1E400] =	vst v63  }
0xda: {  	_ =	swait.ge [sflag:s21], $0x4000  }
0xdb: {  	s2 =	simm.s32 $0x100;
	s6 =	simm.s32 $0x800;
	[sflag:s21] =	ssyncset.done $0x0  }
.LBB2_3:
0xdc: {  	s7 =	sadd.s32 $0x80, s2  }
0xdd: {  	[sflag:s21] =	ssyncadd.s32 $0xFFFFC000;
	s9 =	smov.u32 s6;
	s10 =	sadd.s32 $0x400, s6  }
0xde: {  	[tilespmem:s25], [sflag:$0x2] =	stream.indirect.gather [hbm4b:s4+s23], $0x80, s7, s23, $0xb8;
	[tilespmem:$0x1E400] =	vst v63  }
0xdf: {  	p1 =	sne.s32 s6, $0x4800;
	_ =	swait.ge [sflag:s26], $0x4000  }
0xe0: {  	[sflag:s26] =	ssyncset.done $0x0  }
0xe1: {  	s6 =	sadd.s32 $0x1400, s2;
	[sflag:s26] =	ssyncadd.s32 $0xFFFFC000  }
0xe2: {  	[spmem:s1] =	stream.indirect.scatter.add.f32 [tilespmem:s24], [sflag:$0x3], $0x80, s6, s23, $0xb8;
	[tilespmem:$0x1E400] =	vst v63  }
0xe3: {  	_ =	swait.ge [sflag:s21], $0x4000  }
0xe4: {  	[sflag:s21] =	ssyncset.done $0x0  }
0xe5: {  	s6 =	sadd.s32 $0x100, s2;
	[sflag:s21] =	ssyncadd.s32 $0xFFFFC000  }
0xe6: {  	[tilespmem:s24], [sflag:$0x1] =	stream.indirect.gather [hbm4b:s4+s23], $0x80, s6, s23, $0xb8;
	[tilespmem:$0x1E400] =	vst v63  }
0xe7: {  	_ =	swait.ge [sflag:s28], $0x4000  }
.Ltmp6:
0xe8: {  	[sflag:s28] =	ssyncset.done $0x0;
	(pc) =	sbr.rel @p1 .LBB2_3-.Ltmp6, $4  }
0xe9: {  	s2 =	sadd.s32 $0x1480, s2;
	[sflag:s28] =	ssyncadd.s32 $0xFFFFC000  }
0xea: {  	[spmem:s1] =	stream.indirect.scatter.add.f32 [tilespmem:s25], [sflag:$0x3], $0x80, s2, s23, $0xb8;
	[tilespmem:$0x1E400] =	vst v63  }
0xeb: {  	_ =	swait.ge [sflag:s21], $0x4000  }
0xec: {  	s6 =	smov.u32 s10;
	s2 =	sshra.s32 s9, $0x2;
	[sflag:s21] =	ssyncset.done $0x0  }
0xed: {  	s6 =	sadd.s32 $0x80, s2;
	[sflag:s21] =	ssyncadd.s32 $0xFFFFC000  }
0xee: {  	[tilespmem:s25], [sflag:$0x2] =	stream.indirect.gather [hbm4b:s4+s23], $0x80, s6, s23, $0xb8;
	[tilespmem:$0x1E400] =	vst v63  }
0xef: {  	_ =	swait.ge [sflag:s26], $0x4000  }
0xf0: {  	[sflag:s26] =	ssyncset.done $0x0  }
0xf1: {  	s10 =	sadd.s32 $0x1400, s2;
	[sflag:s26] =	ssyncadd.s32 $0xFFFFC000  }
0xf2: {  	[spmem:s1] =	stream.indirect.scatter.add.f32 [tilespmem:s24], [sflag:$0x3], $0x80, s10, s23, $0xb8;
	[tilespmem:$0x1E400] =	vst v63  }
0xf3: {  	_ =	swait.ge [sflag:s21], $0x4000  }
0xf4: {  	[sflag:s21] =	ssyncset.done $0x0  }
0xf5: {  	s7 =	sadd.s32 $0x100, s2;
	[sflag:s21] =	ssyncadd.s32 $0xFFFFC000  }
0xf6: {  	[tilespmem:s24], [sflag:$0x1] =	stream.indirect.gather [hbm4b:s4+s23], $0x80, s7, s23, $0xb8;
	[tilespmem:$0x1E400] =	vst v63  }
0xf7: {  	_ =	swait.ge [sflag:s28], $0x4000  }
0xf8: {  	[sflag:s28] =	ssyncset.done $0x0  }
0xf9: {  	s9 =	sadd.s32 $0x1480, s2;
	[sflag:s28] =	ssyncadd.s32 $0xFFFFC000  }
0xfa: {  	[spmem:s1] =	stream.indirect.scatter.add.f32 [tilespmem:s25], [sflag:$0x3], $0x80, s9, s23, $0xb8;
	[tilespmem:$0x1E400] =	vst v63  }
0xfb: {  	_ =	swait.ge [sflag:s21], $0x4000  }
0xfc: {  	[sflag:s21] =	ssyncset.done $0x0  }
0xfd: {  	[sflag:s21] =	ssyncadd.s32 $0xFFFFC000  }
0xfe: {  	[tilespmem:s25], [sflag:$0x2] =	stream.indirect.gather [hbm4b:s4+s23], $0x80, s29, s23, $0xb8;
	[tilespmem:$0x1E400] =	vst v63  }
0xff: {  	_ =	swait.ge [sflag:s26], $0x4000  }
0x100: {  	[sflag:s26] =	ssyncset.done $0x0  }
0x101: {  	[sflag:s26] =	ssyncadd.s32 $0xFFFFC000  }
0x102: {  	[spmem:s1] =	stream.indirect.scatter.add.f32 [tilespmem:s24], [sflag:$0x3], $0x80, s30, s23, $0xb8;
	[tilespmem:$0x1E400] =	vst v63  }
0x103: {  	_ =	swait.ge [sflag:s21], $0x4000  }
0x104: {  	[sflag:s21] =	ssyncset.done $0x0  }
0x105: {  	[sflag:s21] =	ssyncadd.s32 $0xFFFFC000  }
0x106: {  	_ =	swait.ge [sflag:s28], $0x4000  }
0x107: {  	[sflag:s28] =	ssyncset.done $0x0  }
0x108: {  	[sflag:s28] =	ssyncadd.s32 $0xFFFFC000  }
0x109: {  	[spmem:s1] =	stream.indirect.scatter.add.f32 [tilespmem:s25], [sflag:$0x3], $0x80, s31, s23, $0xb8;
	[tilespmem:$0x1E400] =	vst v63  }
0x10a: {  	_ =	swait.ge [sflag:s21], $0x4000  }
0x10b: {  	[sflag:s21] =	ssyncset.done $0x0  }
0x10c: {  	s10 =	simm.s32 $0x0;
	[sflag:s21] =	ssyncadd.s32 $0xFFFFC000  }
0x10d: {  	[tilespmem:s10], [sflag:$0x3] =	stream.linear.gather [hbm4b:s14+s10], $0x1400, $0x38;
	[tilespmem:$0x1E400] =	vst v63  }
0x10e: {  	_ =	swait.ge [sflag:s21], $0x1400  }
0x10f: {  	[sflag:s21] =	ssyncset.done $0x0  }
0x110: {  	[sflag:s21] =	ssyncadd.s32 $0xFFFFEC00  }
0x111: {  	[tilespmem:s22], [sflag:$0x3] =	stream.linear.gather [hbm4b:s15+s10], $0x1400, $0x38;
	[tilespmem:$0x1E400] =	vst v63  }
0x112: {  	_ =	swait.ge [sflag:s21], $0x1400  }
0x113: {  	[sflag:s21] =	ssyncset.done $0x0  }
0x114: {  	[sflag:s21] =	ssyncadd.s32 $0xFFFFEC00  }
0x115: {  	[tilespmem:s24], [sflag:$0x1] =	stream.indirect.gather [hbm4b:s4+s23], $0x80, s10, s23, $0xb8;
	[tilespmem:$0x1E400] =	vst v63  }
0x116: {  	s6 =	simm.s32 $0x80  }
0x117: {  	[tilespmem:s25], [sflag:$0x2] =	stream.indirect.gather [hbm4b:s4+s23], $0x80, s6, s23, $0xb8;
	[tilespmem:$0x1E400] =	vst v63  }
0x118: {  	_ =	swait.ge [sflag:s26], $0x4000  }
0x119: {  	[sflag:s26] =	ssyncset.done $0x0  }
0x11a: {  	s7 =	simm.s32 $0x1400;
	[sflag:s26] =	ssyncadd.s32 $0xFFFFC000  }
0x11b: {  	[spmem:s1] =	stream.indirect.scatter.add.f32 [tilespmem:s24], [sflag:$0x3], $0x80, s7, s23, $0xb8;
	[tilespmem:$0x1E400] =	vst v63  }
0x11c: {  	_ =	swait.ge [sflag:s21], $0x4000  }
0x11d: {  	[sflag:s21] =	ssyncset.done $0x0  }
0x11e: {  	s9 =	simm.s32 $0x100;
	[sflag:s21] =	ssyncadd.s32 $0xFFFFC000  }
0x11f: {  	[tilespmem:s24], [sflag:$0x1] =	stream.indirect.gather [hbm4b:s4+s23], $0x80, s9, s23, $0xb8;
	[tilespmem:$0x1E400] =	vst v63  }
0x120: {  	_ =	swait.ge [sflag:s28], $0x4000  }
0x121: {  	[sflag:s28] =	ssyncset.done $0x0  }
0x122: {  	s10 =	simm.s32 $0x1480;
	[sflag:s28] =	ssyncadd.s32 $0xFFFFC000  }
0x123: {  	[spmem:s1] =	stream.indirect.scatter.add.f32 [tilespmem:s25], [sflag:$0x3], $0x80, s10, s23, $0xb8;
	[tilespmem:$0x1E400] =	vst v63  }
0x124: {  	_ =	swait.ge [sflag:s21], $0x4000  }
0x125: {  	s2 =	simm.s32 $0x100;
	s6 =	simm.s32 $0x800;
	[sflag:s21] =	ssyncset.done $0x0  }
.LBB2_5:
0x126: {  	s7 =	sadd.s32 $0x80, s2  }
0x127: {  	[sflag:s21] =	ssyncadd.s32 $0xFFFFC000;
	s9 =	smov.u32 s6;
	s10 =	sadd.s32 $0x400, s6  }
0x128: {  	[tilespmem:s25], [sflag:$0x2] =	stream.indirect.gather [hbm4b:s4+s23], $0x80, s7, s23, $0xb8;
	[tilespmem:$0x1E400] =	vst v63  }
0x129: {  	p1 =	sne.s32 s6, $0x4800;
	_ =	swait.ge [sflag:s26], $0x4000  }
0x12a: {  	[sflag:s26] =	ssyncset.done $0x0  }
0x12b: {  	s6 =	sadd.s32 $0x1400, s2;
	[sflag:s26] =	ssyncadd.s32 $0xFFFFC000  }
0x12c: {  	[spmem:s1] =	stream.indirect.scatter.add.f32 [tilespmem:s24], [sflag:$0x3], $0x80, s6, s23, $0xb8;
	[tilespmem:$0x1E400] =	vst v63  }
0x12d: {  	_ =	swait.ge [sflag:s21], $0x4000  }
0x12e: {  	[sflag:s21] =	ssyncset.done $0x0  }
0x12f: {  	s6 =	sadd.s32 $0x100, s2;
	[sflag:s21] =	ssyncadd.s32 $0xFFFFC000  }
0x130: {  	[tilespmem:s24], [sflag:$0x1] =	stream.indirect.gather [hbm4b:s4+s23], $0x80, s6, s23, $0xb8;
	[tilespmem:$0x1E400] =	vst v63  }
0x131: {  	_ =	swait.ge [sflag:s28], $0x4000  }
.Ltmp7:
0x132: {  	[sflag:s28] =	ssyncset.done $0x0;
	(pc) =	sbr.rel @p1 .LBB2_5-.Ltmp7, $4  }
0x133: {  	s2 =	sadd.s32 $0x1480, s2;
	[sflag:s28] =	ssyncadd.s32 $0xFFFFC000  }
0x134: {  	[spmem:s1] =	stream.indirect.scatter.add.f32 [tilespmem:s25], [sflag:$0x3], $0x80, s2, s23, $0xb8;
	[tilespmem:$0x1E400] =	vst v63  }
0x135: {  	_ =	swait.ge [sflag:s21], $0x4000  }
0x136: {  	s6 =	smov.u32 s10;
	s2 =	sshra.s32 s9, $0x2;
	[sflag:s21] =	ssyncset.done $0x0  }
0x137: {  	s6 =	sadd.s32 $0x80, s2;
	[sflag:s21] =	ssyncadd.s32 $0xFFFFC000  }
0x138: {  	[tilespmem:s25], [sflag:$0x2] =	stream.indirect.gather [hbm4b:s4+s23], $0x80, s6, s23, $0xb8;
	[tilespmem:$0x1E400] =	vst v63  }
0x139: {  	_ =	swait.ge [sflag:s26], $0x4000  }
0x13a: {  	[sflag:s26] =	ssyncset.done $0x0  }
0x13b: {  	s7 =	sadd.s32 $0x1400, s2;
	[sflag:s26] =	ssyncadd.s32 $0xFFFFC000  }
0x13c: {  	[spmem:s1] =	stream.indirect.scatter.add.f32 [tilespmem:s24], [sflag:$0x3], $0x80, s7, s23, $0xb8;
	[tilespmem:$0x1E400] =	vst v63  }
0x13d: {  	_ =	swait.ge [sflag:s21], $0x4000  }
0x13e: {  	[sflag:s21] =	ssyncset.done $0x0  }
0x13f: {  	s9 =	sadd.s32 $0x100, s2;
	[sflag:s21] =	ssyncadd.s32 $0xFFFFC000  }
0x140: {  	[tilespmem:s24], [sflag:$0x1] =	stream.indirect.gather [hbm4b:s4+s23], $0x80, s9, s23, $0xb8;
	[tilespmem:$0x1E400] =	vst v63  }
0x141: {  	_ =	swait.ge [sflag:s28], $0x4000  }
0x142: {  	[sflag:s28] =	ssyncset.done $0x0  }
0x143: {  	s10 =	sadd.s32 $0x1480, s2;
	[sflag:s28] =	ssyncadd.s32 $0xFFFFC000  }
0x144: {  	[spmem:s1] =	stream.indirect.scatter.add.f32 [tilespmem:s25], [sflag:$0x3], $0x80, s10, s23, $0xb8;
	[tilespmem:$0x1E400] =	vst v63  }
0x145: {  	_ =	swait.ge [sflag:s21], $0x4000  }
0x146: {  	[sflag:s21] =	ssyncset.done $0x0  }
0x147: {  	[sflag:s21] =	ssyncadd.s32 $0xFFFFC000  }
0x148: {  	[tilespmem:s25], [sflag:$0x2] =	stream.indirect.gather [hbm4b:s4+s23], $0x80, s29, s23, $0xb8;
	[tilespmem:$0x1E400] =	vst v63  }
0x149: {  	_ =	swait.ge [sflag:s26], $0x4000  }
0x14a: {  	[sflag:s26] =	ssyncset.done $0x0  }
0x14b: {  	[sflag:s26] =	ssyncadd.s32 $0xFFFFC000  }
0x14c: {  	[spmem:s1] =	stream.indirect.scatter.add.f32 [tilespmem:s24], [sflag:$0x3], $0x80, s30, s23, $0xb8;
	[tilespmem:$0x1E400] =	vst v63  }
0x14d: {  	_ =	swait.ge [sflag:s21], $0x4000  }
0x14e: {  	[sflag:s21] =	ssyncset.done $0x0  }
0x14f: {  	[sflag:s21] =	ssyncadd.s32 $0xFFFFC000  }
0x150: {  	_ =	swait.ge [sflag:s28], $0x4000  }
0x151: {  	[sflag:s28] =	ssyncset.done $0x0  }
0x152: {  	[sflag:s28] =	ssyncadd.s32 $0xFFFFC000  }
0x153: {  	[spmem:s1] =	stream.indirect.scatter.add.f32 [tilespmem:s25], [sflag:$0x3], $0x80, s31, s23, $0xb8;
	[tilespmem:$0x1E400] =	vst v63  }
.Ltmp8:
0x154: {  	_ =	swait.ge [sflag:s21], $0x4000;
	(pc) =	sbr.rel .LBB2_12-.Ltmp8, $4  }
0x155: {  	[sflag:s21] =	ssyncset.done $0x0  }
0x156: {  	[sflag:s21] =	ssyncadd.s32 $0xFFFFC000  }
0x157: {  	[bflag:$0x0] =	sbarrier.arrive $0xFFFF  }
0x158: {  	s2 =	rddreg [dreg:$0x5]  }
.LBB2_13:
0x159: {  	_ =	sfence.sel $0x180000  }
0x15a: {  	[bflag:$0x0] =	sbarrier.arrive $0xFFFF  }
0x15b: {  	_ =	strace $0x9000004D  }
0x15c: {  	s0 =	stileid.u32;
	[bflag:$0x2] =	sbarrier.arrive $0xFFFF  }
0x15d: {  	p0 =	sne.s32 s0, $0x0;
	s0 =	rddreg [dreg:$0x3]  }
0x15e: {  	s0 =	sadd.s32 @!p0 $0x100000, s0  }
0x15f: {  	[sflag:s0] =	ssyncadd.tile.s32 @!p0 $0x1;
	_ =	shalt  }
.Lfunc_end2:
_tile_overlayer_lowered:
.L_overlay_start_2:
0x160: {  	(tag) =	ssettag $0x2  }
0x161: {  	s0 =	rddreg [dreg:$0x0];
	s2 =	stileid.u32  }
0x162: {  	s1 =	rddreg [dreg:$0x1];
	p0 =	sne.s32 s2, $0x0  }
0x163: {  	s3 =	rddreg [dreg:$0x2];
	[bflag:$0x3] =	sbarrier.arrive $0xFFFF;
	s2 =	simm.s32 @!p0 $0x1C03  }
0x164: {  	[timem:s3], [sflag:s2] =	dma.local @!p0 [hbm:s0], s1  }
0x165: {  	s0 =	simm.s32 @!p0 $0x3  }
0x166: {  	_ =	swait.ge @!p0 [sflag:s0], s1  }
0x167: {  	s1 =	ssub.s32 @!p0 $0x0, s1;
	[sflag:s0] =	ssyncset.done @!p0 $0x0  }
0x168: {  	[sflag:s0] =	ssyncadd.s32 @!p0 s1  }
0x169: {  	[bflag:$0x3] =	sbarrier.arrive $0xFFFF  }
0x16a: {  	_ =	shalt  }

// kernel: kernel.9.cloned.1.call-start
scs
__scs_entry_jumppad:
0x0: {  	(pc) =	sbr.rel $0x88, $3  }
0x1: {  	(tag) =	ssettag $0x0;
	lr =	simm.s32 $0x1  }
0x2: {  	[smem:$0x3F9B] =	sst lr;
	_ =	strace $0xD0000000  }
0x3: {  	_ = 	snop  }
0x4: {  	_ = 	snop  }
0x5: {  	_ = 	snop  }
0x6: {  	_ = 	snop  }
0x7: {  	_ = 	snop  }
__scs_overlays_trampoline_lowered:
0x8: {  	[smem:$0x3FAA] =	sst s0  }
0x9: {  	[smem:$0x3FAB] =	sst s1  }
0xa: {  	[smem:$0x3FAC] =	sst s2  }
0xb: {  	[smem:$0x3FAD] =	sst s3  }
0xc: {  	[smem:$0x3FAE] =	sst s4  }
0xd: {  	[smem:$0x3FAF] =	sst s5  }
0xe: {  	[smem:$0x3FB0] =	sst s6  }
0xf: {  	[smem:$0x3FB1] =	sst s7  }
0x10: {  	[smem:$0x3FB2] =	sst s8  }
0x11: {  	[smem:$0x3FB3] =	sst s9;
	s0 =	simm.s32 @!p0 $0x0  }
0x12: {  	s1 =	sld [smem:$0x3F99];
	s0 =	simm.s32 @p0 $0x1  }
0x13: {  	[smem:$0x3FB4] =	sst s0;
	s0 =	simm.s32 @!p1 $0x0  }
0x14: {  	s2 =	sld [smem:$0x3F98];
	s0 =	simm.s32 @p1 $0x1  }
0x15: {  	[smem:$0x3FB5] =	sst s0;
	s0 =	simm.s32 @!p2 $0x0  }
0x16: {  	s3 =	sld [smem:$0x3FDB];
	s0 =	simm.s32 @p2 $0x1  }
0x17: {  	s4 =	simm.s32 $0x1BF5;
	[smem:$0x3FB7] =	sst s0  }
0x18: {  	s0 =	sld [smem:$0x3F9A];
	_ =	swait.ge [sflag:s4], $0x0  }
0x19: {  	s7 =	sld [smem:$0x3F9B]  }
0x1a: {  	s8 =	sadd.s32 $0xFFFFE003, lr  }
0x1b: {  	s9 =	sadd.s32 $0xFFFFFEF7, lr;
	s5 =	simm.s32 $0xFFFFFFFF;
	p2 =	slt.u32 s8, $0xFFFFF086  }
0x1c: {  	p1 =	slt.u32 s9, $0xF7A;
	s5 =	simm.s32 @!p2 $0x0  }
0x1d: {  	s5 =	simm.s32 @p1 $0x1;
	p0 =	seq.s32 s7, s2  }
0x1e: {  	s7 =	smul.u32 @!p0 $0xF7A, s2;
	p2 =	seq.s32 @!p0 s5, $0x0  }
0x1f: {  	s9 =	smul.u32 $0xF7A, s1;
	s8 =	simm.s32 @!p0 $0x1BF5;
	p2 =	por !p2, p0  }
0x20: {  	[sflag:s8] =	ssyncset.s32 @!p0 $0xFFFFF086;
	s6 =	sadd.s32 @!p0 s3, s7;
	s7 =	simm.s32 @!p0 $0x108  }
0x21: {  	s3 =	sadd.s32 s3, s9;
	s6 =	sadd.s32 @!p0 $0x88, s6;
	s7 =	simm.s32 @p2 $0x1082  }
0x22: {  	[simem:s7], [sflag:s8] =	dma.local @!p0 [hbm:s6], $0xF7A  }
0x23: {  	s9 =	sor.u32 $0xD0000000, s2;
	s6 =	simm.s32 $0x108;
	_ =	swait.ge @!p0 [sflag:s8], $0x0  }
0x24: {  	s3 =	sadd.s32 $0x88, s3;
	s6 =	simm.s32 @!p1 $0x1082;
	[sflag:s4] =	ssyncset.s32 $0xFFFFF086  }
0x25: {  	[simem:s6], [sflag:s4] =	dma.local [hbm:s3], $0xF7A  }
0x26: {  	[smem:$0x3F9B] =	sst s1;
	(tag) =	ssettag s2;
	_ =	strace s9  }
0x27: {  	s1 =	sld [smem:$0x3FAB]  }
0x28: {  	s2 =	sld [smem:$0x3FAC]  }
0x29: {  	s4 =	sld [smem:$0x3FAE]  }
0x2a: {  	p0 =	seq.s32 s5, $0x0;
	s5 =	sld [smem:$0x3FAF]  }
0x2b: {  	s6 =	sld [smem:$0x3FB0]  }
0x2c: {  	s7 =	sld [smem:$0x3FB1]  }
0x2d: {  	s3 =	simm.s32 $0x108;
	s8 =	sld [smem:$0x3FB2]  }
0x2e: {  	s3 =	simm.s32 @!p0 $0x1082;
	s9 =	sld [smem:$0x3FB3]  }
0x2f: {  	lr =	sadd.s32 s0, s3;
	s0 =	sld [smem:$0x3FAA]  }
0x30: {  	s3 =	sld [smem:$0x3FAD]  }
0x31: {  	[smem:$0x3FB6] =	sst s10  }
0x32: {  	s10 =	sld [smem:$0x3FB4];
	_ =	sdelay $0x3  }
0x33: {  	p0 =	seq.s32 s10, $0x1;
	s10 =	sld [smem:$0x3FB6];
	_ =	sdelay $0x3  }
0x34: {  	[smem:$0x3FB6] =	sst s10  }
0x35: {  	s10 =	sld [smem:$0x3FB5];
	_ =	sdelay $0x3  }
0x36: {  	p1 =	seq.s32 s10, $0x1;
	s10 =	sld [smem:$0x3FB6];
	_ =	sdelay $0x3  }
0x37: {  	[smem:$0x3FB6] =	sst s10  }
0x38: {  	s10 =	sld [smem:$0x3FB7]  }
0x39: {  	_ = 	snop;
	(pc) =	sbr.ind lr, $3  }
0x3a: {  	_ = 	snop  }
0x3b: {  	_ = 	snop  }
0x3c: {  	p2 =	seq.s32 s10, $0x1;
	s10 =	sld [smem:$0x3FB6]  }
0x3d: {  	_ =	shalt  }
0x3e: {  	_ =	shalt  }
0x3f: {  	_ =	shalt  }
0x40: {  	_ =	shalt  }
0x41: {  	_ =	shalt  }
0x42: {  	_ =	shalt  }
0x43: {  	_ =	shalt  }
0x44: {  	_ =	shalt  }
0x45: {  	_ =	shalt  }
0x46: {  	_ =	shalt  }
0x47: {  	_ =	shalt  }
0x48: {  	_ =	shalt  }
0x49: {  	_ =	shalt  }
0x4a: {  	_ =	shalt  }
0x4b: {  	_ =	shalt  }
0x4c: {  	_ =	shalt  }
0x4d: {  	_ =	shalt  }
0x4e: {  	_ =	shalt  }
0x4f: {  	_ =	shalt  }
0x50: {  	_ =	shalt  }
0x51: {  	_ =	shalt  }
0x52: {  	_ =	shalt  }
0x53: {  	_ =	shalt  }
0x54: {  	_ =	shalt  }
0x55: {  	_ =	shalt  }
0x56: {  	_ =	shalt  }
0x57: {  	_ =	shalt  }
0x58: {  	_ =	shalt  }
0x59: {  	_ =	shalt  }
0x5a: {  	_ =	shalt  }
0x5b: {  	_ =	shalt  }
0x5c: {  	_ =	shalt  }
0x5d: {  	_ =	shalt  }
0x5e: {  	_ =	shalt  }
0x5f: {  	_ =	shalt  }
0x60: {  	_ =	shalt  }
0x61: {  	_ =	shalt  }
0x62: {  	_ =	shalt  }
0x63: {  	_ =	shalt  }
0x64: {  	_ =	shalt  }
0x65: {  	_ =	shalt  }
0x66: {  	_ =	shalt  }
0x67: {  	_ =	shalt  }
0x68: {  	_ =	shalt  }
0x69: {  	_ =	shalt  }
0x6a: {  	_ =	shalt  }
0x6b: {  	_ =	shalt  }
0x6c: {  	_ =	shalt  }
0x6d: {  	_ =	shalt  }
0x6e: {  	_ =	shalt  }
0x6f: {  	_ =	shalt  }
0x70: {  	_ =	shalt  }
0x71: {  	_ =	shalt  }
0x72: {  	_ =	shalt  }
0x73: {  	_ =	shalt  }
0x74: {  	_ =	shalt  }
0x75: {  	_ =	shalt  }
0x76: {  	_ =	shalt  }
0x77: {  	_ =	shalt  }
0x78: {  	_ =	shalt  }
0x79: {  	_ =	shalt  }
0x7a: {  	_ =	shalt  }
0x7b: {  	_ =	shalt  }
0x7c: {  	_ =	shalt  }
0x7d: {  	_ =	shalt  }
0x7e: {  	_ =	shalt  }
0x7f: {  	_ =	shalt  }
0x80: {  	_ =	shalt  }
0x81: {  	_ =	shalt  }
0x82: {  	_ =	shalt  }
0x83: {  	_ =	shalt  }
0x84: {  	_ =	shalt  }
0x85: {  	_ =	shalt  }
0x86: {  	_ =	shalt  }
0x87: {  	_ =	shalt  }
.Lfunc_end0:
.L_simem_size_0:
called_computation_lowered:
.L_overlay_start_0:
0x88: {  	s2 =	sld [smem:$0x3FD9]  }
0x89: {  	s3 =	sld [smem:$0x3FFE];
	_ =	sdelay $0x1  }
0x8a: {  	s1 =	srdreg.scid  }
0x8b: {  	s0 =	sand.u32 $0x1, s1  }
0x8c: {  	s17 =	sshll.u32 s0, $0xA;
	s2 =	sadd.s32 s3, s2  }
0x8d: {  	s2 =	sadd.s32 s2, s17  }
0x8e: {  	[smem:$0x3FC2] =	sst s2  }
0x8f: {  	_ = 	snop  }
0x90: {  	s2 =	sld [smem:$0x3FD0];
	(tm) =	ssettm $0x1  }
0x91: {  	s18 =	sld [smem:$0x3FFB];
	_ =	sdelay $0x3  }
0x92: {  	_ =	strace s18  }
0x93: {  	s3 =	sld [smem:$0x3FFC];
	_ =	sdelay $0x3  }
0x94: {  	_ =	strace s3  }
0x95: {  	s3 =	sld [smem:$0x3FFD];
	_ =	sdelay $0x3  }
0x96: {  	_ =	strace s3  }
0x97: {  	_ =	strace $0x8FFFFFFF  }
0x98: {  	s19 =	sld [smem:$0x3FDB];
	_ =	sdelay $0x1  }
0x99: {  	s4 =	simm.s32 $_scs_section_size  }
0x9a: {  	s5 =	simm.s32 $_size__tile_overlayer_lowered;
	s6 =	simm.s32 $_tile_overlayer_lowered  }
0x9b: {  	s22 =	simm.s32 $0x1BFF;
	s21 =	sshll.u32 s6, $0x1;
	s3 =	sadd.s32 s4, s19  }
0x9c: {  	s7 =	simm.s32 $0x0;
	s20 =	sshll.u32 s5, $0x1;
	s5 =	sadd.s32 s21, s3  }
0x9d: {  	[timem:s7], [sflag:s22] =	dma.local [hbm:s5], s20  }
0x9e: {  	_ =	swait.ge [sflag:s22], s20  }
0x9f: {  	s4 =	ssub.s32 $0x0, s20;
	[sflag:s22] =	ssyncset.done $0x0  }
0xa0: {  	[sflag:s22] =	ssyncadd.s32 s4;
	_ =	sdelay $0x1  }
0xa1: {  	s23 =	simm.s32 $0x1B8B  }
0xa2: {  	_ =	swait.ge [sflag:s23], $0x1  }
0xa3: {  	[sflag:s23] =	ssyncset.done $0x0  }
0xa4: {  	s25 =	simm.s32 $0x1B8E;
	s24 =	sld [smem:$0x3FFE];
	[sflag:s23] =	ssyncadd.s32 $0xFFFFFFFF  }
0xa5: {  	s26 =	simm.s32 $execute0_lowered;
	[smem:$0x3FD2] =	sst s25  }
0xa6: {  	s5 =	sshll.u32 s26, $0x1;
	_ =	strace $0x80000046;
	[dreg:$0x1] =	wrdreg $0xFFFFFFFF  }
0xa7: {  	s28 =	simm.s32 $_size_execute0_lowered;
	s3 =	sadd.s32 s3, s5;
	[dreg:$0x0] =	wrdreg $0x0  }
0xa8: {  	s5 =	sshll.u32 s28, $0x1;
	[dreg:$0x2] =	wrdreg s3  }
0xa9: {  	[dreg:$0x3] =	wrdreg s5  }
0xaa: {  	[dreg:$0x4] =	wrdreg $0xC0  }
0xab: {  	_ =	task [dreg:s7], $0x5FFFF  }
0xac: {  	[dreg:$0x1] =	wrdreg $0xFFFFFFFF  }
0xad: {  	[dreg:$0x0] =	wrdreg $0x60  }
0xae: {  	[dreg:$0x2] =	wrdreg s2  }
0xaf: {  	[dreg:$0x3] =	wrdreg s24  }
0xb0: {  	[dreg:$0x4] =	wrdreg $0x54000  }
0xb1: {  	[dreg:$0x5] =	wrdreg $0x9  }
0xb2: {  	_ =	task.clear_ibuf [dreg:s7], $0x6FFFF;
	_ =	strace $0x90000046  }
0xb3: {  	s29 =	simm.s32 $0x9;
	_ =	strace $0x80000048  }
0xb4: {  	_ =	swait.ge [sflag:s29], $0x1  }
0xb5: {  	[sflag:s29] =	ssyncadd.s32 $0xFFFFFFFF  }
0xb6: {  	_ =	strace $0x90000048  }
0xb7: {  	_ =	sfence  }
0xb8: {  	s30 =	sld [smem:$0x0];
	_ =	sdelay $0x2  }
0xb9: {  	s31 =	sshll.u32 s1, $0xD;
	s1 =	sshrl.u32 s1, $0x2  }
0xba: {  	s3 =	sand.u32 $0x4000, s31;
	s1 =	sadd.s32 s1, s30  }
0xbb: {  	s0 =	sor.u32 s3, s0;
	s1 =	sshll.u32 s1, $0x11  }
0xbc: {  	s0 =	sor.u32 s1, s0  }
0xbd: {  	s0 =	sadd.s32 $0x8F2B, s0  }
0xbe: {  	[sflag:s0] =	ssyncadd.remote.s32 $0x1  }
0xbf: {  	_ =	sfence.sel $0xFFFF  }
0xc0: {  	[dreg:$0x0] =	wrdreg $0xFFFFFFFF;
	(pc) =	sbr.abs _section_cstart, $3  }
0xc1: {  	[dreg:$0x1] =	wrdreg $0xFFFFFFFF  }
0xc2: {  	_ =	task.clear_ibuf [dreg:s7], $0x2FFFF;
	_ =	strace $0x9FFFFFFF  }
0xc3: {  	(tm) =	ssettm $0x7FFFFFFF  }
tec
execute0_lowered:
.L_overlay_start_1:
0x0: {  	(tag) =	ssettag $0x1  }
0x1: {  	s0 =	rddreg [dreg:$0x0]  }
0x2: {  	s1 =	rddreg [dreg:$0x1]  }
0x3: {  	s2 =	rddreg [dreg:$0x2];
	s3 =	simm.s32 $0x0;
	s9 =	stileid.u32  }
0x4: {  	s19 =	srdreg.scid;
	s16 =	simm.s32 $0x2;
	s17 =	simm.s32 $0x1400  }
0x5: {  	s18 =	simm.s32 $0x80;
	s12 =	simm.s32 $0x100;
	s13 =	simm.s32 $0xA00  }
0x6: {  	s14 =	simm.s32 $0xA80;
	s28 =	simm.s32 $0x1100;
	s29 =	simm.s32 $0x1180  }
0x7: {  	s30 =	simm.s32 $0x1200;
	s31 =	simm.s32 $0x1280;
	s6 =	smul.u32 $0x2780, s9  }
0x8: {  	[smem:$0x7FF] =	sst s3;
	s4 =	sadd.s32 $0x3A00, s1;
	s7 =	smul.u32 $0x4F000, s9  }
0x9: {  	s5 =	sadd.s32 $0x8A00, s1;
	s8 =	sadd.s32 $0x30A00, s1;
	s10 =	smul.u32 $0x2800, s9  }
0xa: {  	s22 =	sshll.u32 s9, $0x6;
	_ =	strace $0x80000047;
	[dreg:$0x5] =	wrdreg s5  }
0xb: {  	s5 =	sand.u32 $0x1, s19;
	[dreg:$0x6] =	wrdreg s8;
	s9 =	sor.u32 $0x1C02, s22  }
0xc: {  	s8 =	simm.s32 $0xC00;
	s19 =	simm.s32 $0xD00;
	s22 =	simm.s32 $0xE80  }
0xd: {  	[dreg:$0x4] =	wrdreg s6;
	s6 =	sadd.s32 s6, s1;
	s1 =	sadd.s32 $0x58200, s1  }
0xe: {  	s20 =	ssub.s32 $0x2, s5;
	s7 =	sshrl.u32 s7, $0x2;
	s23 =	sshrl.u32 s10, $0x3  }
0xf: {  	p0 =	seq.s32 s5, $0x0;
	s5 =	simm.s32 $0xB00;
	s10 =	simm.s32 $0xC80  }
0x10: {  	[dreg:$0x7] =	wrdreg s1;
	s21 =	sshrl.u32 s20, $0x1;
	s7 =	sadd.s32 s7, s2  }
0x11: {  	s6 =	sadd.s32 $0x9200, s6;
	s24 =	sadd.s32 s4, s23;
	s25 =	sadd.s32 $0x280, s23  }
0x12: {  	s26 =	sadd.s32 s0, s23;
	s23 =	simm.s32 $0xF00;
	[dreg:$0x8] =	wrdreg s6  }
0x13: {  	s1 =	ssub.s32 s20, s21;
	[dreg:$0xa] =	wrdreg s24;
	s4 =	sadd.s32 s4, s25  }
0x14: {  	[dreg:$0xc] =	wrdreg s26;
	s0 =	sadd.s32 s0, s25;
	s15 =	sshrl.u32 s7, $0x3  }
.Ltmp0:
0x15: {  	s20 =	simm.s32 $0xD80;
	s21 =	simm.s32 $0xE00;
	(pc) =	sbr.rel .LBB2_1-.Ltmp0, $4  }
0x16: {  	s24 =	simm.s32 $0xF80;
	s25 =	simm.s32 $0x1000;
	s26 =	simm.s32 $0x1080  }
0x17: {  	s6 =	simm.s32 $0x1;
	s7 =	simm.s32 $0x0;
	[dreg:$0xb] =	wrdreg s4  }
0x18: {  	s1 =	smax.u32 s1, $0x1;
	[dreg:$0xd] =	wrdreg s0;
	s4 =	simm.s32 $0xB80  }
0x19: {  	s0 =	simm.s32 $0x1300;
	[dreg:$0x9] =	wrdreg s1;
	s1 =	simm.s32 $0x1380  }
.LBB2_11:
0x1a: {  	[sflag:s6] =	ssyncadd.s32 $0xFFFFC000;
	s11 =	rddreg [dreg:$0x6]  }
.LBB2_12:
0x1b: {  	s12 =	rddreg [dreg:$0x4]  }
0x1c: {  	[bflag:$0x0] =	sbarrier.arrive $0xFFFF;
	s11 =	sadd.s32 s11, s12  }
0x1d: {  	[hbm:s11], [sflag:s9] =	dma.local [spmem:s15], $0x2780  }
0x1e: {  	_ =	swait.ge [sflag:s16], $0x2780  }
0x1f: {  	s7 =	sadd.s32 $0x1, s7;
	s12 =	rddreg [dreg:$0x9]  }
0x20: {  	p1 =	sne.s32 s7, s12  }
.Ltmp1:
0x21: {  	_ = 	snop;
	(pc) =	sbr.rel @!p1 .LBB2_13-.Ltmp1, $3  }
0x22: {  	_ =	sdelay $0x1  }
0x23: {  	[sflag:s16] =	ssyncset.done $0x0  }
0x24: {  	[sflag:s16] =	ssyncadd.s32 $0xFFFFD880;
	s12 =	simm.s32 $0x100  }
.LBB2_1:
0x25: {  	s11 =	rddreg [dreg:$0x8]  }
0x26: {  	[spmem:s15], [sflag:s9] =	dma.local [hbm:s11], $0x2780  }
0x27: {  	_ =	swait.ge [sflag:s16], $0x2780  }
0x28: {  	[sflag:s16] =	ssyncset.done $0x0  }
0x29: {  	s11 =	rddreg [dreg:$0x5];
	[sflag:s16] =	ssyncadd.s32 $0xFFFFD880  }
0x2a: {  	[tilespmem:s17], [sflag:$0x2] =	stream.linear.gather [hbm4b:s11+s3], $0x4000, $0x38;
	[tilespmem:$0x19000] =	vst v63  }
.Ltmp2:
0x2b: {  	_ =	swait.ge [sflag:s16], $0x4000;
	(pc) =	sbr.rel @!p0 .LBB2_2-.Ltmp2, $3  }
0x2c: {  	[sflag:s16] =	ssyncset.done $0x0  }
0x2d: {  	[sflag:s16] =	ssyncadd.s32 $0xFFFFC000  }
0x2e: {  	[bflag:$0x0] =	sbarrier.arrive $0xFFFF;
	_ =	sdelay $0x1  }
0x2f: {  	s11 =	rddreg [dreg:$0xc]  }
0x30: {  	[tilespmem:s3], [sflag:$0x2] =	stream.linear.gather [hbm4b:s11+s3], $0x1400, $0x38;
	[tilespmem:$0x19000] =	vst v63  }
0x31: {  	_ =	swait.ge [sflag:s16], $0x1400  }
0x32: {  	[sflag:s16] =	ssyncset.done $0x0  }
0x33: {  	[sflag:s16] =	ssyncadd.s32 $0xFFFFEC00  }
0x34: {  	[spmem:s2] =	stream.indirect.scatter.add.f32 [tilespmem:s17], [sflag:$0x1], $0x80, s3, s18, $0xb8;
	[tilespmem:$0x19000] =	vst v63  }
0x35: {  	_ = 	snop  }
0x36: {  	[spmem:s2] =	stream.indirect.scatter.add.f32 [tilespmem:s17], [sflag:$0x1], $0x80, s18, s18, $0xb8;
	[tilespmem:$0x19000] =	vst v63  }
0x37: {  	_ = 	snop  }
0x38: {  	[spmem:s2] =	stream.indirect.scatter.add.f32 [tilespmem:s17], [sflag:$0x1], $0x80, s12, s18, $0xb8;
	[tilespmem:$0x19000] =	vst v63  }
0x39: {  	s11 =	simm.s32 $0x180  }
0x3a: {  	[spmem:s2] =	stream.indirect.scatter.add.f32 [tilespmem:s17], [sflag:$0x1], $0x80, s11, s18, $0xb8;
	[tilespmem:$0x19000] =	vst v63  }
0x3b: {  	s11 =	simm.s32 $0x200  }
0x3c: {  	[spmem:s2] =	stream.indirect.scatter.add.f32 [tilespmem:s17], [sflag:$0x1], $0x80, s11, s18, $0xb8;
	[tilespmem:$0x19000] =	vst v63  }
0x3d: {  	s11 =	simm.s32 $0x280  }
0x3e: {  	[spmem:s2] =	stream.indirect.scatter.add.f32 [tilespmem:s17], [sflag:$0x1], $0x80, s11, s18, $0xb8;
	[tilespmem:$0x19000] =	vst v63  }
0x3f: {  	s11 =	simm.s32 $0x300  }
0x40: {  	[spmem:s2] =	stream.indirect.scatter.add.f32 [tilespmem:s17], [sflag:$0x1], $0x80, s11, s18, $0xb8;
	[tilespmem:$0x19000] =	vst v63  }
0x41: {  	s11 =	simm.s32 $0x380  }
0x42: {  	[spmem:s2] =	stream.indirect.scatter.add.f32 [tilespmem:s17], [sflag:$0x1], $0x80, s11, s18, $0xb8;
	[tilespmem:$0x19000] =	vst v63  }
0x43: {  	s11 =	simm.s32 $0x400  }
0x44: {  	[spmem:s2] =	stream.indirect.scatter.add.f32 [tilespmem:s17], [sflag:$0x1], $0x80, s11, s18, $0xb8;
	[tilespmem:$0x19000] =	vst v63  }
0x45: {  	s11 =	simm.s32 $0x480  }
0x46: {  	[spmem:s2] =	stream.indirect.scatter.add.f32 [tilespmem:s17], [sflag:$0x1], $0x80, s11, s18, $0xb8;
	[tilespmem:$0x19000] =	vst v63  }
0x47: {  	s11 =	simm.s32 $0x500  }
0x48: {  	[spmem:s2] =	stream.indirect.scatter.add.f32 [tilespmem:s17], [sflag:$0x1], $0x80, s11, s18, $0xb8;
	[tilespmem:$0x19000] =	vst v63  }
0x49: {  	s11 =	simm.s32 $0x580  }
0x4a: {  	[spmem:s2] =	stream.indirect.scatter.add.f32 [tilespmem:s17], [sflag:$0x1], $0x80, s11, s18, $0xb8;
	[tilespmem:$0x19000] =	vst v63  }
0x4b: {  	s11 =	simm.s32 $0x600  }
0x4c: {  	[spmem:s2] =	stream.indirect.scatter.add.f32 [tilespmem:s17], [sflag:$0x1], $0x80, s11, s18, $0xb8;
	[tilespmem:$0x19000] =	vst v63  }
0x4d: {  	s11 =	simm.s32 $0x680  }
0x4e: {  	[spmem:s2] =	stream.indirect.scatter.add.f32 [tilespmem:s17], [sflag:$0x1], $0x80, s11, s18, $0xb8;
	[tilespmem:$0x19000] =	vst v63  }
0x4f: {  	s11 =	simm.s32 $0x700  }
0x50: {  	[spmem:s2] =	stream.indirect.scatter.add.f32 [tilespmem:s17], [sflag:$0x1], $0x80, s11, s18, $0xb8;
	[tilespmem:$0x19000] =	vst v63  }
0x51: {  	s11 =	simm.s32 $0x780  }
0x52: {  	[spmem:s2] =	stream.indirect.scatter.add.f32 [tilespmem:s17], [sflag:$0x1], $0x80, s11, s18, $0xb8;
	[tilespmem:$0x19000] =	vst v63  }
0x53: {  	s11 =	simm.s32 $0x800  }
0x54: {  	[spmem:s2] =	stream.indirect.scatter.add.f32 [tilespmem:s17], [sflag:$0x1], $0x80, s11, s18, $0xb8;
	[tilespmem:$0x19000] =	vst v63  }
0x55: {  	s11 =	simm.s32 $0x880  }
0x56: {  	[spmem:s2] =	stream.indirect.scatter.add.f32 [tilespmem:s17], [sflag:$0x1], $0x80, s11, s18, $0xb8;
	[tilespmem:$0x19000] =	vst v63  }
0x57: {  	s11 =	simm.s32 $0x900  }
0x58: {  	[spmem:s2] =	stream.indirect.scatter.add.f32 [tilespmem:s17], [sflag:$0x1], $0x80, s11, s18, $0xb8;
	[tilespmem:$0x19000] =	vst v63  }
0x59: {  	s11 =	simm.s32 $0x980  }
0x5a: {  	[spmem:s2] =	stream.indirect.scatter.add.f32 [tilespmem:s17], [sflag:$0x1], $0x80, s11, s18, $0xb8;
	[tilespmem:$0x19000] =	vst v63  }
0x5b: {  	_ = 	snop  }
0x5c: {  	[spmem:s2] =	stream.indirect.scatter.add.f32 [tilespmem:s17], [sflag:$0x1], $0x80, s13, s18, $0xb8;
	[tilespmem:$0x19000] =	vst v63  }
0x5d: {  	_ = 	snop  }
0x5e: {  	[spmem:s2] =	stream.indirect.scatter.add.f32 [tilespmem:s17], [sflag:$0x1], $0x80, s14, s18, $0xb8;
	[tilespmem:$0x19000] =	vst v63  }
0x5f: {  	_ = 	snop  }
0x60: {  	[spmem:s2] =	stream.indirect.scatter.add.f32 [tilespmem:s17], [sflag:$0x1], $0x80, s5, s18, $0xb8;
	[tilespmem:$0x19000] =	vst v63  }
0x61: {  	_ = 	snop  }
0x62: {  	[spmem:s2] =	stream.indirect.scatter.add.f32 [tilespmem:s17], [sflag:$0x1], $0x80, s4, s18, $0xb8;
	[tilespmem:$0x19000] =	vst v63  }
0x63: {  	_ = 	snop  }
0x64: {  	[spmem:s2] =	stream.indirect.scatter.add.f32 [tilespmem:s17], [sflag:$0x1], $0x80, s8, s18, $0xb8;
	[tilespmem:$0x19000] =	vst v63  }
0x65: {  	_ = 	snop  }
0x66: {  	[spmem:s2] =	stream.indirect.scatter.add.f32 [tilespmem:s17], [sflag:$0x1], $0x80, s10, s18, $0xb8;
	[tilespmem:$0x19000] =	vst v63  }
0x67: {  	_ = 	snop  }
0x68: {  	[spmem:s2] =	stream.indirect.scatter.add.f32 [tilespmem:s17], [sflag:$0x1], $0x80, s19, s18, $0xb8;
	[tilespmem:$0x19000] =	vst v63  }
0x69: {  	_ = 	snop  }
0x6a: {  	[spmem:s2] =	stream.indirect.scatter.add.f32 [tilespmem:s17], [sflag:$0x1], $0x80, s20, s18, $0xb8;
	[tilespmem:$0x19000] =	vst v63  }
0x6b: {  	_ = 	snop  }
0x6c: {  	[spmem:s2] =	stream.indirect.scatter.add.f32 [tilespmem:s17], [sflag:$0x1], $0x80, s21, s18, $0xb8;
	[tilespmem:$0x19000] =	vst v63  }
0x6d: {  	_ = 	snop  }
0x6e: {  	[spmem:s2] =	stream.indirect.scatter.add.f32 [tilespmem:s17], [sflag:$0x1], $0x80, s22, s18, $0xb8;
	[tilespmem:$0x19000] =	vst v63  }
0x6f: {  	_ = 	snop  }
0x70: {  	[spmem:s2] =	stream.indirect.scatter.add.f32 [tilespmem:s17], [sflag:$0x1], $0x80, s23, s18, $0xb8;
	[tilespmem:$0x19000] =	vst v63  }
0x71: {  	_ = 	snop  }
0x72: {  	[spmem:s2] =	stream.indirect.scatter.add.f32 [tilespmem:s17], [sflag:$0x1], $0x80, s24, s18, $0xb8;
	[tilespmem:$0x19000] =	vst v63  }
0x73: {  	_ = 	snop  }
0x74: {  	[spmem:s2] =	stream.indirect.scatter.add.f32 [tilespmem:s17], [sflag:$0x1], $0x80, s25, s18, $0xb8;
	[tilespmem:$0x19000] =	vst v63  }
0x75: {  	_ = 	snop  }
0x76: {  	[spmem:s2] =	stream.indirect.scatter.add.f32 [tilespmem:s17], [sflag:$0x1], $0x80, s26, s18, $0xb8;
	[tilespmem:$0x19000] =	vst v63  }
0x77: {  	_ = 	snop  }
0x78: {  	[spmem:s2] =	stream.indirect.scatter.add.f32 [tilespmem:s17], [sflag:$0x1], $0x80, s28, s18, $0xb8;
	[tilespmem:$0x19000] =	vst v63  }
0x79: {  	_ = 	snop  }
0x7a: {  	[spmem:s2] =	stream.indirect.scatter.add.f32 [tilespmem:s17], [sflag:$0x1], $0x80, s29, s18, $0xb8;
	[tilespmem:$0x19000] =	vst v63  }
0x7b: {  	_ = 	snop  }
0x7c: {  	[spmem:s2] =	stream.indirect.scatter.add.f32 [tilespmem:s17], [sflag:$0x1], $0x80, s30, s18, $0xb8;
	[tilespmem:$0x19000] =	vst v63  }
0x7d: {  	_ = 	snop  }
0x7e: {  	[spmem:s2] =	stream.indirect.scatter.add.f32 [tilespmem:s17], [sflag:$0x1], $0x80, s31, s18, $0xb8;
	[tilespmem:$0x19000] =	vst v63  }
0x7f: {  	_ = 	snop  }
0x80: {  	[spmem:s2] =	stream.indirect.scatter.add.f32 [tilespmem:s17], [sflag:$0x1], $0x80, s0, s18, $0xb8;
	[tilespmem:$0x19000] =	vst v63  }
0x81: {  	_ = 	snop  }
0x82: {  	[spmem:s2] =	stream.indirect.scatter.add.f32 [tilespmem:s17], [sflag:$0x1], $0x80, s1, s18, $0xb8;
	[tilespmem:$0x19000] =	vst v63  }
0x83: {  	_ =	swait.ge [sflag:s6], $0x4000  }
0x84: {  	s11 =	simm.s32 $0x27;
	[sflag:s6] =	ssyncset.done $0x0  }
.LBB2_8:
0x85: {  	p1 =	sne.s32 s11, $0x1;
	s11 =	sadd.s32 $0xFFFFFFFF, s11;
	[sflag:s6] =	ssyncadd.s32 $0xFFFFC000  }
.Ltmp3:
0x86: {  	(pc) =	sbr.rel @p1 .LBB2_8-.Ltmp3, $3  }
0x87: {  	_ =	sdelay $0x1  }
0x88: {  	_ =	swait.ge [sflag:s6], $0x4000  }
0x89: {  	[sflag:s6] =	ssyncset.done $0x0  }
0x8a: {  	[sflag:s6] =	ssyncadd.s32 $0xFFFFC000;
	s11 =	rddreg [dreg:$0xd]  }
0x8b: {  	[tilespmem:s3], [sflag:$0x2] =	stream.linear.gather [hbm4b:s11+s3], $0x1400, $0x38;
	[tilespmem:$0x19000] =	vst v63  }
0x8c: {  	_ =	swait.ge [sflag:s16], $0x1400  }
0x8d: {  	[sflag:s16] =	ssyncset.done $0x0  }
0x8e: {  	[sflag:s16] =	ssyncadd.s32 $0xFFFFEC00  }
0x8f: {  	[spmem:s2] =	stream.indirect.scatter.add.f32 [tilespmem:s17], [sflag:$0x1], $0x80, s3, s18, $0xb8;
	[tilespmem:$0x19000] =	vst v63  }
0x90: {  	_ = 	snop  }
0x91: {  	[spmem:s2] =	stream.indirect.scatter.add.f32 [tilespmem:s17], [sflag:$0x1], $0x80, s18, s18, $0xb8;
	[tilespmem:$0x19000] =	vst v63  }
0x92: {  	_ = 	snop  }
0x93: {  	[spmem:s2] =	stream.indirect.scatter.add.f32 [tilespmem:s17], [sflag:$0x1], $0x80, s12, s18, $0xb8;
	[tilespmem:$0x19000] =	vst v63  }
0x94: {  	s12 =	simm.s32 $0x180  }
0x95: {  	[spmem:s2] =	stream.indirect.scatter.add.f32 [tilespmem:s17], [sflag:$0x1], $0x80, s12, s18, $0xb8;
	[tilespmem:$0x19000] =	vst v63  }
0x96: {  	s12 =	simm.s32 $0x200  }
0x97: {  	[spmem:s2] =	stream.indirect.scatter.add.f32 [tilespmem:s17], [sflag:$0x1], $0x80, s12, s18, $0xb8;
	[tilespmem:$0x19000] =	vst v63  }
0x98: {  	s12 =	simm.s32 $0x280  }
0x99: {  	[spmem:s2] =	stream.indirect.scatter.add.f32 [tilespmem:s17], [sflag:$0x1], $0x80, s12, s18, $0xb8;
	[tilespmem:$0x19000] =	vst v63  }
0x9a: {  	s12 =	simm.s32 $0x300  }
0x9b: {  	[spmem:s2] =	stream.indirect.scatter.add.f32 [tilespmem:s17], [sflag:$0x1], $0x80, s12, s18, $0xb8;
	[tilespmem:$0x19000] =	vst v63  }
0x9c: {  	s12 =	simm.s32 $0x380  }
0x9d: {  	[spmem:s2] =	stream.indirect.scatter.add.f32 [tilespmem:s17], [sflag:$0x1], $0x80, s12, s18, $0xb8;
	[tilespmem:$0x19000] =	vst v63  }
0x9e: {  	s12 =	simm.s32 $0x400  }
0x9f: {  	[spmem:s2] =	stream.indirect.scatter.add.f32 [tilespmem:s17], [sflag:$0x1], $0x80, s12, s18, $0xb8;
	[tilespmem:$0x19000] =	vst v63  }
0xa0: {  	s12 =	simm.s32 $0x480  }
0xa1: {  	[spmem:s2] =	stream.indirect.scatter.add.f32 [tilespmem:s17], [sflag:$0x1], $0x80, s12, s18, $0xb8;
	[tilespmem:$0x19000] =	vst v63  }
0xa2: {  	s12 =	simm.s32 $0x500  }
0xa3: {  	[spmem:s2] =	stream.indirect.scatter.add.f32 [tilespmem:s17], [sflag:$0x1], $0x80, s12, s18, $0xb8;
	[tilespmem:$0x19000] =	vst v63  }
0xa4: {  	s12 =	simm.s32 $0x580  }
0xa5: {  	[spmem:s2] =	stream.indirect.scatter.add.f32 [tilespmem:s17], [sflag:$0x1], $0x80, s12, s18, $0xb8;
	[tilespmem:$0x19000] =	vst v63  }
0xa6: {  	s12 =	simm.s32 $0x600  }
0xa7: {  	[spmem:s2] =	stream.indirect.scatter.add.f32 [tilespmem:s17], [sflag:$0x1], $0x80, s12, s18, $0xb8;
	[tilespmem:$0x19000] =	vst v63  }
0xa8: {  	s12 =	simm.s32 $0x680  }
0xa9: {  	[spmem:s2] =	stream.indirect.scatter.add.f32 [tilespmem:s17], [sflag:$0x1], $0x80, s12, s18, $0xb8;
	[tilespmem:$0x19000] =	vst v63  }
0xaa: {  	s12 =	simm.s32 $0x700  }
0xab: {  	[spmem:s2] =	stream.indirect.scatter.add.f32 [tilespmem:s17], [sflag:$0x1], $0x80, s12, s18, $0xb8;
	[tilespmem:$0x19000] =	vst v63  }
0xac: {  	s12 =	simm.s32 $0x780  }
0xad: {  	[spmem:s2] =	stream.indirect.scatter.add.f32 [tilespmem:s17], [sflag:$0x1], $0x80, s12, s18, $0xb8;
	[tilespmem:$0x19000] =	vst v63  }
0xae: {  	s12 =	simm.s32 $0x800  }
0xaf: {  	[spmem:s2] =	stream.indirect.scatter.add.f32 [tilespmem:s17], [sflag:$0x1], $0x80, s12, s18, $0xb8;
	[tilespmem:$0x19000] =	vst v63  }
0xb0: {  	s12 =	simm.s32 $0x880  }
0xb1: {  	[spmem:s2] =	stream.indirect.scatter.add.f32 [tilespmem:s17], [sflag:$0x1], $0x80, s12, s18, $0xb8;
	[tilespmem:$0x19000] =	vst v63  }
0xb2: {  	s12 =	simm.s32 $0x900  }
0xb3: {  	[spmem:s2] =	stream.indirect.scatter.add.f32 [tilespmem:s17], [sflag:$0x1], $0x80, s12, s18, $0xb8;
	[tilespmem:$0x19000] =	vst v63  }
0xb4: {  	s12 =	simm.s32 $0x980  }
0xb5: {  	[spmem:s2] =	stream.indirect.scatter.add.f32 [tilespmem:s17], [sflag:$0x1], $0x80, s12, s18, $0xb8;
	[tilespmem:$0x19000] =	vst v63  }
0xb6: {  	_ = 	snop  }
0xb7: {  	[spmem:s2] =	stream.indirect.scatter.add.f32 [tilespmem:s17], [sflag:$0x1], $0x80, s13, s18, $0xb8;
	[tilespmem:$0x19000] =	vst v63  }
0xb8: {  	_ = 	snop  }
0xb9: {  	[spmem:s2] =	stream.indirect.scatter.add.f32 [tilespmem:s17], [sflag:$0x1], $0x80, s14, s18, $0xb8;
	[tilespmem:$0x19000] =	vst v63  }
0xba: {  	_ = 	snop  }
0xbb: {  	[spmem:s2] =	stream.indirect.scatter.add.f32 [tilespmem:s17], [sflag:$0x1], $0x80, s5, s18, $0xb8;
	[tilespmem:$0x19000] =	vst v63  }
0xbc: {  	_ = 	snop  }
0xbd: {  	[spmem:s2] =	stream.indirect.scatter.add.f32 [tilespmem:s17], [sflag:$0x1], $0x80, s4, s18, $0xb8;
	[tilespmem:$0x19000] =	vst v63  }
0xbe: {  	_ = 	snop  }
0xbf: {  	[spmem:s2] =	stream.indirect.scatter.add.f32 [tilespmem:s17], [sflag:$0x1], $0x80, s8, s18, $0xb8;
	[tilespmem:$0x19000] =	vst v63  }
0xc0: {  	_ = 	snop  }
0xc1: {  	[spmem:s2] =	stream.indirect.scatter.add.f32 [tilespmem:s17], [sflag:$0x1], $0x80, s10, s18, $0xb8;
	[tilespmem:$0x19000] =	vst v63  }
0xc2: {  	_ = 	snop  }
0xc3: {  	[spmem:s2] =	stream.indirect.scatter.add.f32 [tilespmem:s17], [sflag:$0x1], $0x80, s19, s18, $0xb8;
	[tilespmem:$0x19000] =	vst v63  }
0xc4: {  	_ = 	snop  }
0xc5: {  	[spmem:s2] =	stream.indirect.scatter.add.f32 [tilespmem:s17], [sflag:$0x1], $0x80, s20, s18, $0xb8;
	[tilespmem:$0x19000] =	vst v63  }
0xc6: {  	_ = 	snop  }
0xc7: {  	[spmem:s2] =	stream.indirect.scatter.add.f32 [tilespmem:s17], [sflag:$0x1], $0x80, s21, s18, $0xb8;
	[tilespmem:$0x19000] =	vst v63  }
0xc8: {  	_ = 	snop  }
0xc9: {  	[spmem:s2] =	stream.indirect.scatter.add.f32 [tilespmem:s17], [sflag:$0x1], $0x80, s22, s18, $0xb8;
	[tilespmem:$0x19000] =	vst v63  }
0xca: {  	_ = 	snop  }
0xcb: {  	[spmem:s2] =	stream.indirect.scatter.add.f32 [tilespmem:s17], [sflag:$0x1], $0x80, s23, s18, $0xb8;
	[tilespmem:$0x19000] =	vst v63  }
0xcc: {  	_ = 	snop  }
0xcd: {  	[spmem:s2] =	stream.indirect.scatter.add.f32 [tilespmem:s17], [sflag:$0x1], $0x80, s24, s18, $0xb8;
	[tilespmem:$0x19000] =	vst v63  }
0xce: {  	_ = 	snop  }
0xcf: {  	[spmem:s2] =	stream.indirect.scatter.add.f32 [tilespmem:s17], [sflag:$0x1], $0x80, s25, s18, $0xb8;
	[tilespmem:$0x19000] =	vst v63  }
0xd0: {  	_ = 	snop  }
0xd1: {  	[spmem:s2] =	stream.indirect.scatter.add.f32 [tilespmem:s17], [sflag:$0x1], $0x80, s26, s18, $0xb8;
	[tilespmem:$0x19000] =	vst v63  }
0xd2: {  	_ = 	snop  }
0xd3: {  	[spmem:s2] =	stream.indirect.scatter.add.f32 [tilespmem:s17], [sflag:$0x1], $0x80, s28, s18, $0xb8;
	[tilespmem:$0x19000] =	vst v63  }
0xd4: {  	_ = 	snop  }
0xd5: {  	[spmem:s2] =	stream.indirect.scatter.add.f32 [tilespmem:s17], [sflag:$0x1], $0x80, s29, s18, $0xb8;
	[tilespmem:$0x19000] =	vst v63  }
0xd6: {  	_ = 	snop  }
0xd7: {  	[spmem:s2] =	stream.indirect.scatter.add.f32 [tilespmem:s17], [sflag:$0x1], $0x80, s30, s18, $0xb8;
	[tilespmem:$0x19000] =	vst v63  }
0xd8: {  	_ = 	snop  }
0xd9: {  	[spmem:s2] =	stream.indirect.scatter.add.f32 [tilespmem:s17], [sflag:$0x1], $0x80, s31, s18, $0xb8;
	[tilespmem:$0x19000] =	vst v63  }
0xda: {  	_ = 	snop  }
0xdb: {  	[spmem:s2] =	stream.indirect.scatter.add.f32 [tilespmem:s17], [sflag:$0x1], $0x80, s0, s18, $0xb8;
	[tilespmem:$0x19000] =	vst v63  }
0xdc: {  	_ = 	snop  }
0xdd: {  	[spmem:s2] =	stream.indirect.scatter.add.f32 [tilespmem:s17], [sflag:$0x1], $0x80, s1, s18, $0xb8;
	[tilespmem:$0x19000] =	vst v63  }
0xde: {  	_ =	swait.ge [sflag:s6], $0x4000  }
0xdf: {  	s11 =	simm.s32 $0x27;
	[sflag:s6] =	ssyncset.done $0x0  }
.LBB2_10:
0xe0: {  	p1 =	seq.s32 s11, $0x1;
	s11 =	sadd.s32 $0xFFFFFFFF, s11;
	[sflag:s6] =	ssyncadd.s32 $0xFFFFC000  }
.Ltmp4:
0xe1: {  	(pc) =	sbr.rel @!p1 .LBB2_10-.Ltmp4, $3  }
0xe2: {  	_ =	sdelay $0x1  }
0xe3: {  	_ =	swait.ge [sflag:s6], $0x4000  }
0xe4: {  	[sflag:s6] =	ssyncset.done $0x0  }
.Ltmp5:
0xe5: {  	_ = 	snop;
	(pc) =	sbr.rel .LBB2_11-.Ltmp5, $1  }
0xe6: {  	_ =	sdelay $0x3  }
.LBB2_2:
0xe7: {  	s11 =	rddreg [dreg:$0xa]  }
0xe8: {  	[tilespmem:s3], [sflag:$0x2] =	stream.linear.gather [hbm4b:s11+s3], $0x1400, $0x38;
	[tilespmem:$0x19000] =	vst v63  }
0xe9: {  	_ =	swait.ge [sflag:s16], $0x1400  }
0xea: {  	[sflag:s16] =	ssyncset.done $0x0  }
0xeb: {  	[sflag:s16] =	ssyncadd.s32 $0xFFFFEC00  }
0xec: {  	[spmem:s2] =	stream.indirect.scatter.add.f32 [tilespmem:s17], [sflag:$0x1], $0x80, s3, s18, $0xb8;
	[tilespmem:$0x19000] =	vst v63  }
0xed: {  	_ = 	snop  }
0xee: {  	[spmem:s2] =	stream.indirect.scatter.add.f32 [tilespmem:s17], [sflag:$0x1], $0x80, s18, s18, $0xb8;
	[tilespmem:$0x19000] =	vst v63  }
0xef: {  	_ = 	snop  }
0xf0: {  	[spmem:s2] =	stream.indirect.scatter.add.f32 [tilespmem:s17], [sflag:$0x1], $0x80, s12, s18, $0xb8;
	[tilespmem:$0x19000] =	vst v63  }
0xf1: {  	s11 =	simm.s32 $0x180  }
0xf2: {  	[spmem:s2] =	stream.indirect.scatter.add.f32 [tilespmem:s17], [sflag:$0x1], $0x80, s11, s18, $0xb8;
	[tilespmem:$0x19000] =	vst v63  }
0xf3: {  	s11 =	simm.s32 $0x200  }
0xf4: {  	[spmem:s2] =	stream.indirect.scatter.add.f32 [tilespmem:s17], [sflag:$0x1], $0x80, s11, s18, $0xb8;
	[tilespmem:$0x19000] =	vst v63  }
0xf5: {  	s11 =	simm.s32 $0x280  }
0xf6: {  	[spmem:s2] =	stream.indirect.scatter.add.f32 [tilespmem:s17], [sflag:$0x1], $0x80, s11, s18, $0xb8;
	[tilespmem:$0x19000] =	vst v63  }
0xf7: {  	s11 =	simm.s32 $0x300  }
0xf8: {  	[spmem:s2] =	stream.indirect.scatter.add.f32 [tilespmem:s17], [sflag:$0x1], $0x80, s11, s18, $0xb8;
	[tilespmem:$0x19000] =	vst v63  }
0xf9: {  	s11 =	simm.s32 $0x380  }
0xfa: {  	[spmem:s2] =	stream.indirect.scatter.add.f32 [tilespmem:s17], [sflag:$0x1], $0x80, s11, s18, $0xb8;
	[tilespmem:$0x19000] =	vst v63  }
0xfb: {  	s11 =	simm.s32 $0x400  }
0xfc: {  	[spmem:s2] =	stream.indirect.scatter.add.f32 [tilespmem:s17], [sflag:$0x1], $0x80, s11, s18, $0xb8;
	[tilespmem:$0x19000] =	vst v63  }
0xfd: {  	s11 =	simm.s32 $0x480  }
0xfe: {  	[spmem:s2] =	stream.indirect.scatter.add.f32 [tilespmem:s17], [sflag:$0x1], $0x80, s11, s18, $0xb8;
	[tilespmem:$0x19000] =	vst v63  }
0xff: {  	s11 =	simm.s32 $0x500  }
0x100: {  	[spmem:s2] =	stream.indirect.scatter.add.f32 [tilespmem:s17], [sflag:$0x1], $0x80, s11, s18, $0xb8;
	[tilespmem:$0x19000] =	vst v63  }
0x101: {  	s11 =	simm.s32 $0x580  }
0x102: {  	[spmem:s2] =	stream.indirect.scatter.add.f32 [tilespmem:s17], [sflag:$0x1], $0x80, s11, s18, $0xb8;
	[tilespmem:$0x19000] =	vst v63  }
0x103: {  	s11 =	simm.s32 $0x600  }
0x104: {  	[spmem:s2] =	stream.indirect.scatter.add.f32 [tilespmem:s17], [sflag:$0x1], $0x80, s11, s18, $0xb8;
	[tilespmem:$0x19000] =	vst v63  }
0x105: {  	s11 =	simm.s32 $0x680  }
0x106: {  	[spmem:s2] =	stream.indirect.scatter.add.f32 [tilespmem:s17], [sflag:$0x1], $0x80, s11, s18, $0xb8;
	[tilespmem:$0x19000] =	vst v63  }
0x107: {  	s11 =	simm.s32 $0x700  }
0x108: {  	[spmem:s2] =	stream.indirect.scatter.add.f32 [tilespmem:s17], [sflag:$0x1], $0x80, s11, s18, $0xb8;
	[tilespmem:$0x19000] =	vst v63  }
0x109: {  	s11 =	simm.s32 $0x780  }
0x10a: {  	[spmem:s2] =	stream.indirect.scatter.add.f32 [tilespmem:s17], [sflag:$0x1], $0x80, s11, s18, $0xb8;
	[tilespmem:$0x19000] =	vst v63  }
0x10b: {  	s11 =	simm.s32 $0x800  }
0x10c: {  	[spmem:s2] =	stream.indirect.scatter.add.f32 [tilespmem:s17], [sflag:$0x1], $0x80, s11, s18, $0xb8;
	[tilespmem:$0x19000] =	vst v63  }
0x10d: {  	s11 =	simm.s32 $0x880  }
0x10e: {  	[spmem:s2] =	stream.indirect.scatter.add.f32 [tilespmem:s17], [sflag:$0x1], $0x80, s11, s18, $0xb8;
	[tilespmem:$0x19000] =	vst v63  }
0x10f: {  	s11 =	simm.s32 $0x900  }
0x110: {  	[spmem:s2] =	stream.indirect.scatter.add.f32 [tilespmem:s17], [sflag:$0x1], $0x80, s11, s18, $0xb8;
	[tilespmem:$0x19000] =	vst v63  }
0x111: {  	s11 =	simm.s32 $0x980  }
0x112: {  	[spmem:s2] =	stream.indirect.scatter.add.f32 [tilespmem:s17], [sflag:$0x1], $0x80, s11, s18, $0xb8;
	[tilespmem:$0x19000] =	vst v63  }
0x113: {  	_ = 	snop  }
0x114: {  	[spmem:s2] =	stream.indirect.scatter.add.f32 [tilespmem:s17], [sflag:$0x1], $0x80, s13, s18, $0xb8;
	[tilespmem:$0x19000] =	vst v63  }
0x115: {  	_ = 	snop  }
0x116: {  	[spmem:s2] =	stream.indirect.scatter.add.f32 [tilespmem:s17], [sflag:$0x1], $0x80, s14, s18, $0xb8;
	[tilespmem:$0x19000] =	vst v63  }
0x117: {  	_ = 	snop  }
0x118: {  	[spmem:s2] =	stream.indirect.scatter.add.f32 [tilespmem:s17], [sflag:$0x1], $0x80, s5, s18, $0xb8;
	[tilespmem:$0x19000] =	vst v63  }
0x119: {  	_ = 	snop  }
0x11a: {  	[spmem:s2] =	stream.indirect.scatter.add.f32 [tilespmem:s17], [sflag:$0x1], $0x80, s4, s18, $0xb8;
	[tilespmem:$0x19000] =	vst v63  }
0x11b: {  	_ = 	snop  }
0x11c: {  	[spmem:s2] =	stream.indirect.scatter.add.f32 [tilespmem:s17], [sflag:$0x1], $0x80, s8, s18, $0xb8;
	[tilespmem:$0x19000] =	vst v63  }
0x11d: {  	_ = 	snop  }
0x11e: {  	[spmem:s2] =	stream.indirect.scatter.add.f32 [tilespmem:s17], [sflag:$0x1], $0x80, s10, s18, $0xb8;
	[tilespmem:$0x19000] =	vst v63  }
0x11f: {  	_ = 	snop  }
0x120: {  	[spmem:s2] =	stream.indirect.scatter.add.f32 [tilespmem:s17], [sflag:$0x1], $0x80, s19, s18, $0xb8;
	[tilespmem:$0x19000] =	vst v63  }
0x121: {  	_ = 	snop  }
0x122: {  	[spmem:s2] =	stream.indirect.scatter.add.f32 [tilespmem:s17], [sflag:$0x1], $0x80, s20, s18, $0xb8;
	[tilespmem:$0x19000] =	vst v63  }
0x123: {  	_ = 	snop  }
0x124: {  	[spmem:s2] =	stream.indirect.scatter.add.f32 [tilespmem:s17], [sflag:$0x1], $0x80, s21, s18, $0xb8;
	[tilespmem:$0x19000] =	vst v63  }
0x125: {  	_ = 	snop  }
0x126: {  	[spmem:s2] =	stream.indirect.scatter.add.f32 [tilespmem:s17], [sflag:$0x1], $0x80, s22, s18, $0xb8;
	[tilespmem:$0x19000] =	vst v63  }
0x127: {  	_ = 	snop  }
0x128: {  	[spmem:s2] =	stream.indirect.scatter.add.f32 [tilespmem:s17], [sflag:$0x1], $0x80, s23, s18, $0xb8;
	[tilespmem:$0x19000] =	vst v63  }
0x129: {  	_ = 	snop  }
0x12a: {  	[spmem:s2] =	stream.indirect.scatter.add.f32 [tilespmem:s17], [sflag:$0x1], $0x80, s24, s18, $0xb8;
	[tilespmem:$0x19000] =	vst v63  }
0x12b: {  	_ = 	snop  }
0x12c: {  	[spmem:s2] =	stream.indirect.scatter.add.f32 [tilespmem:s17], [sflag:$0x1], $0x80, s25, s18, $0xb8;
	[tilespmem:$0x19000] =	vst v63  }
0x12d: {  	_ = 	snop  }
0x12e: {  	[spmem:s2] =	stream.indirect.scatter.add.f32 [tilespmem:s17], [sflag:$0x1], $0x80, s26, s18, $0xb8;
	[tilespmem:$0x19000] =	vst v63  }
0x12f: {  	_ = 	snop  }
0x130: {  	[spmem:s2] =	stream.indirect.scatter.add.f32 [tilespmem:s17], [sflag:$0x1], $0x80, s28, s18, $0xb8;
	[tilespmem:$0x19000] =	vst v63  }
0x131: {  	_ = 	snop  }
0x132: {  	[spmem:s2] =	stream.indirect.scatter.add.f32 [tilespmem:s17], [sflag:$0x1], $0x80, s29, s18, $0xb8;
	[tilespmem:$0x19000] =	vst v63  }
0x133: {  	_ = 	snop  }
0x134: {  	[spmem:s2] =	stream.indirect.scatter.add.f32 [tilespmem:s17], [sflag:$0x1], $0x80, s30, s18, $0xb8;
	[tilespmem:$0x19000] =	vst v63  }
0x135: {  	_ = 	snop  }
0x136: {  	[spmem:s2] =	stream.indirect.scatter.add.f32 [tilespmem:s17], [sflag:$0x1], $0x80, s31, s18, $0xb8;
	[tilespmem:$0x19000] =	vst v63  }
0x137: {  	_ = 	snop  }
0x138: {  	[spmem:s2] =	stream.indirect.scatter.add.f32 [tilespmem:s17], [sflag:$0x1], $0x80, s0, s18, $0xb8;
	[tilespmem:$0x19000] =	vst v63  }
0x139: {  	_ = 	snop  }
0x13a: {  	[spmem:s2] =	stream.indirect.scatter.add.f32 [tilespmem:s17], [sflag:$0x1], $0x80, s1, s18, $0xb8;
	[tilespmem:$0x19000] =	vst v63  }
0x13b: {  	_ =	swait.ge [sflag:s6], $0x4000  }
0x13c: {  	s11 =	simm.s32 $0x27;
	[sflag:s6] =	ssyncset.done $0x0  }
.LBB2_3:
0x13d: {  	p1 =	sne.s32 s11, $0x1;
	s11 =	sadd.s32 $0xFFFFFFFF, s11;
	[sflag:s6] =	ssyncadd.s32 $0xFFFFC000  }
.Ltmp6:
0x13e: {  	(pc) =	sbr.rel @p1 .LBB2_3-.Ltmp6, $3  }
0x13f: {  	_ =	sdelay $0x1  }
0x140: {  	_ =	swait.ge [sflag:s6], $0x4000  }
0x141: {  	[sflag:s6] =	ssyncset.done $0x0  }
0x142: {  	[sflag:s6] =	ssyncadd.s32 $0xFFFFC000;
	s11 =	rddreg [dreg:$0xb]  }
0x143: {  	[tilespmem:s3], [sflag:$0x2] =	stream.linear.gather [hbm4b:s11+s3], $0x1400, $0x38;
	[tilespmem:$0x19000] =	vst v63  }
0x144: {  	_ =	swait.ge [sflag:s16], $0x1400  }
0x145: {  	[sflag:s16] =	ssyncset.done $0x0  }
0x146: {  	[sflag:s16] =	ssyncadd.s32 $0xFFFFEC00  }
0x147: {  	[spmem:s2] =	stream.indirect.scatter.add.f32 [tilespmem:s17], [sflag:$0x1], $0x80, s3, s18, $0xb8;
	[tilespmem:$0x19000] =	vst v63  }
0x148: {  	_ = 	snop  }
0x149: {  	[spmem:s2] =	stream.indirect.scatter.add.f32 [tilespmem:s17], [sflag:$0x1], $0x80, s18, s18, $0xb8;
	[tilespmem:$0x19000] =	vst v63  }
0x14a: {  	_ = 	snop  }
0x14b: {  	[spmem:s2] =	stream.indirect.scatter.add.f32 [tilespmem:s17], [sflag:$0x1], $0x80, s12, s18, $0xb8;
	[tilespmem:$0x19000] =	vst v63  }
0x14c: {  	s12 =	simm.s32 $0x180  }
0x14d: {  	[spmem:s2] =	stream.indirect.scatter.add.f32 [tilespmem:s17], [sflag:$0x1], $0x80, s12, s18, $0xb8;
	[tilespmem:$0x19000] =	vst v63  }
0x14e: {  	s12 =	simm.s32 $0x200  }
0x14f: {  	[spmem:s2] =	stream.indirect.scatter.add.f32 [tilespmem:s17], [sflag:$0x1], $0x80, s12, s18, $0xb8;
	[tilespmem:$0x19000] =	vst v63  }
0x150: {  	s12 =	simm.s32 $0x280  }
0x151: {  	[spmem:s2] =	stream.indirect.scatter.add.f32 [tilespmem:s17], [sflag:$0x1], $0x80, s12, s18, $0xb8;
	[tilespmem:$0x19000] =	vst v63  }
0x152: {  	s12 =	simm.s32 $0x300  }
0x153: {  	[spmem:s2] =	stream.indirect.scatter.add.f32 [tilespmem:s17], [sflag:$0x1], $0x80, s12, s18, $0xb8;
	[tilespmem:$0x19000] =	vst v63  }
0x154: {  	s12 =	simm.s32 $0x380  }
0x155: {  	[spmem:s2] =	stream.indirect.scatter.add.f32 [tilespmem:s17], [sflag:$0x1], $0x80, s12, s18, $0xb8;
	[tilespmem:$0x19000] =	vst v63  }
0x156: {  	s12 =	simm.s32 $0x400  }
0x157: {  	[spmem:s2] =	stream.indirect.scatter.add.f32 [tilespmem:s17], [sflag:$0x1], $0x80, s12, s18, $0xb8;
	[tilespmem:$0x19000] =	vst v63  }
0x158: {  	s12 =	simm.s32 $0x480  }
0x159: {  	[spmem:s2] =	stream.indirect.scatter.add.f32 [tilespmem:s17], [sflag:$0x1], $0x80, s12, s18, $0xb8;
	[tilespmem:$0x19000] =	vst v63  }
0x15a: {  	s12 =	simm.s32 $0x500  }
0x15b: {  	[spmem:s2] =	stream.indirect.scatter.add.f32 [tilespmem:s17], [sflag:$0x1], $0x80, s12, s18, $0xb8;
	[tilespmem:$0x19000] =	vst v63  }
0x15c: {  	s12 =	simm.s32 $0x580  }
0x15d: {  	[spmem:s2] =	stream.indirect.scatter.add.f32 [tilespmem:s17], [sflag:$0x1], $0x80, s12, s18, $0xb8;
	[tilespmem:$0x19000] =	vst v63  }
0x15e: {  	s12 =	simm.s32 $0x600  }
0x15f: {  	[spmem:s2] =	stream.indirect.scatter.add.f32 [tilespmem:s17], [sflag:$0x1], $0x80, s12, s18, $0xb8;
	[tilespmem:$0x19000] =	vst v63  }
0x160: {  	s12 =	simm.s32 $0x680  }
0x161: {  	[spmem:s2] =	stream.indirect.scatter.add.f32 [tilespmem:s17], [sflag:$0x1], $0x80, s12, s18, $0xb8;
	[tilespmem:$0x19000] =	vst v63  }
0x162: {  	s12 =	simm.s32 $0x700  }
0x163: {  	[spmem:s2] =	stream.indirect.scatter.add.f32 [tilespmem:s17], [sflag:$0x1], $0x80, s12, s18, $0xb8;
	[tilespmem:$0x19000] =	vst v63  }
0x164: {  	s12 =	simm.s32 $0x780  }
0x165: {  	[spmem:s2] =	stream.indirect.scatter.add.f32 [tilespmem:s17], [sflag:$0x1], $0x80, s12, s18, $0xb8;
	[tilespmem:$0x19000] =	vst v63  }
0x166: {  	s12 =	simm.s32 $0x800  }
0x167: {  	[spmem:s2] =	stream.indirect.scatter.add.f32 [tilespmem:s17], [sflag:$0x1], $0x80, s12, s18, $0xb8;
	[tilespmem:$0x19000] =	vst v63  }
0x168: {  	s12 =	simm.s32 $0x880  }
0x169: {  	[spmem:s2] =	stream.indirect.scatter.add.f32 [tilespmem:s17], [sflag:$0x1], $0x80, s12, s18, $0xb8;
	[tilespmem:$0x19000] =	vst v63  }
0x16a: {  	s12 =	simm.s32 $0x900  }
0x16b: {  	[spmem:s2] =	stream.indirect.scatter.add.f32 [tilespmem:s17], [sflag:$0x1], $0x80, s12, s18, $0xb8;
	[tilespmem:$0x19000] =	vst v63  }
0x16c: {  	s12 =	simm.s32 $0x980  }
0x16d: {  	[spmem:s2] =	stream.indirect.scatter.add.f32 [tilespmem:s17], [sflag:$0x1], $0x80, s12, s18, $0xb8;
	[tilespmem:$0x19000] =	vst v63  }
0x16e: {  	_ = 	snop  }
0x16f: {  	[spmem:s2] =	stream.indirect.scatter.add.f32 [tilespmem:s17], [sflag:$0x1], $0x80, s13, s18, $0xb8;
	[tilespmem:$0x19000] =	vst v63  }
0x170: {  	_ = 	snop  }
0x171: {  	[spmem:s2] =	stream.indirect.scatter.add.f32 [tilespmem:s17], [sflag:$0x1], $0x80, s14, s18, $0xb8;
	[tilespmem:$0x19000] =	vst v63  }
0x172: {  	_ = 	snop  }
0x173: {  	[spmem:s2] =	stream.indirect.scatter.add.f32 [tilespmem:s17], [sflag:$0x1], $0x80, s5, s18, $0xb8;
	[tilespmem:$0x19000] =	vst v63  }
0x174: {  	_ = 	snop  }
0x175: {  	[spmem:s2] =	stream.indirect.scatter.add.f32 [tilespmem:s17], [sflag:$0x1], $0x80, s4, s18, $0xb8;
	[tilespmem:$0x19000] =	vst v63  }
0x176: {  	_ = 	snop  }
0x177: {  	[spmem:s2] =	stream.indirect.scatter.add.f32 [tilespmem:s17], [sflag:$0x1], $0x80, s8, s18, $0xb8;
	[tilespmem:$0x19000] =	vst v63  }
0x178: {  	_ = 	snop  }
0x179: {  	[spmem:s2] =	stream.indirect.scatter.add.f32 [tilespmem:s17], [sflag:$0x1], $0x80, s10, s18, $0xb8;
	[tilespmem:$0x19000] =	vst v63  }
0x17a: {  	_ = 	snop  }
0x17b: {  	[spmem:s2] =	stream.indirect.scatter.add.f32 [tilespmem:s17], [sflag:$0x1], $0x80, s19, s18, $0xb8;
	[tilespmem:$0x19000] =	vst v63  }
0x17c: {  	_ = 	snop  }
0x17d: {  	[spmem:s2] =	stream.indirect.scatter.add.f32 [tilespmem:s17], [sflag:$0x1], $0x80, s20, s18, $0xb8;
	[tilespmem:$0x19000] =	vst v63  }
0x17e: {  	_ = 	snop  }
0x17f: {  	[spmem:s2] =	stream.indirect.scatter.add.f32 [tilespmem:s17], [sflag:$0x1], $0x80, s21, s18, $0xb8;
	[tilespmem:$0x19000] =	vst v63  }
0x180: {  	_ = 	snop  }
0x181: {  	[spmem:s2] =	stream.indirect.scatter.add.f32 [tilespmem:s17], [sflag:$0x1], $0x80, s22, s18, $0xb8;
	[tilespmem:$0x19000] =	vst v63  }
0x182: {  	_ = 	snop  }
0x183: {  	[spmem:s2] =	stream.indirect.scatter.add.f32 [tilespmem:s17], [sflag:$0x1], $0x80, s23, s18, $0xb8;
	[tilespmem:$0x19000] =	vst v63  }
0x184: {  	_ = 	snop  }
0x185: {  	[spmem:s2] =	stream.indirect.scatter.add.f32 [tilespmem:s17], [sflag:$0x1], $0x80, s24, s18, $0xb8;
	[tilespmem:$0x19000] =	vst v63  }
0x186: {  	_ = 	snop  }
0x187: {  	[spmem:s2] =	stream.indirect.scatter.add.f32 [tilespmem:s17], [sflag:$0x1], $0x80, s25, s18, $0xb8;
	[tilespmem:$0x19000] =	vst v63  }
0x188: {  	_ = 	snop  }
0x189: {  	[spmem:s2] =	stream.indirect.scatter.add.f32 [tilespmem:s17], [sflag:$0x1], $0x80, s26, s18, $0xb8;
	[tilespmem:$0x19000] =	vst v63  }
0x18a: {  	_ = 	snop  }
0x18b: {  	[spmem:s2] =	stream.indirect.scatter.add.f32 [tilespmem:s17], [sflag:$0x1], $0x80, s28, s18, $0xb8;
	[tilespmem:$0x19000] =	vst v63  }
0x18c: {  	_ = 	snop  }
0x18d: {  	[spmem:s2] =	stream.indirect.scatter.add.f32 [tilespmem:s17], [sflag:$0x1], $0x80, s29, s18, $0xb8;
	[tilespmem:$0x19000] =	vst v63  }
0x18e: {  	_ = 	snop  }
0x18f: {  	[spmem:s2] =	stream.indirect.scatter.add.f32 [tilespmem:s17], [sflag:$0x1], $0x80, s30, s18, $0xb8;
	[tilespmem:$0x19000] =	vst v63  }
0x190: {  	_ = 	snop  }
0x191: {  	[spmem:s2] =	stream.indirect.scatter.add.f32 [tilespmem:s17], [sflag:$0x1], $0x80, s31, s18, $0xb8;
	[tilespmem:$0x19000] =	vst v63  }
0x192: {  	_ = 	snop  }
0x193: {  	[spmem:s2] =	stream.indirect.scatter.add.f32 [tilespmem:s17], [sflag:$0x1], $0x80, s0, s18, $0xb8;
	[tilespmem:$0x19000] =	vst v63  }
0x194: {  	_ = 	snop  }
0x195: {  	[spmem:s2] =	stream.indirect.scatter.add.f32 [tilespmem:s17], [sflag:$0x1], $0x80, s1, s18, $0xb8;
	[tilespmem:$0x19000] =	vst v63  }
0x196: {  	_ =	swait.ge [sflag:s6], $0x4000  }
0x197: {  	s11 =	simm.s32 $0x27;
	[sflag:s6] =	ssyncset.done $0x0  }
.LBB2_5:
0x198: {  	p1 =	sne.s32 s11, $0x1;
	s11 =	sadd.s32 $0xFFFFFFFF, s11;
	[sflag:s6] =	ssyncadd.s32 $0xFFFFC000  }
.Ltmp7:
0x199: {  	(pc) =	sbr.rel @p1 .LBB2_5-.Ltmp7, $3  }
0x19a: {  	_ =	sdelay $0x1  }
0x19b: {  	_ =	swait.ge [sflag:s6], $0x4000  }
0x19c: {  	[sflag:s6] =	ssyncset.done $0x0  }
.Ltmp8:
0x19d: {  	(pc) =	sbr.rel .LBB2_12-.Ltmp8, $2  }
0x19e: {  	_ =	sdelay $0x2  }
0x19f: {  	[sflag:s6] =	ssyncadd.s32 $0xFFFFC000;
	s11 =	rddreg [dreg:$0x7]  }
.LBB2_13:
0x1a0: {  	_ =	sfence.sel $0x180000  }
0x1a1: {  	[bflag:$0x0] =	sbarrier.arrive $0xFFFF  }
0x1a2: {  	_ =	strace $0x90000047  }
0x1a3: {  	s0 =	stileid.u32;
	[bflag:$0x2] =	sbarrier.arrive $0xFFFF  }
0x1a4: {  	p0 =	sne.s32 s0, $0x0;
	s0 =	rddreg [dreg:$0x3]  }
0x1a5: {  	s0 =	sadd.s32 @!p0 $0x100000, s0  }
0x1a6: {  	[sflag:s0] =	ssyncadd.tile.s32 @!p0 $0x1;
	_ =	shalt  }
.Lfunc_end2:
_tile_overlayer_lowered:
.L_overlay_start_2:
0x1a7: {  	(tag) =	ssettag $0x2  }
0x1a8: {  	s0 =	rddreg [dreg:$0x0];
	s2 =	stileid.u32  }
0x1a9: {  	s1 =	rddreg [dreg:$0x1];
	p0 =	sne.s32 s2, $0x0  }
0x1aa: {  	s3 =	rddreg [dreg:$0x2];
	[bflag:$0x3] =	sbarrier.arrive $0xFFFF;
	s2 =	simm.s32 @!p0 $0x1C02  }
0x1ab: {  	[timem:s3], [sflag:s2] =	dma.local @!p0 [hbm:s0], s1  }
0x1ac: {  	s0 =	simm.s32 @!p0 $0x2  }
0x1ad: {  	_ =	swait.ge @!p0 [sflag:s0], s1  }
0x1ae: {  	s1 =	ssub.s32 @!p0 $0x0, s1;
	[sflag:s0] =	ssyncset.done @!p0 $0x0  }
0x1af: {  	[sflag:s0] =	ssyncadd.s32 @!p0 s1  }
0x1b0: {  	[bflag:$0x3] =	sbarrier.arrive $0xFFFF  }
0x1b1: {  	_ =	shalt  }

</sc_bundles>
